<compile_context>
chip_gen: v7x
topology: tpu7x:2x2x1
jax: 0.10.2.dev20260603
libtpu: 0.0.44.dev20260713+nightly
codegen_flags: <defaults>
</compile_context>

<pallas_src>
import functools

import jax
import jax.numpy as jnp
from jax import lax
from jax.experimental import pallas as pl
from jax.experimental.pallas import tpu as pltpu
from jax.experimental.pallas import tpu_sc as plsc

NC = 2
NS = 16
L = 16
NW = NC * NS

BATCH = 16384
D = 32
V = 1_000_000
B_PER_W = BATCH // NW


def _gmf_sc(uid, iid, ut_t, it_t):
    mesh = plsc.VectorSubcoreMesh(core_axis_name="c", subcore_axis_name="s")

    @functools.partial(
        pl.kernel,
        mesh=mesh,
        out_type=jax.ShapeDtypeStruct((D, BATCH), jnp.float32),
        compiler_params=pltpu.CompilerParams(needs_layout_passes=False),
        scratch_types=[
            pltpu.VMEM((B_PER_W,), jnp.int32),
            pltpu.VMEM((B_PER_W,), jnp.int32),
            pltpu.VMEM((3 * 4, D, 128), jnp.float32),
            pltpu.VMEM((3 * 4, D, 128), jnp.float32),
            pltpu.VMEM((D, B_PER_W), jnp.float32),
            pltpu.SemaphoreType.DMA,
            pltpu.SemaphoreType.DMA,
        ],
    )
    def k(uid_hbm, iid_hbm, ut_hbm, it_hbm, out_hbm,
          uloc, iloc, ublk, iblk, obuf, usem, isem):
        wid = lax.axis_index("s") * NC + lax.axis_index("c")
        b0 = wid * B_PER_W

        pltpu.sync_copy(uid_hbm.at[pl.ds(b0, B_PER_W)], uloc)
        pltpu.sync_copy(iid_hbm.at[pl.ds(b0, B_PER_W)], iloc)

        rows_lo = lax.iota(jnp.int32, L)
        rows_hi = rows_lo + L

        SB = 4

        def step(g, carry):
            vu = uloc[pl.ds(g * L, L)]
            vi = iloc[pl.ds(g * L, L)]
            tu = vu >> 7
            wu = vu & 127
            ti = vi >> 7
            wi = vi & 127
            cps = {}

            def fire(h):
                lst = []
                for j in range(SB):
                    jj = h * SB + j
                    slot = (h % 3) * SB + j
                    lst.append(pltpu.async_copy(
                        ut_hbm.at[:, pl.ds(tu[jj] * 128, 128)],
                        ublk.at[slot], usem))
                    lst.append(pltpu.async_copy(
                        it_hbm.at[:, pl.ds(ti[jj] * 128, 128)],
                        iblk.at[slot], isem))
                cps[h] = lst

            fire(0)
            fire(1)
            for h in range(L // SB):
                if h < L // SB - 2:
                    fire(h + 2)
                for cp in cps[h]:
                    cp.wait()
                for j in range(SB):
                    jj = h * SB + j
                    slot = (h % 3) * SB + j
                    b = g * L + jj
                    bcol = jnp.full((L,), b, jnp.int32)
                    wub = jnp.full((L,), wu[jj], jnp.int32)
                    wib = jnp.full((L,), wi[jj], jnp.int32)
                    for rows in (rows_lo, rows_hi):
                        uv = plsc.load_gather(ublk.at[slot], [rows, wub])
                        iv = plsc.load_gather(iblk.at[slot], [rows, wib])
                        plsc.store_scatter(obuf, [rows, bcol], uv * iv)
            return carry

        lax.fori_loop(0, B_PER_W // L, step, 0)

        pltpu.sync_copy(obuf, out_hbm.at[:, pl.ds(b0, B_PER_W)])

    return k(uid, iid, ut_t, it_t)


def kernel(user_ids, item_ids, user_table, item_table):
    uid = user_ids.astype(jnp.int32)
    iid = item_ids.astype(jnp.int32)
    out_t = _gmf_sc(uid, iid, user_table.T, item_table.T)
    return out_t.T

# --- scband reference (transcript-rebuilt; emitter-appended) ---
"""Pipeline reference for scband-gmf-76587856822975 (READ-ONLY COPY).

The authoritative reference and input builder live on the scoring server;
editing this copy changes nothing except your own understanding.
"""

import jax, jax.numpy as jnp
import numpy as np

NUM_USERS = 1000000
NUM_ITEMS = 1000000
EMBED_DIM = 32
BATCH = 16384

def setup_inputs(seed: int = 0) -> dict:
    key = jax.random.key(seed)
    k1, k2, k3, k4 = jax.random.split(key, 4)
    user_ids = jax.random.randint(k1, (BATCH,), 0, NUM_USERS, dtype=jnp.int64 if jax.config.jax_enable_x64 else jnp.int32)
    item_ids = jax.random.randint(k2, (BATCH,), 0, NUM_ITEMS, dtype=jnp.int64 if jax.config.jax_enable_x64 else jnp.int32)
    user_table = jax.random.normal(k3, (NUM_USERS, EMBED_DIM), dtype=jnp.float32)
    item_table = jax.random.normal(k4, (NUM_ITEMS, EMBED_DIM), dtype=jnp.float32)
    return {"user_ids": user_ids, "item_ids": item_ids, "user_table": user_table, "item_table": item_table}

def reference(user_ids, item_ids, user_table, item_table):
    user_emb = jnp.take(user_table, user_ids, axis=0)
    item_emb = jnp.take(item_table, item_ids, axis=0)
    return user_emb * item_emb

if __name__ == "__main__":
    import jax
    _d = setup_inputs()
    print(jax.jit(kernel)(*tuple(_d.values())))

</pallas_src>

<mosaic_0001>
#map = affine_map<(d0, d1) -> (0)>
#map1 = affine_map<(d0, d1) -> (0, 0)>
module attributes {stable_mosaic.version = 14 : i64} {
  func.func @k(%arg0: i32, %arg1: i32, %arg2: memref<16384xi32, #tpu.memory_space<hbm>>, %arg3: memref<16384xi32, #tpu.memory_space<hbm>>, %arg4: memref<32x1000000xf32, #tpu.memory_space<hbm>>, %arg5: memref<32x1000000xf32, #tpu.memory_space<hbm>>, %arg6: memref<32x16384xf32, #tpu.memory_space<hbm>>, %arg7: memref<512xi32, #tpu.memory_space<vmem>>, %arg8: memref<512xi32, #tpu.memory_space<vmem>>, %arg9: memref<12x32x128xf32, #tpu.memory_space<vmem>>, %arg10: memref<12x32x128xf32, #tpu.memory_space<vmem>>, %arg11: memref<32x512xf32, #tpu.memory_space<vmem>>, %arg12: memref<!tpu.dma_semaphore, #tpu.memory_space<semaphore_mem>>, %arg13: memref<!tpu.dma_semaphore, #tpu.memory_space<semaphore_mem>>) attributes {dimension_semantics = [#tpu.dimension_semantics<core_parallel>, #tpu.dimension_semantics<subcore_parallel>], iteration_bounds = array<i64: 2, 16>, scalar_prefetch = 0 : i64, scratch_operands = 7 : i64, tpu.core_type = #tpu.core_type<sc_vector_subcore>, window_params = [{transform_indices = #map}, {transform_indices = #map}, {transform_indices = #map1}, {transform_indices = #map1}, {transform_indices = #map1}]} {
    %mul3A = arith.constant 2 : i32
    %mul3A_0 = arith.muli %arg1, %mul3A : i32
    %add3A = arith.addi %mul3A_0, %arg0 : i32
    %mul3A_1 = arith.constant 512 : i32
    %mul3A_2 = arith.muli %add3A, %mul3A_1 : i32
    "tpu.region"() ({
      %run_scoped3A = tpu.sem_alloc : memref<!tpu.dma_semaphore, #tpu.memory_space<semaphore_mem>>
      %dma_start3A = tpu.memref_slice %arg2[%mul3A_2] : memref<16384xi32, #tpu.memory_space<hbm>> -> memref<512xi32, #tpu.memory_space<hbm>>
      %dma_start3A_11 = tpu.memref_slice %arg2[%mul3A_2] : memref<16384xi32, #tpu.memory_space<hbm>> -> memref<512xi32, #tpu.memory_space<hbm>>
      tpu.enqueue_dma source(%dma_start3A_11 : memref<512xi32, #tpu.memory_space<hbm>>) target(%arg7 : memref<512xi32, #tpu.memory_space<vmem>>) target_semaphore(%run_scoped3A : memref<!tpu.dma_semaphore, #tpu.memory_space<semaphore_mem>>)
      %dma_wait3A = tpu.memref_slice %arg2[%mul3A_2] : memref<16384xi32, #tpu.memory_space<hbm>> -> memref<512xi32, #tpu.memory_space<hbm>>
      %dma_wait3A_12 = tpu.memref_slice %arg2[%mul3A_2] : memref<16384xi32, #tpu.memory_space<hbm>> -> memref<512xi32, #tpu.memory_space<hbm>>
      tpu.wait_dma2 semaphore(%run_scoped3A : memref<!tpu.dma_semaphore, #tpu.memory_space<semaphore_mem>>) src(%dma_wait3A_12 : memref<512xi32, #tpu.memory_space<hbm>>) dst(%arg7 : memref<512xi32, #tpu.memory_space<vmem>>)
      tpu.yield
    }) : () -> ()
    "tpu.region"() ({
      %run_scoped3A = tpu.sem_alloc : memref<!tpu.dma_semaphore, #tpu.memory_space<semaphore_mem>>
      %dma_start3A = tpu.memref_slice %arg3[%mul3A_2] : memref<16384xi32, #tpu.memory_space<hbm>> -> memref<512xi32, #tpu.memory_space<hbm>>
      %dma_start3A_11 = tpu.memref_slice %arg3[%mul3A_2] : memref<16384xi32, #tpu.memory_space<hbm>> -> memref<512xi32, #tpu.memory_space<hbm>>
      tpu.enqueue_dma source(%dma_start3A_11 : memref<512xi32, #tpu.memory_space<hbm>>) target(%arg8 : memref<512xi32, #tpu.memory_space<vmem>>) target_semaphore(%run_scoped3A : memref<!tpu.dma_semaphore, #tpu.memory_space<semaphore_mem>>)
      %dma_wait3A = tpu.memref_slice %arg3[%mul3A_2] : memref<16384xi32, #tpu.memory_space<hbm>> -> memref<512xi32, #tpu.memory_space<hbm>>
      %dma_wait3A_12 = tpu.memref_slice %arg3[%mul3A_2] : memref<16384xi32, #tpu.memory_space<hbm>> -> memref<512xi32, #tpu.memory_space<hbm>>
      tpu.wait_dma2 semaphore(%run_scoped3A : memref<!tpu.dma_semaphore, #tpu.memory_space<semaphore_mem>>) src(%dma_wait3A_12 : memref<512xi32, #tpu.memory_space<hbm>>) dst(%arg8 : memref<512xi32, #tpu.memory_space<vmem>>)
      tpu.yield
    }) : () -> ()
    %iota3A = tpu.iota {dimensions = array<i32: 0>} : vector<16xi32>
    %add3A_3 = arith.constant 16 : i32
    %add3A_4 = vector.broadcast %add3A_3 : i32 to vector<16xi32>
    %add3A_5 = arith.addi %iota3A, %add3A_4 : vector<16xi32>
    %scan3A = arith.constant 0 : i32
    %scan3A_6 = arith.constant 0 : i32
    %scan3A_7 = arith.constant 32 : i32
    %scan3A_8 = arith.addi %scan3A_6, %scan3A_7 : i32
    %scan3A_9 = arith.constant 1 : i32
    scf.for %scan3A_11 = %scan3A_6 to %scan3A_8 step %scan3A_9  : i32 {
      %mul3A_12 = arith.constant 16 : i32
      %mul3A_13 = arith.muli %scan3A_11, %mul3A_12 : i32
      %get3A = arith.index_cast %mul3A_13 : i32 to index
      %get3A_14 = tpu.vector_load %arg7[%get3A] {strides = array<i32>} : memref<512xi32, #tpu.memory_space<vmem>>, vector<16xi32>,
      %mul3A_15 = arith.constant 16 : i32
      %mul3A_16 = arith.muli %scan3A_11, %mul3A_15 : i32
      %get3A_17 = arith.index_cast %mul3A_16 : i32 to index
      %get3A_18 = tpu.vector_load %arg8[%get3A_17] {strides = array<i32>} : memref<512xi32, #tpu.memory_space<vmem>>, vector<16xi32>,
      %shift_right_arithmetic3A = arith.constant 7 : i32
      %shift_right_arithmetic3A_19 = vector.broadcast %shift_right_arithmetic3A : i32 to vector<16xi32>
      %shift_right_arithmetic3A_20 = arith.shrsi %get3A_14, %shift_right_arithmetic3A_19 : vector<16xi32>
      %and3A = arith.constant 127 : i32
      %and3A_21 = vector.broadcast %and3A : i32 to vector<16xi32>
      %and3A_22 = arith.andi %get3A_14, %and3A_21 : vector<16xi32>
      %shift_right_arithmetic3A_23 = arith.constant 7 : i32
      %shift_right_arithmetic3A_24 = vector.broadcast %shift_right_arithmetic3A_23 : i32 to vector<16xi32>
      %shift_right_arithmetic3A_25 = arith.shrsi %get3A_18, %shift_right_arithmetic3A_24 : vector<16xi32>
      %and3A_26 = arith.constant 127 : i32
      %and3A_27 = vector.broadcast %and3A_26 : i32 to vector<16xi32>
      %and3A_28 = arith.andi %get3A_18, %and3A_27 : vector<16xi32>
      %slice3A = vector.extract_strided_slice %shift_right_arithmetic3A_20 {offsets = [0], sizes = [1], strides = [1]} : vector<16xi32> to vector<1xi32>
      %squeeze3A = vector.extract %slice3A[0] : i32 from vector<1xi32>
      %mul3A_29 = arith.constant 128 : i32
      %mul3A_30 = arith.muli %squeeze3A, %mul3A_29 : i32
      %dma_start3A = arith.constant 0 : i32
      %dma_start3A_31 = arith.constant 0 : i32
      %dma_start3A_32 = arith.constant 0 : i32
      %dma_start3A_33 = tpu.memref_slice %arg9[%dma_start3A, %dma_start3A_31, %dma_start3A_32] : memref<12x32x128xf32, #tpu.memory_space<vmem>> -> memref<1x32x128xf32, #tpu.memory_space<vmem>>
      %dma_start3A_34 = tpu.memref_squeeze %dma_start3A_33 : memref<1x32x128xf32, #tpu.memory_space<vmem>> -> memref<32x128xf32, #tpu.memory_space<vmem>>
      %dma_start3A_35 = arith.constant 0 : i32
      %dma_start3A_36 = tpu.memref_slice %arg4[%dma_start3A_35, %mul3A_30] : memref<32x1000000xf32, #tpu.memory_space<hbm>> -> memref<32x128xf32, #tpu.memory_space<hbm>>
      %dma_start3A_37 = arith.constant 0 : i32
      %dma_start3A_38 = arith.constant 0 : i32
      %dma_start3A_39 = tpu.memref_slice %arg9[%dma_start3A, %dma_start3A_37, %dma_start3A_38] : memref<12x32x128xf32, #tpu.memory_space<vmem>> -> memref<1x32x128xf32, #tpu.memory_space<vmem>>
      %dma_start3A_40 = tpu.memref_squeeze %dma_start3A_39 : memref<1x32x128xf32, #tpu.memory_space<vmem>> -> memref<32x128xf32, #tpu.memory_space<vmem>>
      %dma_start3A_41 = arith.constant 0 : i32
      %dma_start3A_42 = tpu.memref_slice %arg4[%dma_start3A_41, %mul3A_30] : memref<32x1000000xf32, #tpu.memory_space<hbm>> -> memref<32x128xf32, #tpu.memory_space<hbm>>
      tpu.enqueue_dma source(%dma_start3A_42 : memref<32x128xf32, #tpu.memory_space<hbm>>) target(%dma_start3A_40 : memref<32x128xf32, #tpu.memory_space<vmem>>) target_semaphore(%arg12 : memref<!tpu.dma_semaphore, #tpu.memory_space<semaphore_mem>>)
      %slice3A_43 = vector.extract_strided_slice %shift_right_arithmetic3A_25 {offsets = [0], sizes = [1], strides = [1]} : vector<16xi32> to vector<1xi32>
      %squeeze3A_44 = vector.extract %slice3A_43[0] : i32 from vector<1xi32>
      %mul3A_45 = arith.constant 128 : i32
      %mul3A_46 = arith.muli %squeeze3A_44, %mul3A_45 : i32
      %dma_start3A_47 = arith.constant 0 : i32
      %dma_start3A_48 = arith.constant 0 : i32
      %dma_start3A_49 = arith.constant 0 : i32
      %dma_start3A_50 = tpu.memref_slice %arg10[%dma_start3A_47, %dma_start3A_48, %dma_start3A_49] : memref<12x32x128xf32, #tpu.memory_space<vmem>> -> memref<1x32x128xf32, #tpu.memory_space<vmem>>
      %dma_start3A_51 = tpu.memref_squeeze %dma_start3A_50 : memref<1x32x128xf32, #tpu.memory_space<vmem>> -> memref<32x128xf32, #tpu.memory_space<vmem>>
      %dma_start3A_52 = arith.constant 0 : i32
      %dma_start3A_53 = tpu.memref_slice %arg5[%dma_start3A_52, %mul3A_46] : memref<32x1000000xf32, #tpu.memory_space<hbm>> -> memref<32x128xf32, #tpu.memory_space<hbm>>
      %dma_start3A_54 = arith.constant 0 : i32
      %dma_start3A_55 = arith.constant 0 : i32
      %dma_start3A_56 = tpu.memref_slice %arg10[%dma_start3A_47, %dma_start3A_54, %dma_start3A_55] : memref<12x32x128xf32, #tpu.memory_space<vmem>> -> memref<1x32x128xf32, #tpu.memory_space<vmem>>
      %dma_start3A_57 = tpu.memref_squeeze %dma_start3A_56 : memref<1x32x128xf32, #tpu.memory_space<vmem>> -> memref<32x128xf32, #tpu.memory_space<vmem>>
      %dma_start3A_58 = arith.constant 0 : i32
      %dma_start3A_59 = tpu.memref_slice %arg5[%dma_start3A_58, %mul3A_46] : memref<32x1000000xf32, #tpu.memory_space<hbm>> -> memref<32x128xf32, #tpu.memory_space<hbm>>
      tpu.enqueue_dma source(%dma_start3A_59 : memref<32x128xf32, #tpu.memory_space<hbm>>) target(%dma_start3A_57 : memref<32x128xf32, #tpu.memory_space<vmem>>) target_semaphore(%arg13 : memref<!tpu.dma_semaphore, #tpu.memory_space<semaphore_mem>>)
      %slice3A_60 = vector.extract_strided_slice %shift_right_arithmetic3A_20 {offsets = [1], sizes = [1], strides = [1]} : vector<16xi32> to vector<1xi32>
      %squeeze3A_61 = vector.extract %slice3A_60[0] : i32 from vector<1xi32>
      %mul3A_62 = arith.constant 128 : i32
      %mul3A_63 = arith.muli %squeeze3A_61, %mul3A_62 : i32
      %dma_start3A_64 = arith.constant 1 : i32
      %dma_start3A_65 = arith.constant 0 : i32
      %dma_start3A_66 = arith.constant 0 : i32
      %dma_start3A_67 = tpu.memref_slice %arg9[%dma_start3A_64, %dma_start3A_65, %dma_start3A_66] : memref<12x32x128xf32, #tpu.memory_space<vmem>> -> memref<1x32x128xf32, #tpu.memory_space<vmem>>
      %dma_start3A_68 = tpu.memref_squeeze %dma_start3A_67 : memref<1x32x128xf32, #tpu.memory_space<vmem>> -> memref<32x128xf32, #tpu.memory_space<vmem>>
      %dma_start3A_69 = arith.constant 0 : i32
      %dma_start3A_70 = tpu.memref_slice %arg4[%dma_start3A_69, %mul3A_63] : memref<32x1000000xf32, #tpu.memory_space<hbm>> -> memref<32x128xf32, #tpu.memory_space<hbm>>
      %dma_start3A_71 = arith.constant 0 : i32
      %dma_start3A_72 = arith.constant 0 : i32
      %dma_start3A_73 = tpu.memref_slice %arg9[%dma_start3A_64, %dma_start3A_71, %dma_start3A_72] : memref<12x32x128xf32, #tpu.memory_space<vmem>> -> memref<1x32x128xf32, #tpu.memory_space<vmem>>
      %dma_start3A_74 = tpu.memref_squeeze %dma_start3A_73 : memref<1x32x128xf32, #tpu.memory_space<vmem>> -> memref<32x128xf32, #tpu.memory_space<vmem>>
      %dma_start3A_75 = arith.constant 0 : i32
      %dma_start3A_76 = tpu.memref_slice %arg4[%dma_start3A_75, %mul3A_63] : memref<32x1000000xf32, #tpu.memory_space<hbm>> -> memref<32x128xf32, #tpu.memory_space<hbm>>
      tpu.enqueue_dma source(%dma_start3A_76 : memref<32x128xf32, #tpu.memory_space<hbm>>) target(%dma_start3A_74 : memref<32x128xf32, #tpu.memory_space<vmem>>) target_semaphore(%arg12 : memref<!tpu.dma_semaphore, #tpu.memory_space<semaphore_mem>>)
      %slice3A_77 = vector.extract_strided_slice %shift_right_arithmetic3A_25 {offsets = [1], sizes = [1], strides = [1]} : vector<16xi32> to vector<1xi32>
      %squeeze3A_78 = vector.extract %slice3A_77[0] : i32 from vector<1xi32>
      %mul3A_79 = arith.constant 128 : i32
      %mul3A_80 = arith.muli %squeeze3A_78, %mul3A_79 : i32
      %dma_start3A_81 = arith.constant 1 : i32
      %dma_start3A_82 = arith.constant 0 : i32
      %dma_start3A_83 = arith.constant 0 : i32
      %dma_start3A_84 = tpu.memref_slice %arg10[%dma_start3A_81, %dma_start3A_82, %dma_start3A_83] : memref<12x32x128xf32, #tpu.memory_space<vmem>> -> memref<1x32x128xf32, #tpu.memory_space<vmem>>
      %dma_start3A_85 = tpu.memref_squeeze %dma_start3A_84 : memref<1x32x128xf32, #tpu.memory_space<vmem>> -> memref<32x128xf32, #tpu.memory_space<vmem>>
      %dma_start3A_86 = arith.constant 0 : i32
      %dma_start3A_87 = tpu.memref_slice %arg5[%dma_start3A_86, %mul3A_80] : memref<32x1000000xf32, #tpu.memory_space<hbm>> -> memref<32x128xf32, #tpu.memory_space<hbm>>
      %dma_start3A_88 = arith.constant 0 : i32
      %dma_start3A_89 = arith.constant 0 : i32
      %dma_start3A_90 = tpu.memref_slice %arg10[%dma_start3A_81, %dma_start3A_88, %dma_start3A_89] : memref<12x32x128xf32, #tpu.memory_space<vmem>> -> memref<1x32x128xf32, #tpu.memory_space<vmem>>
      %dma_start3A_91 = tpu.memref_squeeze %dma_start3A_90 : memref<1x32x128xf32, #tpu.memory_space<vmem>> -> memref<32x128xf32, #tpu.memory_space<vmem>>
      %dma_start3A_92 = arith.constant 0 : i32
      %dma_start3A_93 = tpu.memref_slice %arg5[%dma_start3A_92, %mul3A_80] : memref<32x1000000xf32, #tpu.memory_space<hbm>> -> memref<32x128xf32, #tpu.memory_space<hbm>>
      tpu.enqueue_dma source(%dma_start3A_93 : memref<32x128xf32, #tpu.memory_space<hbm>>) target(%dma_start3A_91 : memref<32x128xf32, #tpu.memory_space<vmem>>) target_semaphore(%arg13 : memref<!tpu.dma_semaphore, #tpu.memory_space<semaphore_mem>>)
      %slice3A_94 = vector.extract_strided_slice %shift_right_arithmetic3A_20 {offsets = [2], sizes = [1], strides = [1]} : vector<16xi32> to vector<1xi32>
      %squeeze3A_95 = vector.extract %slice3A_94[0] : i32 from vector<1xi32>
      %mul3A_96 = arith.constant 128 : i32
      %mul3A_97 = arith.muli %squeeze3A_95, %mul3A_96 : i32
      %dma_start3A_98 = arith.constant 2 : i32
      %dma_start3A_99 = arith.constant 0 : i32
      %dma_start3A_100 = arith.constant 0 : i32
      %dma_start3A_101 = tpu.memref_slice %arg9[%dma_start3A_98, %dma_start3A_99, %dma_start3A_100] : memref<12x32x128xf32, #tpu.memory_space<vmem>> -> memref<1x32x128xf32, #tpu.memory_space<vmem>>
      %dma_start3A_102 = tpu.memref_squeeze %dma_start3A_101 : memref<1x32x128xf32, #tpu.memory_space<vmem>> -> memref<32x128xf32, #tpu.memory_space<vmem>>
      %dma_start3A_103 = arith.constant 0 : i32
      %dma_start3A_104 = tpu.memref_slice %arg4[%dma_start3A_103, %mul3A_97] : memref<32x1000000xf32, #tpu.memory_space<hbm>> -> memref<32x128xf32, #tpu.memory_space<hbm>>
      %dma_start3A_105 = arith.constant 0 : i32
      %dma_start3A_106 = arith.constant 0 : i32
      %dma_start3A_107 = tpu.memref_slice %arg9[%dma_start3A_98, %dma_start3A_105, %dma_start3A_106] : memref<12x32x128xf32, #tpu.memory_space<vmem>> -> memref<1x32x128xf32, #tpu.memory_space<vmem>>
      %dma_start3A_108 = tpu.memref_squeeze %dma_start3A_107 : memref<1x32x128xf32, #tpu.memory_space<vmem>> -> memref<32x128xf32, #tpu.memory_space<vmem>>
      %dma_start3A_109 = arith.constant 0 : i32
      %dma_start3A_110 = tpu.memref_slice %arg4[%dma_start3A_109, %mul3A_97] : memref<32x1000000xf32, #tpu.memory_space<hbm>> -> memref<32x128xf32, #tpu.memory_space<hbm>>
      tpu.enqueue_dma source(%dma_start3A_110 : memref<32x128xf32, #tpu.memory_space<hbm>>) target(%dma_start3A_108 : memref<32x128xf32, #tpu.memory_space<vmem>>) target_semaphore(%arg12 : memref<!tpu.dma_semaphore, #tpu.memory_space<semaphore_mem>>)
      %slice3A_111 = vector.extract_strided_slice %shift_right_arithmetic3A_25 {offsets = [2], sizes = [1], strides = [1]} : vector<16xi32> to vector<1xi32>
      %squeeze3A_112 = vector.extract %slice3A_111[0] : i32 from vector<1xi32>
      %mul3A_113 = arith.constant 128 : i32
      %mul3A_114 = arith.muli %squeeze3A_112, %mul3A_113 : i32
      %dma_start3A_115 = arith.constant 2 : i32
      %dma_start3A_116 = arith.constant 0 : i32
      %dma_start3A_117 = arith.constant 0 : i32
      %dma_start3A_118 = tpu.memref_slice %arg10[%dma_start3A_115, %dma_start3A_116, %dma_start3A_117] : memref<12x32x128xf32, #tpu.memory_space<vmem>> -> memref<1x32x128xf32, #tpu.memory_space<vmem>>
      %dma_start3A_119 = tpu.memref_squeeze %dma_start3A_118 : memref<1x32x128xf32, #tpu.memory_space<vmem>> -> memref<32x128xf32, #tpu.memory_space<vmem>>
      %dma_start3A_120 = arith.constant 0 : i32
      %dma_start3A_121 = tpu.memref_slice %arg5[%dma_start3A_120, %mul3A_114] : memref<32x1000000xf32, #tpu.memory_space<hbm>> -> memref<32x128xf32, #tpu.memory_space<hbm>>
      %dma_start3A_122 = arith.constant 0 : i32
      %dma_start3A_123 = arith.constant 0 : i32
      %dma_start3A_124 = tpu.memref_slice %arg10[%dma_start3A_115, %dma_start3A_122, %dma_start3A_123] : memref<12x32x128xf32, #tpu.memory_space<vmem>> -> memref<1x32x128xf32, #tpu.memory_space<vmem>>
      %dma_start3A_125 = tpu.memref_squeeze %dma_start3A_124 : memref<1x32x128xf32, #tpu.memory_space<vmem>> -> memref<32x128xf32, #tpu.memory_space<vmem>>
      %dma_start3A_126 = arith.constant 0 : i32
      %dma_start3A_127 = tpu.memref_slice %arg5[%dma_start3A_126, %mul3A_114] : memref<32x1000000xf32, #tpu.memory_space<hbm>> -> memref<32x128xf32, #tpu.memory_space<hbm>>
      tpu.enqueue_dma source(%dma_start3A_127 : memref<32x128xf32, #tpu.memory_space<hbm>>) target(%dma_start3A_125 : memref<32x128xf32, #tpu.memory_space<vmem>>) target_semaphore(%arg13 : memref<!tpu.dma_semaphore, #tpu.memory_space<semaphore_mem>>)
      %slice3A_128 = vector.extract_strided_slice %shift_right_arithmetic3A_20 {offsets = [3], sizes = [1], strides = [1]} : vector<16xi32> to vector<1xi32>
      %squeeze3A_129 = vector.extract %slice3A_128[0] : i32 from vector<1xi32>
      %mul3A_130 = arith.constant 128 : i32
      %mul3A_131 = arith.muli %squeeze3A_129, %mul3A_130 : i32
      %dma_start3A_132 = arith.constant 3 : i32
      %dma_start3A_133 = arith.constant 0 : i32
      %dma_start3A_134 = arith.constant 0 : i32
      %dma_start3A_135 = tpu.memref_slice %arg9[%dma_start3A_132, %dma_start3A_133, %dma_start3A_134] : memref<12x32x128xf32, #tpu.memory_space<vmem>> -> memref<1x32x128xf32, #tpu.memory_space<vmem>>
      %dma_start3A_136 = tpu.memref_squeeze %dma_start3A_135 : memref<1x32x128xf32, #tpu.memory_space<vmem>> -> memref<32x128xf32, #tpu.memory_space<vmem>>
      %dma_start3A_137 = arith.constant 0 : i32
      %dma_start3A_138 = tpu.memref_slice %arg4[%dma_start3A_137, %mul3A_131] : memref<32x1000000xf32, #tpu.memory_space<hbm>> -> memref<32x128xf32, #tpu.memory_space<hbm>>
      %dma_start3A_139 = arith.constant 0 : i32
      %dma_start3A_140 = arith.constant 0 : i32
      %dma_start3A_141 = tpu.memref_slice %arg9[%dma_start3A_132, %dma_start3A_139, %dma_start3A_140] : memref<12x32x128xf32, #tpu.memory_space<vmem>> -> memref<1x32x128xf32, #tpu.memory_space<vmem>>
      %dma_start3A_142 = tpu.memref_squeeze %dma_start3A_141 : memref<1x32x128xf32, #tpu.memory_space<vmem>> -> memref<32x128xf32, #tpu.memory_space<vmem>>
      %dma_start3A_143 = arith.constant 0 : i32
      %dma_start3A_144 = tpu.memref_slice %arg4[%dma_start3A_143, %mul3A_131] : memref<32x1000000xf32, #tpu.memory_space<hbm>> -> memref<32x128xf32, #tpu.memory_space<hbm>>
      tpu.enqueue_dma source(%dma_start3A_144 : memref<32x128xf32, #tpu.memory_space<hbm>>) target(%dma_start3A_142 : memref<32x128xf32, #tpu.memory_space<vmem>>) target_semaphore(%arg12 : memref<!tpu.dma_semaphore, #tpu.memory_space<semaphore_mem>>)
      %slice3A_145 = vector.extract_strided_slice %shift_right_arithmetic3A_25 {offsets = [3], sizes = [1], strides = [1]} : vector<16xi32> to vector<1xi32>
      %squeeze3A_146 = vector.extract %slice3A_145[0] : i32 from vector<1xi32>
      %mul3A_147 = arith.constant 128 : i32
      %mul3A_148 = arith.muli %squeeze3A_146, %mul3A_147 : i32
      %dma_start3A_149 = arith.constant 3 : i32
      %dma_start3A_150 = arith.constant 0 : i32
      %dma_start3A_151 = arith.constant 0 : i32
      %dma_start3A_152 = tpu.memref_slice %arg10[%dma_start3A_149, %dma_start3A_150, %dma_start3A_151] : memref<12x32x128xf32, #tpu.memory_space<vmem>> -> memref<1x32x128xf32, #tpu.memory_space<vmem>>
      %dma_start3A_153 = tpu.memref_squeeze %dma_start3A_152 : memref<1x32x128xf32, #tpu.memory_space<vmem>> -> memref<32x128xf32, #tpu.memory_space<vmem>>
      %dma_start3A_154 = arith.constant 0 : i32
      %dma_start3A_155 = tpu.memref_slice %arg5[%dma_start3A_154, %mul3A_148] : memref<32x1000000xf32, #tpu.memory_space<hbm>> -> memref<32x128xf32, #tpu.memory_space<hbm>>
      %dma_start3A_156 = arith.constant 0 : i32
      %dma_start3A_157 = arith.constant 0 : i32
      %dma_start3A_158 = tpu.memref_slice %arg10[%dma_start3A_149, %dma_start3A_156, %dma_start3A_157] : memref<12x32x128xf32, #tpu.memory_space<vmem>> -> memref<1x32x128xf32, #tpu.memory_space<vmem>>
      %dma_start3A_159 = tpu.memref_squeeze %dma_start3A_158 : memref<1x32x128xf32, #tpu.memory_space<vmem>> -> memref<32x128xf32, #tpu.memory_space<vmem>>
      %dma_start3A_160 = arith.constant 0 : i32
      %dma_start3A_161 = tpu.memref_slice %arg5[%dma_start3A_160, %mul3A_148] : memref<32x1000000xf32, #tpu.memory_space<hbm>> -> memref<32x128xf32, #tpu.memory_space<hbm>>
      tpu.enqueue_dma source(%dma_start3A_161 : memref<32x128xf32, #tpu.memory_space<hbm>>) target(%dma_start3A_159 : memref<32x128xf32, #tpu.memory_space<vmem>>) target_semaphore(%arg13 : memref<!tpu.dma_semaphore, #tpu.memory_space<semaphore_mem>>)
      %slice3A_162 = vector.extract_strided_slice %shift_right_arithmetic3A_20 {offsets = [4], sizes = [1], strides = [1]} : vector<16xi32> to vector<1xi32>
      %squeeze3A_163 = vector.extract %slice3A_162[0] : i32 from vector<1xi32>
      %mul3A_164 = arith.constant 128 : i32
      %mul3A_165 = arith.muli %squeeze3A_163, %mul3A_164 : i32
      %dma_start3A_166 = arith.constant 4 : i32
      %dma_start3A_167 = arith.constant 0 : i32
      %dma_start3A_168 = arith.constant 0 : i32
      %dma_start3A_169 = tpu.memref_slice %arg9[%dma_start3A_166, %dma_start3A_167, %dma_start3A_168] : memref<12x32x128xf32, #tpu.memory_space<vmem>> -> memref<1x32x128xf32, #tpu.memory_space<vmem>>
      %dma_start3A_170 = tpu.memref_squeeze %dma_start3A_169 : memref<1x32x128xf32, #tpu.memory_space<vmem>> -> memref<32x128xf32, #tpu.memory_space<vmem>>
      %dma_start3A_171 = arith.constant 0 : i32
      %dma_start3A_172 = tpu.memref_slice %arg4[%dma_start3A_171, %mul3A_165] : memref<32x1000000xf32, #tpu.memory_space<hbm>> -> memref<32x128xf32, #tpu.memory_space<hbm>>
      %dma_start3A_173 = arith.constant 0 : i32
      %dma_start3A_174 = arith.constant 0 : i32
      %dma_start3A_175 = tpu.memref_slice %arg9[%dma_start3A_166, %dma_start3A_173, %dma_start3A_174] : memref<12x32x128xf32, #tpu.memory_space<vmem>> -> memref<1x32x128xf32, #tpu.memory_space<vmem>>
      %dma_start3A_176 = tpu.memref_squeeze %dma_start3A_175 : memref<1x32x128xf32, #tpu.memory_space<vmem>> -> memref<32x128xf32, #tpu.memory_space<vmem>>
      %dma_start3A_177 = arith.constant 0 : i32
      %dma_start3A_178 = tpu.memref_slice %arg4[%dma_start3A_177, %mul3A_165] : memref<32x1000000xf32, #tpu.memory_space<hbm>> -> memref<32x128xf32, #tpu.memory_space<hbm>>
      tpu.enqueue_dma source(%dma_start3A_178 : memref<32x128xf32, #tpu.memory_space<hbm>>) target(%dma_start3A_176 : memref<32x128xf32, #tpu.memory_space<vmem>>) target_semaphore(%arg12 : memref<!tpu.dma_semaphore, #tpu.memory_space<semaphore_mem>>)
      %slice3A_179 = vector.extract_strided_slice %shift_right_arithmetic3A_25 {offsets = [4], sizes = [1], strides = [1]} : vector<16xi32> to vector<1xi32>
      %squeeze3A_180 = vector.extract %slice3A_179[0] : i32 from vector<1xi32>
      %mul3A_181 = arith.constant 128 : i32
      %mul3A_182 = arith.muli %squeeze3A_180, %mul3A_181 : i32
      %dma_start3A_183 = arith.constant 4 : i32
      %dma_start3A_184 = arith.constant 0 : i32
      %dma_start3A_185 = arith.constant 0 : i32
      %dma_start3A_186 = tpu.memref_slice %arg10[%dma_start3A_183, %dma_start3A_184, %dma_start3A_185] : memref<12x32x128xf32, #tpu.memory_space<vmem>> -> memref<1x32x128xf32, #tpu.memory_space<vmem>>
      %dma_start3A_187 = tpu.memref_squeeze %dma_start3A_186 : memref<1x32x128xf32, #tpu.memory_space<vmem>> -> memref<32x128xf32, #tpu.memory_space<vmem>>
      %dma_start3A_188 = arith.constant 0 : i32
      %dma_start3A_189 = tpu.memref_slice %arg5[%dma_start3A_188, %mul3A_182] : memref<32x1000000xf32, #tpu.memory_space<hbm>> -> memref<32x128xf32, #tpu.memory_space<hbm>>
      %dma_start3A_190 = arith.constant 0 : i32
      %dma_start3A_191 = arith.constant 0 : i32
      %dma_start3A_192 = tpu.memref_slice %arg10[%dma_start3A_183, %dma_start3A_190, %dma_start3A_191] : memref<12x32x128xf32, #tpu.memory_space<vmem>> -> memref<1x32x128xf32, #tpu.memory_space<vmem>>
      %dma_start3A_193 = tpu.memref_squeeze %dma_start3A_192 : memref<1x32x128xf32, #tpu.memory_space<vmem>> -> memref<32x128xf32, #tpu.memory_space<vmem>>
      %dma_start3A_194 = arith.constant 0 : i32
      %dma_start3A_195 = tpu.memref_slice %arg5[%dma_start3A_194, %mul3A_182] : memref<32x1000000xf32, #tpu.memory_space<hbm>> -> memref<32x128xf32, #tpu.memory_space<hbm>>
      tpu.enqueue_dma source(%dma_start3A_195 : memref<32x128xf32, #tpu.memory_space<hbm>>) target(%dma_start3A_193 : memref<32x128xf32, #tpu.memory_space<vmem>>) target_semaphore(%arg13 : memref<!tpu.dma_semaphore, #tpu.memory_space<semaphore_mem>>)
      %slice3A_196 = vector.extract_strided_slice %shift_right_arithmetic3A_20 {offsets = [5], sizes = [1], strides = [1]} : vector<16xi32> to vector<1xi32>
      %squeeze3A_197 = vector.extract %slice3A_196[0] : i32 from vector<1xi32>
      %mul3A_198 = arith.constant 128 : i32
      %mul3A_199 = arith.muli %squeeze3A_197, %mul3A_198 : i32
      %dma_start3A_200 = arith.constant 5 : i32
      %dma_start3A_201 = arith.constant 0 : i32
      %dma_start3A_202 = arith.constant 0 : i32
      %dma_start3A_203 = tpu.memref_slice %arg9[%dma_start3A_200, %dma_start3A_201, %dma_start3A_202] : memref<12x32x128xf32, #tpu.memory_space<vmem>> -> memref<1x32x128xf32, #tpu.memory_space<vmem>>
      %dma_start3A_204 = tpu.memref_squeeze %dma_start3A_203 : memref<1x32x128xf32, #tpu.memory_space<vmem>> -> memref<32x128xf32, #tpu.memory_space<vmem>>
      %dma_start3A_205 = arith.constant 0 : i32
      %dma_start3A_206 = tpu.memref_slice %arg4[%dma_start3A_205, %mul3A_199] : memref<32x1000000xf32, #tpu.memory_space<hbm>> -> memref<32x128xf32, #tpu.memory_space<hbm>>
      %dma_start3A_207 = arith.constant 0 : i32
      %dma_start3A_208 = arith.constant 0 : i32
      %dma_start3A_209 = tpu.memref_slice %arg9[%dma_start3A_200, %dma_start3A_207, %dma_start3A_208] : memref<12x32x128xf32, #tpu.memory_space<vmem>> -> memref<1x32x128xf32, #tpu.memory_space<vmem>>
      %dma_start3A_210 = tpu.memref_squeeze %dma_start3A_209 : memref<1x32x128xf32, #tpu.memory_space<vmem>> -> memref<32x128xf32, #tpu.memory_space<vmem>>
      %dma_start3A_211 = arith.constant 0 : i32
      %dma_start3A_212 = tpu.memref_slice %arg4[%dma_start3A_211, %mul3A_199] : memref<32x1000000xf32, #tpu.memory_space<hbm>> -> memref<32x128xf32, #tpu.memory_space<hbm>>
      tpu.enqueue_dma source(%dma_start3A_212 : memref<32x128xf32, #tpu.memory_space<hbm>>) target(%dma_start3A_210 : memref<32x128xf32, #tpu.memory_space<vmem>>) target_semaphore(%arg12 : memref<!tpu.dma_semaphore, #tpu.memory_space<semaphore_mem>>)
      %slice3A_213 = vector.extract_strided_slice %shift_right_arithmetic3A_25 {offsets = [5], sizes = [1], strides = [1]} : vector<16xi32> to vector<1xi32>
      %squeeze3A_214 = vector.extract %slice3A_213[0] : i32 from vector<1xi32>
      %mul3A_215 = arith.constant 128 : i32
      %mul3A_216 = arith.muli %squeeze3A_214, %mul3A_215 : i32
      %dma_start3A_217 = arith.constant 5 : i32
      %dma_start3A_218 = arith.constant 0 : i32
      %dma_start3A_219 = arith.constant 0 : i32
      %dma_start3A_220 = tpu.memref_slice %arg10[%dma_start3A_217, %dma_start3A_218, %dma_start3A_219] : memref<12x32x128xf32, #tpu.memory_space<vmem>> -> memref<1x32x128xf32, #tpu.memory_space<vmem>>
      %dma_start3A_221 = tpu.memref_squeeze %dma_start3A_220 : memref<1x32x128xf32, #tpu.memory_space<vmem>> -> memref<32x128xf32, #tpu.memory_space<vmem>>
      %dma_start3A_222 = arith.constant 0 : i32
      %dma_start3A_223 = tpu.memref_slice %arg5[%dma_start3A_222, %mul3A_216] : memref<32x1000000xf32, #tpu.memory_space<hbm>> -> memref<32x128xf32, #tpu.memory_space<hbm>>
      %dma_start3A_224 = arith.constant 0 : i32
      %dma_start3A_225 = arith.constant 0 : i32
      %dma_start3A_226 = tpu.memref_slice %arg10[%dma_start3A_217, %dma_start3A_224, %dma_start3A_225] : memref<12x32x128xf32, #tpu.memory_space<vmem>> -> memref<1x32x128xf32, #tpu.memory_space<vmem>>
      %dma_start3A_227 = tpu.memref_squeeze %dma_start3A_226 : memref<1x32x128xf32, #tpu.memory_space<vmem>> -> memref<32x128xf32, #tpu.memory_space<vmem>>
      %dma_start3A_228 = arith.constant 0 : i32
      %dma_start3A_229 = tpu.memref_slice %arg5[%dma_start3A_228, %mul3A_216] : memref<32x1000000xf32, #tpu.memory_space<hbm>> -> memref<32x128xf32, #tpu.memory_space<hbm>>
      tpu.enqueue_dma source(%dma_start3A_229 : memref<32x128xf32, #tpu.memory_space<hbm>>) target(%dma_start3A_227 : memref<32x128xf32, #tpu.memory_space<vmem>>) target_semaphore(%arg13 : memref<!tpu.dma_semaphore, #tpu.memory_space<semaphore_mem>>)
      %slice3A_230 = vector.extract_strided_slice %shift_right_arithmetic3A_20 {offsets = [6], sizes = [1], strides = [1]} : vector<16xi32> to vector<1xi32>
      %squeeze3A_231 = vector.extract %slice3A_230[0] : i32 from vector<1xi32>
      %mul3A_232 = arith.constant 128 : i32
      %mul3A_233 = arith.muli %squeeze3A_231, %mul3A_232 : i32
      %dma_start3A_234 = arith.constant 6 : i32
      %dma_start3A_235 = arith.constant 0 : i32
      %dma_start3A_236 = arith.constant 0 : i32
      %dma_start3A_237 = tpu.memref_slice %arg9[%dma_start3A_234, %dma_start3A_235, %dma_start3A_236] : memref<12x32x128xf32, #tpu.memory_space<vmem>> -> memref<1x32x128xf32, #tpu.memory_space<vmem>>
      %dma_start3A_238 = tpu.memref_squeeze %dma_start3A_237 : memref<1x32x128xf32, #tpu.memory_space<vmem>> -> memref<32x128xf32, #tpu.memory_space<vmem>>
      %dma_start3A_239 = arith.constant 0 : i32
      %dma_start3A_240 = tpu.memref_slice %arg4[%dma_start3A_239, %mul3A_233] : memref<32x1000000xf32, #tpu.memory_space<hbm>> -> memref<32x128xf32, #tpu.memory_space<hbm>>
      %dma_start3A_241 = arith.constant 0 : i32
      %dma_start3A_242 = arith.constant 0 : i32
      %dma_start3A_243 = tpu.memref_slice %arg9[%dma_start3A_234, %dma_start3A_241, %dma_start3A_242] : memref<12x32x128xf32, #tpu.memory_space<vmem>> -> memref<1x32x128xf32, #tpu.memory_space<vmem>>
      %dma_start3A_244 = tpu.memref_squeeze %dma_start3A_243 : memref<1x32x128xf32, #tpu.memory_space<vmem>> -> memref<32x128xf32, #tpu.memory_space<vmem>>
      %dma_start3A_245 = arith.constant 0 : i32
      %dma_start3A_246 = tpu.memref_slice %arg4[%dma_start3A_245, %mul3A_233] : memref<32x1000000xf32, #tpu.memory_space<hbm>> -> memref<32x128xf32, #tpu.memory_space<hbm>>
      tpu.enqueue_dma source(%dma_start3A_246 : memref<32x128xf32, #tpu.memory_space<hbm>>) target(%dma_start3A_244 : memref<32x128xf32, #tpu.memory_space<vmem>>) target_semaphore(%arg12 : memref<!tpu.dma_semaphore, #tpu.memory_space<semaphore_mem>>)
      %slice3A_247 = vector.extract_strided_slice %shift_right_arithmetic3A_25 {offsets = [6], sizes = [1], strides = [1]} : vector<16xi32> to vector<1xi32>
      %squeeze3A_248 = vector.extract %slice3A_247[0] : i32 from vector<1xi32>
      %mul3A_249 = arith.constant 128 : i32
      %mul3A_250 = arith.muli %squeeze3A_248, %mul3A_249 : i32
      %dma_start3A_251 = arith.constant 6 : i32
      %dma_start3A_252 = arith.constant 0 : i32
      %dma_start3A_253 = arith.constant 0 : i32
      %dma_start3A_254 = tpu.memref_slice %arg10[%dma_start3A_251, %dma_start3A_252, %dma_start3A_253] : memref<12x32x128xf32, #tpu.memory_space<vmem>> -> memref<1x32x128xf32, #tpu.memory_space<vmem>>
      %dma_start3A_255 = tpu.memref_squeeze %dma_start3A_254 : memref<1x32x128xf32, #tpu.memory_space<vmem>> -> memref<32x128xf32, #tpu.memory_space<vmem>>
      %dma_start3A_256 = arith.constant 0 : i32
      %dma_start3A_257 = tpu.memref_slice %arg5[%dma_start3A_256, %mul3A_250] : memref<32x1000000xf32, #tpu.memory_space<hbm>> -> memref<32x128xf32, #tpu.memory_space<hbm>>
      %dma_start3A_258 = arith.constant 0 : i32
      %dma_start3A_259 = arith.constant 0 : i32
      %dma_start3A_260 = tpu.memref_slice %arg10[%dma_start3A_251, %dma_start3A_258, %dma_start3A_259] : memref<12x32x128xf32, #tpu.memory_space<vmem>> -> memref<1x32x128xf32, #tpu.memory_space<vmem>>
      %dma_start3A_261 = tpu.memref_squeeze %dma_start3A_260 : memref<1x32x128xf32, #tpu.memory_space<vmem>> -> memref<32x128xf32, #tpu.memory_space<vmem>>
      %dma_start3A_262 = arith.constant 0 : i32
      %dma_start3A_263 = tpu.memref_slice %arg5[%dma_start3A_262, %mul3A_250] : memref<32x1000000xf32, #tpu.memory_space<hbm>> -> memref<32x128xf32, #tpu.memory_space<hbm>>
      tpu.enqueue_dma source(%dma_start3A_263 : memref<32x128xf32, #tpu.memory_space<hbm>>) target(%dma_start3A_261 : memref<32x128xf32, #tpu.memory_space<vmem>>) target_semaphore(%arg13 : memref<!tpu.dma_semaphore, #tpu.memory_space<semaphore_mem>>)
      %slice3A_264 = vector.extract_strided_slice %shift_right_arithmetic3A_20 {offsets = [7], sizes = [1], strides = [1]} : vector<16xi32> to vector<1xi32>
      %squeeze3A_265 = vector.extract %slice3A_264[0] : i32 from vector<1xi32>
      %mul3A_266 = arith.constant 128 : i32
      %mul3A_267 = arith.muli %squeeze3A_265, %mul3A_266 : i32
      %dma_start3A_268 = arith.constant 7 : i32
      %dma_start3A_269 = arith.constant 0 : i32
      %dma_start3A_270 = arith.constant 0 : i32
      %dma_start3A_271 = tpu.memref_slice %arg9[%dma_start3A_268, %dma_start3A_269, %dma_start3A_270] : memref<12x32x128xf32, #tpu.memory_space<vmem>> -> memref<1x32x128xf32, #tpu.memory_space<vmem>>
      %dma_start3A_272 = tpu.memref_squeeze %dma_start3A_271 : memref<1x32x128xf32, #tpu.memory_space<vmem>> -> memref<32x128xf32, #tpu.memory_space<vmem>>
      %dma_start3A_273 = arith.constant 0 : i32
      %dma_start3A_274 = tpu.memref_slice %arg4[%dma_start3A_273, %mul3A_267] : memref<32x1000000xf32, #tpu.memory_space<hbm>> -> memref<32x128xf32, #tpu.memory_space<hbm>>
      %dma_start3A_275 = arith.constant 0 : i32
      %dma_start3A_276 = arith.constant 0 : i32
      %dma_start3A_277 = tpu.memref_slice %arg9[%dma_start3A_268, %dma_start3A_275, %dma_start3A_276] : memref<12x32x128xf32, #tpu.memory_space<vmem>> -> memref<1x32x128xf32, #tpu.memory_space<vmem>>
      %dma_start3A_278 = tpu.memref_squeeze %dma_start3A_277 : memref<1x32x128xf32, #tpu.memory_space<vmem>> -> memref<32x128xf32, #tpu.memory_space<vmem>>
      %dma_start3A_279 = arith.constant 0 : i32
      %dma_start3A_280 = tpu.memref_slice %arg4[%dma_start3A_279, %mul3A_267] : memref<32x1000000xf32, #tpu.memory_space<hbm>> -> memref<32x128xf32, #tpu.memory_space<hbm>>
      tpu.enqueue_dma source(%dma_start3A_280 : memref<32x128xf32, #tpu.memory_space<hbm>>) target(%dma_start3A_278 : memref<32x128xf32, #tpu.memory_space<vmem>>) target_semaphore(%arg12 : memref<!tpu.dma_semaphore, #tpu.memory_space<semaphore_mem>>)
      %slice3A_281 = vector.extract_strided_slice %shift_right_arithmetic3A_25 {offsets = [7], sizes = [1], strides = [1]} : vector<16xi32> to vector<1xi32>
      %squeeze3A_282 = vector.extract %slice3A_281[0] : i32 from vector<1xi32>
      %mul3A_283 = arith.constant 128 : i32
      %mul3A_284 = arith.muli %squeeze3A_282, %mul3A_283 : i32
      %dma_start3A_285 = arith.constant 7 : i32
      %dma_start3A_286 = arith.constant 0 : i32
      %dma_start3A_287 = arith.constant 0 : i32
      %dma_start3A_288 = tpu.memref_slice %arg10[%dma_start3A_285, %dma_start3A_286, %dma_start3A_287] : memref<12x32x128xf32, #tpu.memory_space<vmem>> -> memref<1x32x128xf32, #tpu.memory_space<vmem>>
      %dma_start3A_289 = tpu.memref_squeeze %dma_start3A_288 : memref<1x32x128xf32, #tpu.memory_space<vmem>> -> memref<32x128xf32, #tpu.memory_space<vmem>>
      %dma_start3A_290 = arith.constant 0 : i32
      %dma_start3A_291 = tpu.memref_slice %arg5[%dma_start3A_290, %mul3A_284] : memref<32x1000000xf32, #tpu.memory_space<hbm>> -> memref<32x128xf32, #tpu.memory_space<hbm>>
      %dma_start3A_292 = arith.constant 0 : i32
      %dma_start3A_293 = arith.constant 0 : i32
      %dma_start3A_294 = tpu.memref_slice %arg10[%dma_start3A_285, %dma_start3A_292, %dma_start3A_293] : memref<12x32x128xf32, #tpu.memory_space<vmem>> -> memref<1x32x128xf32, #tpu.memory_space<vmem>>
      %dma_start3A_295 = tpu.memref_squeeze %dma_start3A_294 : memref<1x32x128xf32, #tpu.memory_space<vmem>> -> memref<32x128xf32, #tpu.memory_space<vmem>>
      %dma_start3A_296 = arith.constant 0 : i32
      %dma_start3A_297 = tpu.memref_slice %arg5[%dma_start3A_296, %mul3A_284] : memref<32x1000000xf32, #tpu.memory_space<hbm>> -> memref<32x128xf32, #tpu.memory_space<hbm>>
      tpu.enqueue_dma source(%dma_start3A_297 : memref<32x128xf32, #tpu.memory_space<hbm>>) target(%dma_start3A_295 : memref<32x128xf32, #tpu.memory_space<vmem>>) target_semaphore(%arg13 : memref<!tpu.dma_semaphore, #tpu.memory_space<semaphore_mem>>)
      %slice3A_298 = vector.extract_strided_slice %shift_right_arithmetic3A_20 {offsets = [8], sizes = [1], strides = [1]} : vector<16xi32> to vector<1xi32>
      %squeeze3A_299 = vector.extract %slice3A_298[0] : i32 from vector<1xi32>
      %mul3A_300 = arith.constant 128 : i32
      %mul3A_301 = arith.muli %squeeze3A_299, %mul3A_300 : i32
      %dma_start3A_302 = arith.constant 8 : i32
      %dma_start3A_303 = arith.constant 0 : i32
      %dma_start3A_304 = arith.constant 0 : i32
      %dma_start3A_305 = tpu.memref_slice %arg9[%dma_start3A_302, %dma_start3A_303, %dma_start3A_304] : memref<12x32x128xf32, #tpu.memory_space<vmem>> -> memref<1x32x128xf32, #tpu.memory_space<vmem>>
      %dma_start3A_306 = tpu.memref_squeeze %dma_start3A_305 : memref<1x32x128xf32, #tpu.memory_space<vmem>> -> memref<32x128xf32, #tpu.memory_space<vmem>>
      %dma_start3A_307 = arith.constant 0 : i32
      %dma_start3A_308 = tpu.memref_slice %arg4[%dma_start3A_307, %mul3A_301] : memref<32x1000000xf32, #tpu.memory_space<hbm>> -> memref<32x128xf32, #tpu.memory_space<hbm>>
      %dma_start3A_309 = arith.constant 0 : i32
      %dma_start3A_310 = arith.constant 0 : i32
      %dma_start3A_311 = tpu.memref_slice %arg9[%dma_start3A_302, %dma_start3A_309, %dma_start3A_310] : memref<12x32x128xf32, #tpu.memory_space<vmem>> -> memref<1x32x128xf32, #tpu.memory_space<vmem>>
      %dma_start3A_312 = tpu.memref_squeeze %dma_start3A_311 : memref<1x32x128xf32, #tpu.memory_space<vmem>> -> memref<32x128xf32, #tpu.memory_space<vmem>>
      %dma_start3A_313 = arith.constant 0 : i32
      %dma_start3A_314 = tpu.memref_slice %arg4[%dma_start3A_313, %mul3A_301] : memref<32x1000000xf32, #tpu.memory_space<hbm>> -> memref<32x128xf32, #tpu.memory_space<hbm>>
      tpu.enqueue_dma source(%dma_start3A_314 : memref<32x128xf32, #tpu.memory_space<hbm>>) target(%dma_start3A_312 : memref<32x128xf32, #tpu.memory_space<vmem>>) target_semaphore(%arg12 : memref<!tpu.dma_semaphore, #tpu.memory_space<semaphore_mem>>)
      %slice3A_315 = vector.extract_strided_slice %shift_right_arithmetic3A_25 {offsets = [8], sizes = [1], strides = [1]} : vector<16xi32> to vector<1xi32>
      %squeeze3A_316 = vector.extract %slice3A_315[0] : i32 from vector<1xi32>
      %mul3A_317 = arith.constant 128 : i32
      %mul3A_318 = arith.muli %squeeze3A_316, %mul3A_317 : i32
      %dma_start3A_319 = arith.constant 8 : i32
      %dma_start3A_320 = arith.constant 0 : i32
      %dma_start3A_321 = arith.constant 0 : i32
      %dma_start3A_322 = tpu.memref_slice %arg10[%dma_start3A_319, %dma_start3A_320, %dma_start3A_321] : memref<12x32x128xf32, #tpu.memory_space<vmem>> -> memref<1x32x128xf32, #tpu.memory_space<vmem>>
      %dma_start3A_323 = tpu.memref_squeeze %dma_start3A_322 : memref<1x32x128xf32, #tpu.memory_space<vmem>> -> memref<32x128xf32, #tpu.memory_space<vmem>>
      %dma_start3A_324 = arith.constant 0 : i32
      %dma_start3A_325 = tpu.memref_slice %arg5[%dma_start3A_324, %mul3A_318] : memref<32x1000000xf32, #tpu.memory_space<hbm>> -> memref<32x128xf32, #tpu.memory_space<hbm>>
      %dma_start3A_326 = arith.constant 0 : i32
      %dma_start3A_327 = arith.constant 0 : i32
      %dma_start3A_328 = tpu.memref_slice %arg10[%dma_start3A_319, %dma_start3A_326, %dma_start3A_327] : memref<12x32x128xf32, #tpu.memory_space<vmem>> -> memref<1x32x128xf32, #tpu.memory_space<vmem>>
      %dma_start3A_329 = tpu.memref_squeeze %dma_start3A_328 : memref<1x32x128xf32, #tpu.memory_space<vmem>> -> memref<32x128xf32, #tpu.memory_space<vmem>>
      %dma_start3A_330 = arith.constant 0 : i32
      %dma_start3A_331 = tpu.memref_slice %arg5[%dma_start3A_330, %mul3A_318] : memref<32x1000000xf32, #tpu.memory_space<hbm>> -> memref<32x128xf32, #tpu.memory_space<hbm>>
      tpu.enqueue_dma source(%dma_start3A_331 : memref<32x128xf32, #tpu.memory_space<hbm>>) target(%dma_start3A_329 : memref<32x128xf32, #tpu.memory_space<vmem>>) target_semaphore(%arg13 : memref<!tpu.dma_semaphore, #tpu.memory_space<semaphore_mem>>)
      %slice3A_332 = vector.extract_strided_slice %shift_right_arithmetic3A_20 {offsets = [9], sizes = [1], strides = [1]} : vector<16xi32> to vector<1xi32>
      %squeeze3A_333 = vector.extract %slice3A_332[0] : i32 from vector<1xi32>
      %mul3A_334 = arith.constant 128 : i32
      %mul3A_335 = arith.muli %squeeze3A_333, %mul3A_334 : i32
      %dma_start3A_336 = arith.constant 9 : i32
      %dma_start3A_337 = arith.constant 0 : i32
      %dma_start3A_338 = arith.constant 0 : i32
      %dma_start3A_339 = tpu.memref_slice %arg9[%dma_start3A_336, %dma_start3A_337, %dma_start3A_338] : memref<12x32x128xf32, #tpu.memory_space<vmem>> -> memref<1x32x128xf32, #tpu.memory_space<vmem>>
      %dma_start3A_340 = tpu.memref_squeeze %dma_start3A_339 : memref<1x32x128xf32, #tpu.memory_space<vmem>> -> memref<32x128xf32, #tpu.memory_space<vmem>>
      %dma_start3A_341 = arith.constant 0 : i32
      %dma_start3A_342 = tpu.memref_slice %arg4[%dma_start3A_341, %mul3A_335] : memref<32x1000000xf32, #tpu.memory_space<hbm>> -> memref<32x128xf32, #tpu.memory_space<hbm>>
      %dma_start3A_343 = arith.constant 0 : i32
      %dma_start3A_344 = arith.constant 0 : i32
      %dma_start3A_345 = tpu.memref_slice %arg9[%dma_start3A_336, %dma_start3A_343, %dma_start3A_344] : memref<12x32x128xf32, #tpu.memory_space<vmem>> -> memref<1x32x128xf32, #tpu.memory_space<vmem>>
      %dma_start3A_346 = tpu.memref_squeeze %dma_start3A_345 : memref<1x32x128xf32, #tpu.memory_space<vmem>> -> memref<32x128xf32, #tpu.memory_space<vmem>>
      %dma_start3A_347 = arith.constant 0 : i32
      %dma_start3A_348 = tpu.memref_slice %arg4[%dma_start3A_347, %mul3A_335] : memref<32x1000000xf32, #tpu.memory_space<hbm>> -> memref<32x128xf32, #tpu.memory_space<hbm>>
      tpu.enqueue_dma source(%dma_start3A_348 : memref<32x128xf32, #tpu.memory_space<hbm>>) target(%dma_start3A_346 : memref<32x128xf32, #tpu.memory_space<vmem>>) target_semaphore(%arg12 : memref<!tpu.dma_semaphore, #tpu.memory_space<semaphore_mem>>)
      %slice3A_349 = vector.extract_strided_slice %shift_right_arithmetic3A_25 {offsets = [9], sizes = [1], strides = [1]} : vector<16xi32> to vector<1xi32>
      %squeeze3A_350 = vector.extract %slice3A_349[0] : i32 from vector<1xi32>
      %mul3A_351 = arith.constant 128 : i32
      %mul3A_352 = arith.muli %squeeze3A_350, %mul3A_351 : i32
      %dma_start3A_353 = arith.constant 9 : i32
      %dma_start3A_354 = arith.constant 0 : i32
      %dma_start3A_355 = arith.constant 0 : i32
      %dma_start3A_356 = tpu.memref_slice %arg10[%dma_start3A_353, %dma_start3A_354, %dma_start3A_355] : memref<12x32x128xf32, #tpu.memory_space<vmem>> -> memref<1x32x128xf32, #tpu.memory_space<vmem>>
      %dma_start3A_357 = tpu.memref_squeeze %dma_start3A_356 : memref<1x32x128xf32, #tpu.memory_space<vmem>> -> memref<32x128xf32, #tpu.memory_space<vmem>>
      %dma_start3A_358 = arith.constant 0 : i32
      %dma_start3A_359 = tpu.memref_slice %arg5[%dma_start3A_358, %mul3A_352] : memref<32x1000000xf32, #tpu.memory_space<hbm>> -> memref<32x128xf32, #tpu.memory_space<hbm>>
      %dma_start3A_360 = arith.constant 0 : i32
      %dma_start3A_361 = arith.constant 0 : i32
      %dma_start3A_362 = tpu.memref_slice %arg10[%dma_start3A_353, %dma_start3A_360, %dma_start3A_361] : memref<12x32x128xf32, #tpu.memory_space<vmem>> -> memref<1x32x128xf32, #tpu.memory_space<vmem>>
      %dma_start3A_363 = tpu.memref_squeeze %dma_start3A_362 : memref<1x32x128xf32, #tpu.memory_space<vmem>> -> memref<32x128xf32, #tpu.memory_space<vmem>>
      %dma_start3A_364 = arith.constant 0 : i32
      %dma_start3A_365 = tpu.memref_slice %arg5[%dma_start3A_364, %mul3A_352] : memref<32x1000000xf32, #tpu.memory_space<hbm>> -> memref<32x128xf32, #tpu.memory_space<hbm>>
      tpu.enqueue_dma source(%dma_start3A_365 : memref<32x128xf32, #tpu.memory_space<hbm>>) target(%dma_start3A_363 : memref<32x128xf32, #tpu.memory_space<vmem>>) target_semaphore(%arg13 : memref<!tpu.dma_semaphore, #tpu.memory_space<semaphore_mem>>)
      %slice3A_366 = vector.extract_strided_slice %shift_right_arithmetic3A_20 {offsets = [10], sizes = [1], strides = [1]} : vector<16xi32> to vector<1xi32>
      %squeeze3A_367 = vector.extract %slice3A_366[0] : i32 from vector<1xi32>
      %mul3A_368 = arith.constant 128 : i32
      %mul3A_369 = arith.muli %squeeze3A_367, %mul3A_368 : i32
      %dma_start3A_370 = arith.constant 10 : i32
      %dma_start3A_371 = arith.constant 0 : i32
      %dma_start3A_372 = arith.constant 0 : i32
      %dma_start3A_373 = tpu.memref_slice %arg9[%dma_start3A_370, %dma_start3A_371, %dma_start3A_372] : memref<12x32x128xf32, #tpu.memory_space<vmem>> -> memref<1x32x128xf32, #tpu.memory_space<vmem>>
      %dma_start3A_374 = tpu.memref_squeeze %dma_start3A_373 : memref<1x32x128xf32, #tpu.memory_space<vmem>> -> memref<32x128xf32, #tpu.memory_space<vmem>>
      %dma_start3A_375 = arith.constant 0 : i32
      %dma_start3A_376 = tpu.memref_slice %arg4[%dma_start3A_375, %mul3A_369] : memref<32x1000000xf32, #tpu.memory_space<hbm>> -> memref<32x128xf32, #tpu.memory_space<hbm>>
      %dma_start3A_377 = arith.constant 0 : i32
      %dma_start3A_378 = arith.constant 0 : i32
      %dma_start3A_379 = tpu.memref_slice %arg9[%dma_start3A_370, %dma_start3A_377, %dma_start3A_378] : memref<12x32x128xf32, #tpu.memory_space<vmem>> -> memref<1x32x128xf32, #tpu.memory_space<vmem>>
      %dma_start3A_380 = tpu.memref_squeeze %dma_start3A_379 : memref<1x32x128xf32, #tpu.memory_space<vmem>> -> memref<32x128xf32, #tpu.memory_space<vmem>>
      %dma_start3A_381 = arith.constant 0 : i32
      %dma_start3A_382 = tpu.memref_slice %arg4[%dma_start3A_381, %mul3A_369] : memref<32x1000000xf32, #tpu.memory_space<hbm>> -> memref<32x128xf32, #tpu.memory_space<hbm>>
      tpu.enqueue_dma source(%dma_start3A_382 : memref<32x128xf32, #tpu.memory_space<hbm>>) target(%dma_start3A_380 : memref<32x128xf32, #tpu.memory_space<vmem>>) target_semaphore(%arg12 : memref<!tpu.dma_semaphore, #tpu.memory_space<semaphore_mem>>)
      %slice3A_383 = vector.extract_strided_slice %shift_right_arithmetic3A_25 {offsets = [10], sizes = [1], strides = [1]} : vector<16xi32> to vector<1xi32>
      %squeeze3A_384 = vector.extract %slice3A_383[0] : i32 from vector<1xi32>
      %mul3A_385 = arith.constant 128 : i32
      %mul3A_386 = arith.muli %squeeze3A_384, %mul3A_385 : i32
      %dma_start3A_387 = arith.constant 10 : i32
      %dma_start3A_388 = arith.constant 0 : i32
      %dma_start3A_389 = arith.constant 0 : i32
      %dma_start3A_390 = tpu.memref_slice %arg10[%dma_start3A_387, %dma_start3A_388, %dma_start3A_389] : memref<12x32x128xf32, #tpu.memory_space<vmem>> -> memref<1x32x128xf32, #tpu.memory_space<vmem>>
      %dma_start3A_391 = tpu.memref_squeeze %dma_start3A_390 : memref<1x32x128xf32, #tpu.memory_space<vmem>> -> memref<32x128xf32, #tpu.memory_space<vmem>>
      %dma_start3A_392 = arith.constant 0 : i32
      %dma_start3A_393 = tpu.memref_slice %arg5[%dma_start3A_392, %mul3A_386] : memref<32x1000000xf32, #tpu.memory_space<hbm>> -> memref<32x128xf32, #tpu.memory_space<hbm>>
      %dma_start3A_394 = arith.constant 0 : i32
      %dma_start3A_395 = arith.constant 0 : i32
      %dma_start3A_396 = tpu.memref_slice %arg10[%dma_start3A_387, %dma_start3A_394, %dma_start3A_395] : memref<12x32x128xf32, #tpu.memory_space<vmem>> -> memref<1x32x128xf32, #tpu.memory_space<vmem>>
      %dma_start3A_397 = tpu.memref_squeeze %dma_start3A_396 : memref<1x32x128xf32, #tpu.memory_space<vmem>> -> memref<32x128xf32, #tpu.memory_space<vmem>>
      %dma_start3A_398 = arith.constant 0 : i32
      %dma_start3A_399 = tpu.memref_slice %arg5[%dma_start3A_398, %mul3A_386] : memref<32x1000000xf32, #tpu.memory_space<hbm>> -> memref<32x128xf32, #tpu.memory_space<hbm>>
      tpu.enqueue_dma source(%dma_start3A_399 : memref<32x128xf32, #tpu.memory_space<hbm>>) target(%dma_start3A_397 : memref<32x128xf32, #tpu.memory_space<vmem>>) target_semaphore(%arg13 : memref<!tpu.dma_semaphore, #tpu.memory_space<semaphore_mem>>)
      %slice3A_400 = vector.extract_strided_slice %shift_right_arithmetic3A_20 {offsets = [11], sizes = [1], strides = [1]} : vector<16xi32> to vector<1xi32>
      %squeeze3A_401 = vector.extract %slice3A_400[0] : i32 from vector<1xi32>
      %mul3A_402 = arith.constant 128 : i32
      %mul3A_403 = arith.muli %squeeze3A_401, %mul3A_402 : i32
      %dma_start3A_404 = arith.constant 11 : i32
      %dma_start3A_405 = arith.constant 0 : i32
      %dma_start3A_406 = arith.constant 0 : i32
      %dma_start3A_407 = tpu.memref_slice %arg9[%dma_start3A_404, %dma_start3A_405, %dma_start3A_406] : memref<12x32x128xf32, #tpu.memory_space<vmem>> -> memref<1x32x128xf32, #tpu.memory_space<vmem>>
      %dma_start3A_408 = tpu.memref_squeeze %dma_start3A_407 : memref<1x32x128xf32, #tpu.memory_space<vmem>> -> memref<32x128xf32, #tpu.memory_space<vmem>>
      %dma_start3A_409 = arith.constant 0 : i32
      %dma_start3A_410 = tpu.memref_slice %arg4[%dma_start3A_409, %mul3A_403] : memref<32x1000000xf32, #tpu.memory_space<hbm>> -> memref<32x128xf32, #tpu.memory_space<hbm>>
      %dma_start3A_411 = arith.constant 0 : i32
      %dma_start3A_412 = arith.constant 0 : i32
      %dma_start3A_413 = tpu.memref_slice %arg9[%dma_start3A_404, %dma_start3A_411, %dma_start3A_412] : memref<12x32x128xf32, #tpu.memory_space<vmem>> -> memref<1x32x128xf32, #tpu.memory_space<vmem>>
      %dma_start3A_414 = tpu.memref_squeeze %dma_start3A_413 : memref<1x32x128xf32, #tpu.memory_space<vmem>> -> memref<32x128xf32, #tpu.memory_space<vmem>>
      %dma_start3A_415 = arith.constant 0 : i32
      %dma_start3A_416 = tpu.memref_slice %arg4[%dma_start3A_415, %mul3A_403] : memref<32x1000000xf32, #tpu.memory_space<hbm>> -> memref<32x128xf32, #tpu.memory_space<hbm>>
      tpu.enqueue_dma source(%dma_start3A_416 : memref<32x128xf32, #tpu.memory_space<hbm>>) target(%dma_start3A_414 : memref<32x128xf32, #tpu.memory_space<vmem>>) target_semaphore(%arg12 : memref<!tpu.dma_semaphore, #tpu.memory_space<semaphore_mem>>)
      %slice3A_417 = vector.extract_strided_slice %shift_right_arithmetic3A_25 {offsets = [11], sizes = [1], strides = [1]} : vector<16xi32> to vector<1xi32>
      %squeeze3A_418 = vector.extract %slice3A_417[0] : i32 from vector<1xi32>
      %mul3A_419 = arith.constant 128 : i32
      %mul3A_420 = arith.muli %squeeze3A_418, %mul3A_419 : i32
      %dma_start3A_421 = arith.constant 11 : i32
      %dma_start3A_422 = arith.constant 0 : i32
      %dma_start3A_423 = arith.constant 0 : i32
      %dma_start3A_424 = tpu.memref_slice %arg10[%dma_start3A_421, %dma_start3A_422, %dma_start3A_423] : memref<12x32x128xf32, #tpu.memory_space<vmem>> -> memref<1x32x128xf32, #tpu.memory_space<vmem>>
      %dma_start3A_425 = tpu.memref_squeeze %dma_start3A_424 : memref<1x32x128xf32, #tpu.memory_space<vmem>> -> memref<32x128xf32, #tpu.memory_space<vmem>>
      %dma_start3A_426 = arith.constant 0 : i32
      %dma_start3A_427 = tpu.memref_slice %arg5[%dma_start3A_426, %mul3A_420] : memref<32x1000000xf32, #tpu.memory_space<hbm>> -> memref<32x128xf32, #tpu.memory_space<hbm>>
      %dma_start3A_428 = arith.constant 0 : i32
      %dma_start3A_429 = arith.constant 0 : i32
      %dma_start3A_430 = tpu.memref_slice %arg10[%dma_start3A_421, %dma_start3A_428, %dma_start3A_429] : memref<12x32x128xf32, #tpu.memory_space<vmem>> -> memref<1x32x128xf32, #tpu.memory_space<vmem>>
      %dma_start3A_431 = tpu.memref_squeeze %dma_start3A_430 : memref<1x32x128xf32, #tpu.memory_space<vmem>> -> memref<32x128xf32, #tpu.memory_space<vmem>>
      %dma_start3A_432 = arith.constant 0 : i32
      %dma_start3A_433 = tpu.memref_slice %arg5[%dma_start3A_432, %mul3A_420] : memref<32x1000000xf32, #tpu.memory_space<hbm>> -> memref<32x128xf32, #tpu.memory_space<hbm>>
      tpu.enqueue_dma source(%dma_start3A_433 : memref<32x128xf32, #tpu.memory_space<hbm>>) target(%dma_start3A_431 : memref<32x128xf32, #tpu.memory_space<vmem>>) target_semaphore(%arg13 : memref<!tpu.dma_semaphore, #tpu.memory_space<semaphore_mem>>)
      %dma_wait3A = arith.constant 0 : i32
      %dma_wait3A_434 = arith.constant 0 : i32
      %dma_wait3A_435 = arith.constant 0 : i32
      %dma_wait3A_436 = tpu.memref_slice %arg9[%dma_wait3A, %dma_wait3A_434, %dma_wait3A_435] : memref<12x32x128xf32, #tpu.memory_space<vmem>> -> memref<1x32x128xf32, #tpu.memory_space<vmem>>
      %dma_wait3A_437 = tpu.memref_squeeze %dma_wait3A_436 : memref<1x32x128xf32, #tpu.memory_space<vmem>> -> memref<32x128xf32, #tpu.memory_space<vmem>>
      %dma_wait3A_438 = arith.constant 0 : i32
      %dma_wait3A_439 = tpu.memref_slice %arg4[%dma_wait3A_438, %mul3A_30] : memref<32x1000000xf32, #tpu.memory_space<hbm>> -> memref<32x128xf32, #tpu.memory_space<hbm>>
      %dma_wait3A_440 = arith.constant 0 : i32
      %dma_wait3A_441 = arith.constant 0 : i32
      %dma_wait3A_442 = tpu.memref_slice %arg9[%dma_wait3A, %dma_wait3A_440, %dma_wait3A_441] : memref<12x32x128xf32, #tpu.memory_space<vmem>> -> memref<1x32x128xf32, #tpu.memory_space<vmem>>
      %dma_wait3A_443 = tpu.memref_squeeze %dma_wait3A_442 : memref<1x32x128xf32, #tpu.memory_space<vmem>> -> memref<32x128xf32, #tpu.memory_space<vmem>>
      %dma_wait3A_444 = arith.constant 0 : i32
      %dma_wait3A_445 = tpu.memref_slice %arg4[%dma_wait3A_444, %mul3A_30] : memref<32x1000000xf32, #tpu.memory_space<hbm>> -> memref<32x128xf32, #tpu.memory_space<hbm>>
      tpu.wait_dma2 semaphore(%arg12 : memref<!tpu.dma_semaphore, #tpu.memory_space<semaphore_mem>>) src(%dma_wait3A_445 : memref<32x128xf32, #tpu.memory_space<hbm>>) dst(%dma_wait3A_443 : memref<32x128xf32, #tpu.memory_space<vmem>>)
      %dma_wait3A_446 = arith.constant 0 : i32
      %dma_wait3A_447 = arith.constant 0 : i32
      %dma_wait3A_448 = arith.constant 0 : i32
      %dma_wait3A_449 = tpu.memref_slice %arg10[%dma_wait3A_446, %dma_wait3A_447, %dma_wait3A_448] : memref<12x32x128xf32, #tpu.memory_space<vmem>> -> memref<1x32x128xf32, #tpu.memory_space<vmem>>
      %dma_wait3A_450 = tpu.memref_squeeze %dma_wait3A_449 : memref<1x32x128xf32, #tpu.memory_space<vmem>> -> memref<32x128xf32, #tpu.memory_space<vmem>>
      %dma_wait3A_451 = arith.constant 0 : i32
      %dma_wait3A_452 = tpu.memref_slice %arg5[%dma_wait3A_451, %mul3A_46] : memref<32x1000000xf32, #tpu.memory_space<hbm>> -> memref<32x128xf32, #tpu.memory_space<hbm>>
      %dma_wait3A_453 = arith.constant 0 : i32
      %dma_wait3A_454 = arith.constant 0 : i32
      %dma_wait3A_455 = tpu.memref_slice %arg10[%dma_wait3A_446, %dma_wait3A_453, %dma_wait3A_454] : memref<12x32x128xf32, #tpu.memory_space<vmem>> -> memref<1x32x128xf32, #tpu.memory_space<vmem>>
      %dma_wait3A_456 = tpu.memref_squeeze %dma_wait3A_455 : memref<1x32x128xf32, #tpu.memory_space<vmem>> -> memref<32x128xf32, #tpu.memory_space<vmem>>
      %dma_wait3A_457 = arith.constant 0 : i32
      %dma_wait3A_458 = tpu.memref_slice %arg5[%dma_wait3A_457, %mul3A_46] : memref<32x1000000xf32, #tpu.memory_space<hbm>> -> memref<32x128xf32, #tpu.memory_space<hbm>>
      tpu.wait_dma2 semaphore(%arg13 : memref<!tpu.dma_semaphore, #tpu.memory_space<semaphore_mem>>) src(%dma_wait3A_458 : memref<32x128xf32, #tpu.memory_space<hbm>>) dst(%dma_wait3A_456 : memref<32x128xf32, #tpu.memory_space<vmem>>)
      %dma_wait3A_459 = arith.constant 1 : i32
      %dma_wait3A_460 = arith.constant 0 : i32
      %dma_wait3A_461 = arith.constant 0 : i32
      %dma_wait3A_462 = tpu.memref_slice %arg9[%dma_wait3A_459, %dma_wait3A_460, %dma_wait3A_461] : memref<12x32x128xf32, #tpu.memory_space<vmem>> -> memref<1x32x128xf32, #tpu.memory_space<vmem>>
      %dma_wait3A_463 = tpu.memref_squeeze %dma_wait3A_462 : memref<1x32x128xf32, #tpu.memory_space<vmem>> -> memref<32x128xf32, #tpu.memory_space<vmem>>
      %dma_wait3A_464 = arith.constant 0 : i32
      %dma_wait3A_465 = tpu.memref_slice %arg4[%dma_wait3A_464, %mul3A_63] : memref<32x1000000xf32, #tpu.memory_space<hbm>> -> memref<32x128xf32, #tpu.memory_space<hbm>>
      %dma_wait3A_466 = arith.constant 0 : i32
      %dma_wait3A_467 = arith.constant 0 : i32
      %dma_wait3A_468 = tpu.memref_slice %arg9[%dma_wait3A_459, %dma_wait3A_466, %dma_wait3A_467] : memref<12x32x128xf32, #tpu.memory_space<vmem>> -> memref<1x32x128xf32, #tpu.memory_space<vmem>>
      %dma_wait3A_469 = tpu.memref_squeeze %dma_wait3A_468 : memref<1x32x128xf32, #tpu.memory_space<vmem>> -> memref<32x128xf32, #tpu.memory_space<vmem>>
      %dma_wait3A_470 = arith.constant 0 : i32
      %dma_wait3A_471 = tpu.memref_slice %arg4[%dma_wait3A_470, %mul3A_63] : memref<32x1000000xf32, #tpu.memory_space<hbm>> -> memref<32x128xf32, #tpu.memory_space<hbm>>
      tpu.wait_dma2 semaphore(%arg12 : memref<!tpu.dma_semaphore, #tpu.memory_space<semaphore_mem>>) src(%dma_wait3A_471 : memref<32x128xf32, #tpu.memory_space<hbm>>) dst(%dma_wait3A_469 : memref<32x128xf32, #tpu.memory_space<vmem>>)
      %dma_wait3A_472 = arith.constant 1 : i32
      %dma_wait3A_473 = arith.constant 0 : i32
      %dma_wait3A_474 = arith.constant 0 : i32
      %dma_wait3A_475 = tpu.memref_slice %arg10[%dma_wait3A_472, %dma_wait3A_473, %dma_wait3A_474] : memref<12x32x128xf32, #tpu.memory_space<vmem>> -> memref<1x32x128xf32, #tpu.memory_space<vmem>>
      %dma_wait3A_476 = tpu.memref_squeeze %dma_wait3A_475 : memref<1x32x128xf32, #tpu.memory_space<vmem>> -> memref<32x128xf32, #tpu.memory_space<vmem>>
      %dma_wait3A_477 = arith.constant 0 : i32
      %dma_wait3A_478 = tpu.memref_slice %arg5[%dma_wait3A_477, %mul3A_80] : memref<32x1000000xf32, #tpu.memory_space<hbm>> -> memref<32x128xf32, #tpu.memory_space<hbm>>
      %dma_wait3A_479 = arith.constant 0 : i32
      %dma_wait3A_480 = arith.constant 0 : i32
      %dma_wait3A_481 = tpu.memref_slice %arg10[%dma_wait3A_472, %dma_wait3A_479, %dma_wait3A_480] : memref<12x32x128xf32, #tpu.memory_space<vmem>> -> memref<1x32x128xf32, #tpu.memory_space<vmem>>
      %dma_wait3A_482 = tpu.memref_squeeze %dma_wait3A_481 : memref<1x32x128xf32, #tpu.memory_space<vmem>> -> memref<32x128xf32, #tpu.memory_space<vmem>>
      %dma_wait3A_483 = arith.constant 0 : i32
      %dma_wait3A_484 = tpu.memref_slice %arg5[%dma_wait3A_483, %mul3A_80] : memref<32x1000000xf32, #tpu.memory_space<hbm>> -> memref<32x128xf32, #tpu.memory_space<hbm>>
      tpu.wait_dma2 semaphore(%arg13 : memref<!tpu.dma_semaphore, #tpu.memory_space<semaphore_mem>>) src(%dma_wait3A_484 : memref<32x128xf32, #tpu.memory_space<hbm>>) dst(%dma_wait3A_482 : memref<32x128xf32, #tpu.memory_space<vmem>>)
      %dma_wait3A_485 = arith.constant 2 : i32
      %dma_wait3A_486 = arith.constant 0 : i32
      %dma_wait3A_487 = arith.constant 0 : i32
      %dma_wait3A_488 = tpu.memref_slice %arg9[%dma_wait3A_485, %dma_wait3A_486, %dma_wait3A_487] : memref<12x32x128xf32, #tpu.memory_space<vmem>> -> memref<1x32x128xf32, #tpu.memory_space<vmem>>
      %dma_wait3A_489 = tpu.memref_squeeze %dma_wait3A_488 : memref<1x32x128xf32, #tpu.memory_space<vmem>> -> memref<32x128xf32, #tpu.memory_space<vmem>>
      %dma_wait3A_490 = arith.constant 0 : i32
      %dma_wait3A_491 = tpu.memref_slice %arg4[%dma_wait3A_490, %mul3A_97] : memref<32x1000000xf32, #tpu.memory_space<hbm>> -> memref<32x128xf32, #tpu.memory_space<hbm>>
      %dma_wait3A_492 = arith.constant 0 : i32
      %dma_wait3A_493 = arith.constant 0 : i32
      %dma_wait3A_494 = tpu.memref_slice %arg9[%dma_wait3A_485, %dma_wait3A_492, %dma_wait3A_493] : memref<12x32x128xf32, #tpu.memory_space<vmem>> -> memref<1x32x128xf32, #tpu.memory_space<vmem>>
      %dma_wait3A_495 = tpu.memref_squeeze %dma_wait3A_494 : memref<1x32x128xf32, #tpu.memory_space<vmem>> -> memref<32x128xf32, #tpu.memory_space<vmem>>
      %dma_wait3A_496 = arith.constant 0 : i32
      %dma_wait3A_497 = tpu.memref_slice %arg4[%dma_wait3A_496, %mul3A_97] : memref<32x1000000xf32, #tpu.memory_space<hbm>> -> memref<32x128xf32, #tpu.memory_space<hbm>>
      tpu.wait_dma2 semaphore(%arg12 : memref<!tpu.dma_semaphore, #tpu.memory_space<semaphore_mem>>) src(%dma_wait3A_497 : memref<32x128xf32, #tpu.memory_space<hbm>>) dst(%dma_wait3A_495 : memref<32x128xf32, #tpu.memory_space<vmem>>)
      %dma_wait3A_498 = arith.constant 2 : i32
      %dma_wait3A_499 = arith.constant 0 : i32
      %dma_wait3A_500 = arith.constant 0 : i32
      %dma_wait3A_501 = tpu.memref_slice %arg10[%dma_wait3A_498, %dma_wait3A_499, %dma_wait3A_500] : memref<12x32x128xf32, #tpu.memory_space<vmem>> -> memref<1x32x128xf32, #tpu.memory_space<vmem>>
      %dma_wait3A_502 = tpu.memref_squeeze %dma_wait3A_501 : memref<1x32x128xf32, #tpu.memory_space<vmem>> -> memref<32x128xf32, #tpu.memory_space<vmem>>
      %dma_wait3A_503 = arith.constant 0 : i32
      %dma_wait3A_504 = tpu.memref_slice %arg5[%dma_wait3A_503, %mul3A_114] : memref<32x1000000xf32, #tpu.memory_space<hbm>> -> memref<32x128xf32, #tpu.memory_space<hbm>>
      %dma_wait3A_505 = arith.constant 0 : i32
      %dma_wait3A_506 = arith.constant 0 : i32
      %dma_wait3A_507 = tpu.memref_slice %arg10[%dma_wait3A_498, %dma_wait3A_505, %dma_wait3A_506] : memref<12x32x128xf32, #tpu.memory_space<vmem>> -> memref<1x32x128xf32, #tpu.memory_space<vmem>>
      %dma_wait3A_508 = tpu.memref_squeeze %dma_wait3A_507 : memref<1x32x128xf32, #tpu.memory_space<vmem>> -> memref<32x128xf32, #tpu.memory_space<vmem>>
      %dma_wait3A_509 = arith.constant 0 : i32
      %dma_wait3A_510 = tpu.memref_slice %arg5[%dma_wait3A_509, %mul3A_114] : memref<32x1000000xf32, #tpu.memory_space<hbm>> -> memref<32x128xf32, #tpu.memory_space<hbm>>
      tpu.wait_dma2 semaphore(%arg13 : memref<!tpu.dma_semaphore, #tpu.memory_space<semaphore_mem>>) src(%dma_wait3A_510 : memref<32x128xf32, #tpu.memory_space<hbm>>) dst(%dma_wait3A_508 : memref<32x128xf32, #tpu.memory_space<vmem>>)
      %dma_wait3A_511 = arith.constant 3 : i32
      %dma_wait3A_512 = arith.constant 0 : i32
      %dma_wait3A_513 = arith.constant 0 : i32
      %dma_wait3A_514 = tpu.memref_slice %arg9[%dma_wait3A_511, %dma_wait3A_512, %dma_wait3A_513] : memref<12x32x128xf32, #tpu.memory_space<vmem>> -> memref<1x32x128xf32, #tpu.memory_space<vmem>>
      %dma_wait3A_515 = tpu.memref_squeeze %dma_wait3A_514 : memref<1x32x128xf32, #tpu.memory_space<vmem>> -> memref<32x128xf32, #tpu.memory_space<vmem>>
      %dma_wait3A_516 = arith.constant 0 : i32
      %dma_wait3A_517 = tpu.memref_slice %arg4[%dma_wait3A_516, %mul3A_131] : memref<32x1000000xf32, #tpu.memory_space<hbm>> -> memref<32x128xf32, #tpu.memory_space<hbm>>
      %dma_wait3A_518 = arith.constant 0 : i32
      %dma_wait3A_519 = arith.constant 0 : i32
      %dma_wait3A_520 = tpu.memref_slice %arg9[%dma_wait3A_511, %dma_wait3A_518, %dma_wait3A_519] : memref<12x32x128xf32, #tpu.memory_space<vmem>> -> memref<1x32x128xf32, #tpu.memory_space<vmem>>
      %dma_wait3A_521 = tpu.memref_squeeze %dma_wait3A_520 : memref<1x32x128xf32, #tpu.memory_space<vmem>> -> memref<32x128xf32, #tpu.memory_space<vmem>>
      %dma_wait3A_522 = arith.constant 0 : i32
      %dma_wait3A_523 = tpu.memref_slice %arg4[%dma_wait3A_522, %mul3A_131] : memref<32x1000000xf32, #tpu.memory_space<hbm>> -> memref<32x128xf32, #tpu.memory_space<hbm>>
      tpu.wait_dma2 semaphore(%arg12 : memref<!tpu.dma_semaphore, #tpu.memory_space<semaphore_mem>>) src(%dma_wait3A_523 : memref<32x128xf32, #tpu.memory_space<hbm>>) dst(%dma_wait3A_521 : memref<32x128xf32, #tpu.memory_space<vmem>>)
      %dma_wait3A_524 = arith.constant 3 : i32
      %dma_wait3A_525 = arith.constant 0 : i32
      %dma_wait3A_526 = arith.constant 0 : i32
      %dma_wait3A_527 = tpu.memref_slice %arg10[%dma_wait3A_524, %dma_wait3A_525, %dma_wait3A_526] : memref<12x32x128xf32, #tpu.memory_space<vmem>> -> memref<1x32x128xf32, #tpu.memory_space<vmem>>
      %dma_wait3A_528 = tpu.memref_squeeze %dma_wait3A_527 : memref<1x32x128xf32, #tpu.memory_space<vmem>> -> memref<32x128xf32, #tpu.memory_space<vmem>>
      %dma_wait3A_529 = arith.constant 0 : i32
      %dma_wait3A_530 = tpu.memref_slice %arg5[%dma_wait3A_529, %mul3A_148] : memref<32x1000000xf32, #tpu.memory_space<hbm>> -> memref<32x128xf32, #tpu.memory_space<hbm>>
      %dma_wait3A_531 = arith.constant 0 : i32
      %dma_wait3A_532 = arith.constant 0 : i32
      %dma_wait3A_533 = tpu.memref_slice %arg10[%dma_wait3A_524, %dma_wait3A_531, %dma_wait3A_532] : memref<12x32x128xf32, #tpu.memory_space<vmem>> -> memref<1x32x128xf32, #tpu.memory_space<vmem>>
      %dma_wait3A_534 = tpu.memref_squeeze %dma_wait3A_533 : memref<1x32x128xf32, #tpu.memory_space<vmem>> -> memref<32x128xf32, #tpu.memory_space<vmem>>
      %dma_wait3A_535 = arith.constant 0 : i32
      %dma_wait3A_536 = tpu.memref_slice %arg5[%dma_wait3A_535, %mul3A_148] : memref<32x1000000xf32, #tpu.memory_space<hbm>> -> memref<32x128xf32, #tpu.memory_space<hbm>>
      tpu.wait_dma2 semaphore(%arg13 : memref<!tpu.dma_semaphore, #tpu.memory_space<semaphore_mem>>) src(%dma_wait3A_536 : memref<32x128xf32, #tpu.memory_space<hbm>>) dst(%dma_wait3A_534 : memref<32x128xf32, #tpu.memory_space<vmem>>)
      %mul3A_537 = arith.constant 16 : i32
      %mul3A_538 = arith.muli %scan3A_11, %mul3A_537 : i32
      %add3A_539 = arith.constant 0 : i32
      %add3A_540 = arith.addi %mul3A_538, %add3A_539 : i32
      %broadcast_in_dim3A = vector.broadcast %add3A_540 : i32 to vector<16xi32>
      %slice3A_541 = vector.extract_strided_slice %and3A_22 {offsets = [0], sizes = [1], strides = [1]} : vector<16xi32> to vector<1xi32>
      %squeeze3A_542 = vector.extract %slice3A_541[0] : i32 from vector<1xi32>
      %broadcast_in_dim3A_543 = vector.broadcast %squeeze3A_542 : i32 to vector<16xi32>
      %slice3A_544 = vector.extract_strided_slice %and3A_28 {offsets = [0], sizes = [1], strides = [1]} : vector<16xi32> to vector<1xi32>
      %squeeze3A_545 = vector.extract %slice3A_544[0] : i32 from vector<1xi32>
      %broadcast_in_dim3A_546 = vector.broadcast %squeeze3A_545 : i32 to vector<16xi32>
      %gather3A = arith.constant 0 : i32
      %gather3A_547 = arith.constant 0 : i32
      %gather3A_548 = arith.constant 0 : i32
      %gather3A_549 = tpu.memref_slice %arg9[%gather3A, %gather3A_547, %gather3A_548] : memref<12x32x128xf32, #tpu.memory_space<vmem>> -> memref<1x32x128xf32, #tpu.memory_space<vmem>>
      %gather3A_550 = tpu.memref_squeeze %gather3A_549 : memref<1x32x128xf32, #tpu.memory_space<vmem>> -> memref<32x128xf32, #tpu.memory_space<vmem>>
      %gather3A_551 = tpu.vector_load_idx %gather3A_550[%iota3A, %broadcast_in_dim3A_543] : memref<32x128xf32, #tpu.memory_space<vmem>>[vector<16xi32>, vector<16xi32>], vector<16xf32>,
      %gather3A_552 = arith.constant 0 : i32
      %gather3A_553 = arith.constant 0 : i32
      %gather3A_554 = arith.constant 0 : i32
      %gather3A_555 = tpu.memref_slice %arg10[%gather3A_552, %gather3A_553, %gather3A_554] : memref<12x32x128xf32, #tpu.memory_space<vmem>> -> memref<1x32x128xf32, #tpu.memory_space<vmem>>
      %gather3A_556 = tpu.memref_squeeze %gather3A_555 : memref<1x32x128xf32, #tpu.memory_space<vmem>> -> memref<32x128xf32, #tpu.memory_space<vmem>>
      %gather3A_557 = tpu.vector_load_idx %gather3A_556[%iota3A, %broadcast_in_dim3A_546] : memref<32x128xf32, #tpu.memory_space<vmem>>[vector<16xi32>, vector<16xi32>], vector<16xf32>,
      %mul3A_558 = arith.mulf %gather3A_551, %gather3A_557 : vector<16xf32>
      tpu.vector_store_idx %arg11[%iota3A, %broadcast_in_dim3A], %mul3A_558 : memref<32x512xf32, #tpu.memory_space<vmem>>[vector<16xi32>, vector<16xi32>], vector<16xf32>,
      %gather3A_559 = arith.constant 0 : i32
      %gather3A_560 = arith.constant 0 : i32
      %gather3A_561 = arith.constant 0 : i32
      %gather3A_562 = tpu.memref_slice %arg9[%gather3A_559, %gather3A_560, %gather3A_561] : memref<12x32x128xf32, #tpu.memory_space<vmem>> -> memref<1x32x128xf32, #tpu.memory_space<vmem>>
      %gather3A_563 = tpu.memref_squeeze %gather3A_562 : memref<1x32x128xf32, #tpu.memory_space<vmem>> -> memref<32x128xf32, #tpu.memory_space<vmem>>
      %gather3A_564 = tpu.vector_load_idx %gather3A_563[%add3A_5, %broadcast_in_dim3A_543] : memref<32x128xf32, #tpu.memory_space<vmem>>[vector<16xi32>, vector<16xi32>], vector<16xf32>,
      %gather3A_565 = arith.constant 0 : i32
      %gather3A_566 = arith.constant 0 : i32
      %gather3A_567 = arith.constant 0 : i32
      %gather3A_568 = tpu.memref_slice %arg10[%gather3A_565, %gather3A_566, %gather3A_567] : memref<12x32x128xf32, #tpu.memory_space<vmem>> -> memref<1x32x128xf32, #tpu.memory_space<vmem>>
      %gather3A_569 = tpu.memref_squeeze %gather3A_568 : memref<1x32x128xf32, #tpu.memory_space<vmem>> -> memref<32x128xf32, #tpu.memory_space<vmem>>
      %gather3A_570 = tpu.vector_load_idx %gather3A_569[%add3A_5, %broadcast_in_dim3A_546] : memref<32x128xf32, #tpu.memory_space<vmem>>[vector<16xi32>, vector<16xi32>], vector<16xf32>,
      %mul3A_571 = arith.mulf %gather3A_564, %gather3A_570 : vector<16xf32>
      tpu.vector_store_idx %arg11[%add3A_5, %broadcast_in_dim3A], %mul3A_571 : memref<32x512xf32, #tpu.memory_space<vmem>>[vector<16xi32>, vector<16xi32>], vector<16xf32>,
      %mul3A_572 = arith.constant 16 : i32
      %mul3A_573 = arith.muli %scan3A_11, %mul3A_572 : i32
      %add3A_574 = arith.constant 1 : i32
      %add3A_575 = arith.addi %mul3A_573, %add3A_574 : i32
      %broadcast_in_dim3A_576 = vector.broadcast %add3A_575 : i32 to vector<16xi32>
      %slice3A_577 = vector.extract_strided_slice %and3A_22 {offsets = [1], sizes = [1], strides = [1]} : vector<16xi32> to vector<1xi32>
      %squeeze3A_578 = vector.extract %slice3A_577[0] : i32 from vector<1xi32>
      %broadcast_in_dim3A_579 = vector.broadcast %squeeze3A_578 : i32 to vector<16xi32>
      %slice3A_580 = vector.extract_strided_slice %and3A_28 {offsets = [1], sizes = [1], strides = [1]} : vector<16xi32> to vector<1xi32>
      %squeeze3A_581 = vector.extract %slice3A_580[0] : i32 from vector<1xi32>
      %broadcast_in_dim3A_582 = vector.broadcast %squeeze3A_581 : i32 to vector<16xi32>
      %gather3A_583 = arith.constant 1 : i32
      %gather3A_584 = arith.constant 0 : i32
      %gather3A_585 = arith.constant 0 : i32
      %gather3A_586 = tpu.memref_slice %arg9[%gather3A_583, %gather3A_584, %gather3A_585] : memref<12x32x128xf32, #tpu.memory_space<vmem>> -> memref<1x32x128xf32, #tpu.memory_space<vmem>>
      %gather3A_587 = tpu.memref_squeeze %gather3A_586 : memref<1x32x128xf32, #tpu.memory_space<vmem>> -> memref<32x128xf32, #tpu.memory_space<vmem>>
      %gather3A_588 = tpu.vector_load_idx %gather3A_587[%iota3A, %broadcast_in_dim3A_579] : memref<32x128xf32, #tpu.memory_space<vmem>>[vector<16xi32>, vector<16xi32>], vector<16xf32>,
      %gather3A_589 = arith.constant 1 : i32
      %gather3A_590 = arith.constant 0 : i32
      %gather3A_591 = arith.constant 0 : i32
      %gather3A_592 = tpu.memref_slice %arg10[%gather3A_589, %gather3A_590, %gather3A_591] : memref<12x32x128xf32, #tpu.memory_space<vmem>> -> memref<1x32x128xf32, #tpu.memory_space<vmem>>
      %gather3A_593 = tpu.memref_squeeze %gather3A_592 : memref<1x32x128xf32, #tpu.memory_space<vmem>> -> memref<32x128xf32, #tpu.memory_space<vmem>>
      %gather3A_594 = tpu.vector_load_idx %gather3A_593[%iota3A, %broadcast_in_dim3A_582] : memref<32x128xf32, #tpu.memory_space<vmem>>[vector<16xi32>, vector<16xi32>], vector<16xf32>,
      %mul3A_595 = arith.mulf %gather3A_588, %gather3A_594 : vector<16xf32>
      tpu.vector_store_idx %arg11[%iota3A, %broadcast_in_dim3A_576], %mul3A_595 : memref<32x512xf32, #tpu.memory_space<vmem>>[vector<16xi32>, vector<16xi32>], vector<16xf32>,
      %gather3A_596 = arith.constant 1 : i32
      %gather3A_597 = arith.constant 0 : i32
      %gather3A_598 = arith.constant 0 : i32
      %gather3A_599 = tpu.memref_slice %arg9[%gather3A_596, %gather3A_597, %gather3A_598] : memref<12x32x128xf32, #tpu.memory_space<vmem>> -> memref<1x32x128xf32, #tpu.memory_space<vmem>>
      %gather3A_600 = tpu.memref_squeeze %gather3A_599 : memref<1x32x128xf32, #tpu.memory_space<vmem>> -> memref<32x128xf32, #tpu.memory_space<vmem>>
      %gather3A_601 = tpu.vector_load_idx %gather3A_600[%add3A_5, %broadcast_in_dim3A_579] : memref<32x128xf32, #tpu.memory_space<vmem>>[vector<16xi32>, vector<16xi32>], vector<16xf32>,
      %gather3A_602 = arith.constant 1 : i32
      %gather3A_603 = arith.constant 0 : i32
      %gather3A_604 = arith.constant 0 : i32
      %gather3A_605 = tpu.memref_slice %arg10[%gather3A_602, %gather3A_603, %gather3A_604] : memref<12x32x128xf32, #tpu.memory_space<vmem>> -> memref<1x32x128xf32, #tpu.memory_space<vmem>>
      %gather3A_606 = tpu.memref_squeeze %gather3A_605 : memref<1x32x128xf32, #tpu.memory_space<vmem>> -> memref<32x128xf32, #tpu.memory_space<vmem>>
      %gather3A_607 = tpu.vector_load_idx %gather3A_606[%add3A_5, %broadcast_in_dim3A_582] : memref<32x128xf32, #tpu.memory_space<vmem>>[vector<16xi32>, vector<16xi32>], vector<16xf32>,
      %mul3A_608 = arith.mulf %gather3A_601, %gather3A_607 : vector<16xf32>
      tpu.vector_store_idx %arg11[%add3A_5, %broadcast_in_dim3A_576], %mul3A_608 : memref<32x512xf32, #tpu.memory_space<vmem>>[vector<16xi32>, vector<16xi32>], vector<16xf32>,
      %mul3A_609 = arith.constant 16 : i32
      %mul3A_610 = arith.muli %scan3A_11, %mul3A_609 : i32
      %add3A_611 = arith.constant 2 : i32
      %add3A_612 = arith.addi %mul3A_610, %add3A_611 : i32
      %broadcast_in_dim3A_613 = vector.broadcast %add3A_612 : i32 to vector<16xi32>
      %slice3A_614 = vector.extract_strided_slice %and3A_22 {offsets = [2], sizes = [1], strides = [1]} : vector<16xi32> to vector<1xi32>
      %squeeze3A_615 = vector.extract %slice3A_614[0] : i32 from vector<1xi32>
      %broadcast_in_dim3A_616 = vector.broadcast %squeeze3A_615 : i32 to vector<16xi32>
      %slice3A_617 = vector.extract_strided_slice %and3A_28 {offsets = [2], sizes = [1], strides = [1]} : vector<16xi32> to vector<1xi32>
      %squeeze3A_618 = vector.extract %slice3A_617[0] : i32 from vector<1xi32>
      %broadcast_in_dim3A_619 = vector.broadcast %squeeze3A_618 : i32 to vector<16xi32>
      %gather3A_620 = arith.constant 2 : i32
      %gather3A_621 = arith.constant 0 : i32
      %gather3A_622 = arith.constant 0 : i32
      %gather3A_623 = tpu.memref_slice %arg9[%gather3A_620, %gather3A_621, %gather3A_622] : memref<12x32x128xf32, #tpu.memory_space<vmem>> -> memref<1x32x128xf32, #tpu.memory_space<vmem>>
      %gather3A_624 = tpu.memref_squeeze %gather3A_623 : memref<1x32x128xf32, #tpu.memory_space<vmem>> -> memref<32x128xf32, #tpu.memory_space<vmem>>
      %gather3A_625 = tpu.vector_load_idx %gather3A_624[%iota3A, %broadcast_in_dim3A_616] : memref<32x128xf32, #tpu.memory_space<vmem>>[vector<16xi32>, vector<16xi32>], vector<16xf32>,
      %gather3A_626 = arith.constant 2 : i32
      %gather3A_627 = arith.constant 0 : i32
      %gather3A_628 = arith.constant 0 : i32
      %gather3A_629 = tpu.memref_slice %arg10[%gather3A_626, %gather3A_627, %gather3A_628] : memref<12x32x128xf32, #tpu.memory_space<vmem>> -> memref<1x32x128xf32, #tpu.memory_space<vmem>>
      %gather3A_630 = tpu.memref_squeeze %gather3A_629 : memref<1x32x128xf32, #tpu.memory_space<vmem>> -> memref<32x128xf32, #tpu.memory_space<vmem>>
      %gather3A_631 = tpu.vector_load_idx %gather3A_630[%iota3A, %broadcast_in_dim3A_619] : memref<32x128xf32, #tpu.memory_space<vmem>>[vector<16xi32>, vector<16xi32>], vector<16xf32>,
      %mul3A_632 = arith.mulf %gather3A_625, %gather3A_631 : vector<16xf32>
      tpu.vector_store_idx %arg11[%iota3A, %broadcast_in_dim3A_613], %mul3A_632 : memref<32x512xf32, #tpu.memory_space<vmem>>[vector<16xi32>, vector<16xi32>], vector<16xf32>,
      %gather3A_633 = arith.constant 2 : i32
      %gather3A_634 = arith.constant 0 : i32
      %gather3A_635 = arith.constant 0 : i32
      %gather3A_636 = tpu.memref_slice %arg9[%gather3A_633, %gather3A_634, %gather3A_635] : memref<12x32x128xf32, #tpu.memory_space<vmem>> -> memref<1x32x128xf32, #tpu.memory_space<vmem>>
      %gather3A_637 = tpu.memref_squeeze %gather3A_636 : memref<1x32x128xf32, #tpu.memory_space<vmem>> -> memref<32x128xf32, #tpu.memory_space<vmem>>
      %gather3A_638 = tpu.vector_load_idx %gather3A_637[%add3A_5, %broadcast_in_dim3A_616] : memref<32x128xf32, #tpu.memory_space<vmem>>[vector<16xi32>, vector<16xi32>], vector<16xf32>,
      %gather3A_639 = arith.constant 2 : i32
      %gather3A_640 = arith.constant 0 : i32
      %gather3A_641 = arith.constant 0 : i32
      %gather3A_642 = tpu.memref_slice %arg10[%gather3A_639, %gather3A_640, %gather3A_641] : memref<12x32x128xf32, #tpu.memory_space<vmem>> -> memref<1x32x128xf32, #tpu.memory_space<vmem>>
      %gather3A_643 = tpu.memref_squeeze %gather3A_642 : memref<1x32x128xf32, #tpu.memory_space<vmem>> -> memref<32x128xf32, #tpu.memory_space<vmem>>
      %gather3A_644 = tpu.vector_load_idx %gather3A_643[%add3A_5, %broadcast_in_dim3A_619] : memref<32x128xf32, #tpu.memory_space<vmem>>[vector<16xi32>, vector<16xi32>], vector<16xf32>,
      %mul3A_645 = arith.mulf %gather3A_638, %gather3A_644 : vector<16xf32>
      tpu.vector_store_idx %arg11[%add3A_5, %broadcast_in_dim3A_613], %mul3A_645 : memref<32x512xf32, #tpu.memory_space<vmem>>[vector<16xi32>, vector<16xi32>], vector<16xf32>,
      %mul3A_646 = arith.constant 16 : i32
      %mul3A_647 = arith.muli %scan3A_11, %mul3A_646 : i32
      %add3A_648 = arith.constant 3 : i32
      %add3A_649 = arith.addi %mul3A_647, %add3A_648 : i32
      %broadcast_in_dim3A_650 = vector.broadcast %add3A_649 : i32 to vector<16xi32>
      %slice3A_651 = vector.extract_strided_slice %and3A_22 {offsets = [3], sizes = [1], strides = [1]} : vector<16xi32> to vector<1xi32>
      %squeeze3A_652 = vector.extract %slice3A_651[0] : i32 from vector<1xi32>
      %broadcast_in_dim3A_653 = vector.broadcast %squeeze3A_652 : i32 to vector<16xi32>
      %slice3A_654 = vector.extract_strided_slice %and3A_28 {offsets = [3], sizes = [1], strides = [1]} : vector<16xi32> to vector<1xi32>
      %squeeze3A_655 = vector.extract %slice3A_654[0] : i32 from vector<1xi32>
      %broadcast_in_dim3A_656 = vector.broadcast %squeeze3A_655 : i32 to vector<16xi32>
      %gather3A_657 = arith.constant 3 : i32
      %gather3A_658 = arith.constant 0 : i32
      %gather3A_659 = arith.constant 0 : i32
      %gather3A_660 = tpu.memref_slice %arg9[%gather3A_657, %gather3A_658, %gather3A_659] : memref<12x32x128xf32, #tpu.memory_space<vmem>> -> memref<1x32x128xf32, #tpu.memory_space<vmem>>
      %gather3A_661 = tpu.memref_squeeze %gather3A_660 : memref<1x32x128xf32, #tpu.memory_space<vmem>> -> memref<32x128xf32, #tpu.memory_space<vmem>>
      %gather3A_662 = tpu.vector_load_idx %gather3A_661[%iota3A, %broadcast_in_dim3A_653] : memref<32x128xf32, #tpu.memory_space<vmem>>[vector<16xi32>, vector<16xi32>], vector<16xf32>,
      %gather3A_663 = arith.constant 3 : i32
      %gather3A_664 = arith.constant 0 : i32
      %gather3A_665 = arith.constant 0 : i32
      %gather3A_666 = tpu.memref_slice %arg10[%gather3A_663, %gather3A_664, %gather3A_665] : memref<12x32x128xf32, #tpu.memory_space<vmem>> -> memref<1x32x128xf32, #tpu.memory_space<vmem>>
      %gather3A_667 = tpu.memref_squeeze %gather3A_666 : memref<1x32x128xf32, #tpu.memory_space<vmem>> -> memref<32x128xf32, #tpu.memory_space<vmem>>
      %gather3A_668 = tpu.vector_load_idx %gather3A_667[%iota3A, %broadcast_in_dim3A_656] : memref<32x128xf32, #tpu.memory_space<vmem>>[vector<16xi32>, vector<16xi32>], vector<16xf32>,
      %mul3A_669 = arith.mulf %gather3A_662, %gather3A_668 : vector<16xf32>
      tpu.vector_store_idx %arg11[%iota3A, %broadcast_in_dim3A_650], %mul3A_669 : memref<32x512xf32, #tpu.memory_space<vmem>>[vector<16xi32>, vector<16xi32>], vector<16xf32>,
      %gather3A_670 = arith.constant 3 : i32
      %gather3A_671 = arith.constant 0 : i32
      %gather3A_672 = arith.constant 0 : i32
      %gather3A_673 = tpu.memref_slice %arg9[%gather3A_670, %gather3A_671, %gather3A_672] : memref<12x32x128xf32, #tpu.memory_space<vmem>> -> memref<1x32x128xf32, #tpu.memory_space<vmem>>
      %gather3A_674 = tpu.memref_squeeze %gather3A_673 : memref<1x32x128xf32, #tpu.memory_space<vmem>> -> memref<32x128xf32, #tpu.memory_space<vmem>>
      %gather3A_675 = tpu.vector_load_idx %gather3A_674[%add3A_5, %broadcast_in_dim3A_653] : memref<32x128xf32, #tpu.memory_space<vmem>>[vector<16xi32>, vector<16xi32>], vector<16xf32>,
      %gather3A_676 = arith.constant 3 : i32
      %gather3A_677 = arith.constant 0 : i32
      %gather3A_678 = arith.constant 0 : i32
      %gather3A_679 = tpu.memref_slice %arg10[%gather3A_676, %gather3A_677, %gather3A_678] : memref<12x32x128xf32, #tpu.memory_space<vmem>> -> memref<1x32x128xf32, #tpu.memory_space<vmem>>
      %gather3A_680 = tpu.memref_squeeze %gather3A_679 : memref<1x32x128xf32, #tpu.memory_space<vmem>> -> memref<32x128xf32, #tpu.memory_space<vmem>>
      %gather3A_681 = tpu.vector_load_idx %gather3A_680[%add3A_5, %broadcast_in_dim3A_656] : memref<32x128xf32, #tpu.memory_space<vmem>>[vector<16xi32>, vector<16xi32>], vector<16xf32>,
      %mul3A_682 = arith.mulf %gather3A_675, %gather3A_681 : vector<16xf32>
      tpu.vector_store_idx %arg11[%add3A_5, %broadcast_in_dim3A_650], %mul3A_682 : memref<32x512xf32, #tpu.memory_space<vmem>>[vector<16xi32>, vector<16xi32>], vector<16xf32>,
      %slice3A_683 = vector.extract_strided_slice %shift_right_arithmetic3A_20 {offsets = [12], sizes = [1], strides = [1]} : vector<16xi32> to vector<1xi32>
      %squeeze3A_684 = vector.extract %slice3A_683[0] : i32 from vector<1xi32>
      %mul3A_685 = arith.constant 128 : i32
      %mul3A_686 = arith.muli %squeeze3A_684, %mul3A_685 : i32
      %dma_start3A_687 = arith.constant 0 : i32
      %dma_start3A_688 = arith.constant 0 : i32
      %dma_start3A_689 = arith.constant 0 : i32
      %dma_start3A_690 = tpu.memref_slice %arg9[%dma_start3A_687, %dma_start3A_688, %dma_start3A_689] : memref<12x32x128xf32, #tpu.memory_space<vmem>> -> memref<1x32x128xf32, #tpu.memory_space<vmem>>
      %dma_start3A_691 = tpu.memref_squeeze %dma_start3A_690 : memref<1x32x128xf32, #tpu.memory_space<vmem>> -> memref<32x128xf32, #tpu.memory_space<vmem>>
      %dma_start3A_692 = arith.constant 0 : i32
      %dma_start3A_693 = tpu.memref_slice %arg4[%dma_start3A_692, %mul3A_686] : memref<32x1000000xf32, #tpu.memory_space<hbm>> -> memref<32x128xf32, #tpu.memory_space<hbm>>
      %dma_start3A_694 = arith.constant 0 : i32
      %dma_start3A_695 = arith.constant 0 : i32
      %dma_start3A_696 = tpu.memref_slice %arg9[%dma_start3A_687, %dma_start3A_694, %dma_start3A_695] : memref<12x32x128xf32, #tpu.memory_space<vmem>> -> memref<1x32x128xf32, #tpu.memory_space<vmem>>
      %dma_start3A_697 = tpu.memref_squeeze %dma_start3A_696 : memref<1x32x128xf32, #tpu.memory_space<vmem>> -> memref<32x128xf32, #tpu.memory_space<vmem>>
      %dma_start3A_698 = arith.constant 0 : i32
      %dma_start3A_699 = tpu.memref_slice %arg4[%dma_start3A_698, %mul3A_686] : memref<32x1000000xf32, #tpu.memory_space<hbm>> -> memref<32x128xf32, #tpu.memory_space<hbm>>
      tpu.enqueue_dma source(%dma_start3A_699 : memref<32x128xf32, #tpu.memory_space<hbm>>) target(%dma_start3A_697 : memref<32x128xf32, #tpu.memory_space<vmem>>) target_semaphore(%arg12 : memref<!tpu.dma_semaphore, #tpu.memory_space<semaphore_mem>>)
      %slice3A_700 = vector.extract_strided_slice %shift_right_arithmetic3A_25 {offsets = [12], sizes = [1], strides = [1]} : vector<16xi32> to vector<1xi32>
      %squeeze3A_701 = vector.extract %slice3A_700[0] : i32 from vector<1xi32>
      %mul3A_702 = arith.constant 128 : i32
      %mul3A_703 = arith.muli %squeeze3A_701, %mul3A_702 : i32
      %dma_start3A_704 = arith.constant 0 : i32
      %dma_start3A_705 = arith.constant 0 : i32
      %dma_start3A_706 = arith.constant 0 : i32
      %dma_start3A_707 = tpu.memref_slice %arg10[%dma_start3A_704, %dma_start3A_705, %dma_start3A_706] : memref<12x32x128xf32, #tpu.memory_space<vmem>> -> memref<1x32x128xf32, #tpu.memory_space<vmem>>
      %dma_start3A_708 = tpu.memref_squeeze %dma_start3A_707 : memref<1x32x128xf32, #tpu.memory_space<vmem>> -> memref<32x128xf32, #tpu.memory_space<vmem>>
      %dma_start3A_709 = arith.constant 0 : i32
      %dma_start3A_710 = tpu.memref_slice %arg5[%dma_start3A_709, %mul3A_703] : memref<32x1000000xf32, #tpu.memory_space<hbm>> -> memref<32x128xf32, #tpu.memory_space<hbm>>
      %dma_start3A_711 = arith.constant 0 : i32
      %dma_start3A_712 = arith.constant 0 : i32
      %dma_start3A_713 = tpu.memref_slice %arg10[%dma_start3A_704, %dma_start3A_711, %dma_start3A_712] : memref<12x32x128xf32, #tpu.memory_space<vmem>> -> memref<1x32x128xf32, #tpu.memory_space<vmem>>
      %dma_start3A_714 = tpu.memref_squeeze %dma_start3A_713 : memref<1x32x128xf32, #tpu.memory_space<vmem>> -> memref<32x128xf32, #tpu.memory_space<vmem>>
      %dma_start3A_715 = arith.constant 0 : i32
      %dma_start3A_716 = tpu.memref_slice %arg5[%dma_start3A_715, %mul3A_703] : memref<32x1000000xf32, #tpu.memory_space<hbm>> -> memref<32x128xf32, #tpu.memory_space<hbm>>
      tpu.enqueue_dma source(%dma_start3A_716 : memref<32x128xf32, #tpu.memory_space<hbm>>) target(%dma_start3A_714 : memref<32x128xf32, #tpu.memory_space<vmem>>) target_semaphore(%arg13 : memref<!tpu.dma_semaphore, #tpu.memory_space<semaphore_mem>>)
      %slice3A_717 = vector.extract_strided_slice %shift_right_arithmetic3A_20 {offsets = [13], sizes = [1], strides = [1]} : vector<16xi32> to vector<1xi32>
      %squeeze3A_718 = vector.extract %slice3A_717[0] : i32 from vector<1xi32>
      %mul3A_719 = arith.constant 128 : i32
      %mul3A_720 = arith.muli %squeeze3A_718, %mul3A_719 : i32
      %dma_start3A_721 = arith.constant 1 : i32
      %dma_start3A_722 = arith.constant 0 : i32
      %dma_start3A_723 = arith.constant 0 : i32
      %dma_start3A_724 = tpu.memref_slice %arg9[%dma_start3A_721, %dma_start3A_722, %dma_start3A_723] : memref<12x32x128xf32, #tpu.memory_space<vmem>> -> memref<1x32x128xf32, #tpu.memory_space<vmem>>
      %dma_start3A_725 = tpu.memref_squeeze %dma_start3A_724 : memref<1x32x128xf32, #tpu.memory_space<vmem>> -> memref<32x128xf32, #tpu.memory_space<vmem>>
      %dma_start3A_726 = arith.constant 0 : i32
      %dma_start3A_727 = tpu.memref_slice %arg4[%dma_start3A_726, %mul3A_720] : memref<32x1000000xf32, #tpu.memory_space<hbm>> -> memref<32x128xf32, #tpu.memory_space<hbm>>
      %dma_start3A_728 = arith.constant 0 : i32
      %dma_start3A_729 = arith.constant 0 : i32
      %dma_start3A_730 = tpu.memref_slice %arg9[%dma_start3A_721, %dma_start3A_728, %dma_start3A_729] : memref<12x32x128xf32, #tpu.memory_space<vmem>> -> memref<1x32x128xf32, #tpu.memory_space<vmem>>
      %dma_start3A_731 = tpu.memref_squeeze %dma_start3A_730 : memref<1x32x128xf32, #tpu.memory_space<vmem>> -> memref<32x128xf32, #tpu.memory_space<vmem>>
      %dma_start3A_732 = arith.constant 0 : i32
      %dma_start3A_733 = tpu.memref_slice %arg4[%dma_start3A_732, %mul3A_720] : memref<32x1000000xf32, #tpu.memory_space<hbm>> -> memref<32x128xf32, #tpu.memory_space<hbm>>
      tpu.enqueue_dma source(%dma_start3A_733 : memref<32x128xf32, #tpu.memory_space<hbm>>) target(%dma_start3A_731 : memref<32x128xf32, #tpu.memory_space<vmem>>) target_semaphore(%arg12 : memref<!tpu.dma_semaphore, #tpu.memory_space<semaphore_mem>>)
      %slice3A_734 = vector.extract_strided_slice %shift_right_arithmetic3A_25 {offsets = [13], sizes = [1], strides = [1]} : vector<16xi32> to vector<1xi32>
      %squeeze3A_735 = vector.extract %slice3A_734[0] : i32 from vector<1xi32>
      %mul3A_736 = arith.constant 128 : i32
      %mul3A_737 = arith.muli %squeeze3A_735, %mul3A_736 : i32
      %dma_start3A_738 = arith.constant 1 : i32
      %dma_start3A_739 = arith.constant 0 : i32
      %dma_start3A_740 = arith.constant 0 : i32
      %dma_start3A_741 = tpu.memref_slice %arg10[%dma_start3A_738, %dma_start3A_739, %dma_start3A_740] : memref<12x32x128xf32, #tpu.memory_space<vmem>> -> memref<1x32x128xf32, #tpu.memory_space<vmem>>
      %dma_start3A_742 = tpu.memref_squeeze %dma_start3A_741 : memref<1x32x128xf32, #tpu.memory_space<vmem>> -> memref<32x128xf32, #tpu.memory_space<vmem>>
      %dma_start3A_743 = arith.constant 0 : i32
      %dma_start3A_744 = tpu.memref_slice %arg5[%dma_start3A_743, %mul3A_737] : memref<32x1000000xf32, #tpu.memory_space<hbm>> -> memref<32x128xf32, #tpu.memory_space<hbm>>
      %dma_start3A_745 = arith.constant 0 : i32
      %dma_start3A_746 = arith.constant 0 : i32
      %dma_start3A_747 = tpu.memref_slice %arg10[%dma_start3A_738, %dma_start3A_745, %dma_start3A_746] : memref<12x32x128xf32, #tpu.memory_space<vmem>> -> memref<1x32x128xf32, #tpu.memory_space<vmem>>
      %dma_start3A_748 = tpu.memref_squeeze %dma_start3A_747 : memref<1x32x128xf32, #tpu.memory_space<vmem>> -> memref<32x128xf32, #tpu.memory_space<vmem>>
      %dma_start3A_749 = arith.constant 0 : i32
      %dma_start3A_750 = tpu.memref_slice %arg5[%dma_start3A_749, %mul3A_737] : memref<32x1000000xf32, #tpu.memory_space<hbm>> -> memref<32x128xf32, #tpu.memory_space<hbm>>
      tpu.enqueue_dma source(%dma_start3A_750 : memref<32x128xf32, #tpu.memory_space<hbm>>) target(%dma_start3A_748 : memref<32x128xf32, #tpu.memory_space<vmem>>) target_semaphore(%arg13 : memref<!tpu.dma_semaphore, #tpu.memory_space<semaphore_mem>>)
      %slice3A_751 = vector.extract_strided_slice %shift_right_arithmetic3A_20 {offsets = [14], sizes = [1], strides = [1]} : vector<16xi32> to vector<1xi32>
      %squeeze3A_752 = vector.extract %slice3A_751[0] : i32 from vector<1xi32>
      %mul3A_753 = arith.constant 128 : i32
      %mul3A_754 = arith.muli %squeeze3A_752, %mul3A_753 : i32
      %dma_start3A_755 = arith.constant 2 : i32
      %dma_start3A_756 = arith.constant 0 : i32
      %dma_start3A_757 = arith.constant 0 : i32
      %dma_start3A_758 = tpu.memref_slice %arg9[%dma_start3A_755, %dma_start3A_756, %dma_start3A_757] : memref<12x32x128xf32, #tpu.memory_space<vmem>> -> memref<1x32x128xf32, #tpu.memory_space<vmem>>
      %dma_start3A_759 = tpu.memref_squeeze %dma_start3A_758 : memref<1x32x128xf32, #tpu.memory_space<vmem>> -> memref<32x128xf32, #tpu.memory_space<vmem>>
      %dma_start3A_760 = arith.constant 0 : i32
      %dma_start3A_761 = tpu.memref_slice %arg4[%dma_start3A_760, %mul3A_754] : memref<32x1000000xf32, #tpu.memory_space<hbm>> -> memref<32x128xf32, #tpu.memory_space<hbm>>
      %dma_start3A_762 = arith.constant 0 : i32
      %dma_start3A_763 = arith.constant 0 : i32
      %dma_start3A_764 = tpu.memref_slice %arg9[%dma_start3A_755, %dma_start3A_762, %dma_start3A_763] : memref<12x32x128xf32, #tpu.memory_space<vmem>> -> memref<1x32x128xf32, #tpu.memory_space<vmem>>
      %dma_start3A_765 = tpu.memref_squeeze %dma_start3A_764 : memref<1x32x128xf32, #tpu.memory_space<vmem>> -> memref<32x128xf32, #tpu.memory_space<vmem>>
      %dma_start3A_766 = arith.constant 0 : i32
      %dma_start3A_767 = tpu.memref_slice %arg4[%dma_start3A_766, %mul3A_754] : memref<32x1000000xf32, #tpu.memory_space<hbm>> -> memref<32x128xf32, #tpu.memory_space<hbm>>
      tpu.enqueue_dma source(%dma_start3A_767 : memref<32x128xf32, #tpu.memory_space<hbm>>) target(%dma_start3A_765 : memref<32x128xf32, #tpu.memory_space<vmem>>) target_semaphore(%arg12 : memref<!tpu.dma_semaphore, #tpu.memory_space<semaphore_mem>>)
      %slice3A_768 = vector.extract_strided_slice %shift_right_arithmetic3A_25 {offsets = [14], sizes = [1], strides = [1]} : vector<16xi32> to vector<1xi32>
      %squeeze3A_769 = vector.extract %slice3A_768[0] : i32 from vector<1xi32>
      %mul3A_770 = arith.constant 128 : i32
      %mul3A_771 = arith.muli %squeeze3A_769, %mul3A_770 : i32
      %dma_start3A_772 = arith.constant 2 : i32
      %dma_start3A_773 = arith.constant 0 : i32
      %dma_start3A_774 = arith.constant 0 : i32
      %dma_start3A_775 = tpu.memref_slice %arg10[%dma_start3A_772, %dma_start3A_773, %dma_start3A_774] : memref<12x32x128xf32, #tpu.memory_space<vmem>> -> memref<1x32x128xf32, #tpu.memory_space<vmem>>
      %dma_start3A_776 = tpu.memref_squeeze %dma_start3A_775 : memref<1x32x128xf32, #tpu.memory_space<vmem>> -> memref<32x128xf32, #tpu.memory_space<vmem>>
      %dma_start3A_777 = arith.constant 0 : i32
      %dma_start3A_778 = tpu.memref_slice %arg5[%dma_start3A_777, %mul3A_771] : memref<32x1000000xf32, #tpu.memory_space<hbm>> -> memref<32x128xf32, #tpu.memory_space<hbm>>
      %dma_start3A_779 = arith.constant 0 : i32
      %dma_start3A_780 = arith.constant 0 : i32
      %dma_start3A_781 = tpu.memref_slice %arg10[%dma_start3A_772, %dma_start3A_779, %dma_start3A_780] : memref<12x32x128xf32, #tpu.memory_space<vmem>> -> memref<1x32x128xf32, #tpu.memory_space<vmem>>
      %dma_start3A_782 = tpu.memref_squeeze %dma_start3A_781 : memref<1x32x128xf32, #tpu.memory_space<vmem>> -> memref<32x128xf32, #tpu.memory_space<vmem>>
      %dma_start3A_783 = arith.constant 0 : i32
      %dma_start3A_784 = tpu.memref_slice %arg5[%dma_start3A_783, %mul3A_771] : memref<32x1000000xf32, #tpu.memory_space<hbm>> -> memref<32x128xf32, #tpu.memory_space<hbm>>
      tpu.enqueue_dma source(%dma_start3A_784 : memref<32x128xf32, #tpu.memory_space<hbm>>) target(%dma_start3A_782 : memref<32x128xf32, #tpu.memory_space<vmem>>) target_semaphore(%arg13 : memref<!tpu.dma_semaphore, #tpu.memory_space<semaphore_mem>>)
      %slice3A_785 = vector.extract_strided_slice %shift_right_arithmetic3A_20 {offsets = [15], sizes = [1], strides = [1]} : vector<16xi32> to vector<1xi32>
      %squeeze3A_786 = vector.extract %slice3A_785[0] : i32 from vector<1xi32>
      %mul3A_787 = arith.constant 128 : i32
      %mul3A_788 = arith.muli %squeeze3A_786, %mul3A_787 : i32
      %dma_start3A_789 = arith.constant 3 : i32
      %dma_start3A_790 = arith.constant 0 : i32
      %dma_start3A_791 = arith.constant 0 : i32
      %dma_start3A_792 = tpu.memref_slice %arg9[%dma_start3A_789, %dma_start3A_790, %dma_start3A_791] : memref<12x32x128xf32, #tpu.memory_space<vmem>> -> memref<1x32x128xf32, #tpu.memory_space<vmem>>
      %dma_start3A_793 = tpu.memref_squeeze %dma_start3A_792 : memref<1x32x128xf32, #tpu.memory_space<vmem>> -> memref<32x128xf32, #tpu.memory_space<vmem>>
      %dma_start3A_794 = arith.constant 0 : i32
      %dma_start3A_795 = tpu.memref_slice %arg4[%dma_start3A_794, %mul3A_788] : memref<32x1000000xf32, #tpu.memory_space<hbm>> -> memref<32x128xf32, #tpu.memory_space<hbm>>
      %dma_start3A_796 = arith.constant 0 : i32
      %dma_start3A_797 = arith.constant 0 : i32
      %dma_start3A_798 = tpu.memref_slice %arg9[%dma_start3A_789, %dma_start3A_796, %dma_start3A_797] : memref<12x32x128xf32, #tpu.memory_space<vmem>> -> memref<1x32x128xf32, #tpu.memory_space<vmem>>
      %dma_start3A_799 = tpu.memref_squeeze %dma_start3A_798 : memref<1x32x128xf32, #tpu.memory_space<vmem>> -> memref<32x128xf32, #tpu.memory_space<vmem>>
      %dma_start3A_800 = arith.constant 0 : i32
      %dma_start3A_801 = tpu.memref_slice %arg4[%dma_start3A_800, %mul3A_788] : memref<32x1000000xf32, #tpu.memory_space<hbm>> -> memref<32x128xf32, #tpu.memory_space<hbm>>
      tpu.enqueue_dma source(%dma_start3A_801 : memref<32x128xf32, #tpu.memory_space<hbm>>) target(%dma_start3A_799 : memref<32x128xf32, #tpu.memory_space<vmem>>) target_semaphore(%arg12 : memref<!tpu.dma_semaphore, #tpu.memory_space<semaphore_mem>>)
      %slice3A_802 = vector.extract_strided_slice %shift_right_arithmetic3A_25 {offsets = [15], sizes = [1], strides = [1]} : vector<16xi32> to vector<1xi32>
      %squeeze3A_803 = vector.extract %slice3A_802[0] : i32 from vector<1xi32>
      %mul3A_804 = arith.constant 128 : i32
      %mul3A_805 = arith.muli %squeeze3A_803, %mul3A_804 : i32
      %dma_start3A_806 = arith.constant 3 : i32
      %dma_start3A_807 = arith.constant 0 : i32
      %dma_start3A_808 = arith.constant 0 : i32
      %dma_start3A_809 = tpu.memref_slice %arg10[%dma_start3A_806, %dma_start3A_807, %dma_start3A_808] : memref<12x32x128xf32, #tpu.memory_space<vmem>> -> memref<1x32x128xf32, #tpu.memory_space<vmem>>
      %dma_start3A_810 = tpu.memref_squeeze %dma_start3A_809 : memref<1x32x128xf32, #tpu.memory_space<vmem>> -> memref<32x128xf32, #tpu.memory_space<vmem>>
      %dma_start3A_811 = arith.constant 0 : i32
      %dma_start3A_812 = tpu.memref_slice %arg5[%dma_start3A_811, %mul3A_805] : memref<32x1000000xf32, #tpu.memory_space<hbm>> -> memref<32x128xf32, #tpu.memory_space<hbm>>
      %dma_start3A_813 = arith.constant 0 : i32
      %dma_start3A_814 = arith.constant 0 : i32
      %dma_start3A_815 = tpu.memref_slice %arg10[%dma_start3A_806, %dma_start3A_813, %dma_start3A_814] : memref<12x32x128xf32, #tpu.memory_space<vmem>> -> memref<1x32x128xf32, #tpu.memory_space<vmem>>
      %dma_start3A_816 = tpu.memref_squeeze %dma_start3A_815 : memref<1x32x128xf32, #tpu.memory_space<vmem>> -> memref<32x128xf32, #tpu.memory_space<vmem>>
      %dma_start3A_817 = arith.constant 0 : i32
      %dma_start3A_818 = tpu.memref_slice %arg5[%dma_start3A_817, %mul3A_805] : memref<32x1000000xf32, #tpu.memory_space<hbm>> -> memref<32x128xf32, #tpu.memory_space<hbm>>
      tpu.enqueue_dma source(%dma_start3A_818 : memref<32x128xf32, #tpu.memory_space<hbm>>) target(%dma_start3A_816 : memref<32x128xf32, #tpu.memory_space<vmem>>) target_semaphore(%arg13 : memref<!tpu.dma_semaphore, #tpu.memory_space<semaphore_mem>>)
      %dma_wait3A_819 = arith.constant 4 : i32
      %dma_wait3A_820 = arith.constant 0 : i32
      %dma_wait3A_821 = arith.constant 0 : i32
      %dma_wait3A_822 = tpu.memref_slice %arg9[%dma_wait3A_819, %dma_wait3A_820, %dma_wait3A_821] : memref<12x32x128xf32, #tpu.memory_space<vmem>> -> memref<1x32x128xf32, #tpu.memory_space<vmem>>
      %dma_wait3A_823 = tpu.memref_squeeze %dma_wait3A_822 : memref<1x32x128xf32, #tpu.memory_space<vmem>> -> memref<32x128xf32, #tpu.memory_space<vmem>>
      %dma_wait3A_824 = arith.constant 0 : i32
      %dma_wait3A_825 = tpu.memref_slice %arg4[%dma_wait3A_824, %mul3A_165] : memref<32x1000000xf32, #tpu.memory_space<hbm>> -> memref<32x128xf32, #tpu.memory_space<hbm>>
      %dma_wait3A_826 = arith.constant 0 : i32
      %dma_wait3A_827 = arith.constant 0 : i32
      %dma_wait3A_828 = tpu.memref_slice %arg9[%dma_wait3A_819, %dma_wait3A_826, %dma_wait3A_827] : memref<12x32x128xf32, #tpu.memory_space<vmem>> -> memref<1x32x128xf32, #tpu.memory_space<vmem>>
      %dma_wait3A_829 = tpu.memref_squeeze %dma_wait3A_828 : memref<1x32x128xf32, #tpu.memory_space<vmem>> -> memref<32x128xf32, #tpu.memory_space<vmem>>
      %dma_wait3A_830 = arith.constant 0 : i32
      %dma_wait3A_831 = tpu.memref_slice %arg4[%dma_wait3A_830, %mul3A_165] : memref<32x1000000xf32, #tpu.memory_space<hbm>> -> memref<32x128xf32, #tpu.memory_space<hbm>>
      tpu.wait_dma2 semaphore(%arg12 : memref<!tpu.dma_semaphore, #tpu.memory_space<semaphore_mem>>) src(%dma_wait3A_831 : memref<32x128xf32, #tpu.memory_space<hbm>>) dst(%dma_wait3A_829 : memref<32x128xf32, #tpu.memory_space<vmem>>)
      %dma_wait3A_832 = arith.constant 4 : i32
      %dma_wait3A_833 = arith.constant 0 : i32
      %dma_wait3A_834 = arith.constant 0 : i32
      %dma_wait3A_835 = tpu.memref_slice %arg10[%dma_wait3A_832, %dma_wait3A_833, %dma_wait3A_834] : memref<12x32x128xf32, #tpu.memory_space<vmem>> -> memref<1x32x128xf32, #tpu.memory_space<vmem>>
      %dma_wait3A_836 = tpu.memref_squeeze %dma_wait3A_835 : memref<1x32x128xf32, #tpu.memory_space<vmem>> -> memref<32x128xf32, #tpu.memory_space<vmem>>
      %dma_wait3A_837 = arith.constant 0 : i32
      %dma_wait3A_838 = tpu.memref_slice %arg5[%dma_wait3A_837, %mul3A_182] : memref<32x1000000xf32, #tpu.memory_space<hbm>> -> memref<32x128xf32, #tpu.memory_space<hbm>>
      %dma_wait3A_839 = arith.constant 0 : i32
      %dma_wait3A_840 = arith.constant 0 : i32
      %dma_wait3A_841 = tpu.memref_slice %arg10[%dma_wait3A_832, %dma_wait3A_839, %dma_wait3A_840] : memref<12x32x128xf32, #tpu.memory_space<vmem>> -> memref<1x32x128xf32, #tpu.memory_space<vmem>>
      %dma_wait3A_842 = tpu.memref_squeeze %dma_wait3A_841 : memref<1x32x128xf32, #tpu.memory_space<vmem>> -> memref<32x128xf32, #tpu.memory_space<vmem>>
      %dma_wait3A_843 = arith.constant 0 : i32
      %dma_wait3A_844 = tpu.memref_slice %arg5[%dma_wait3A_843, %mul3A_182] : memref<32x1000000xf32, #tpu.memory_space<hbm>> -> memref<32x128xf32, #tpu.memory_space<hbm>>
      tpu.wait_dma2 semaphore(%arg13 : memref<!tpu.dma_semaphore, #tpu.memory_space<semaphore_mem>>) src(%dma_wait3A_844 : memref<32x128xf32, #tpu.memory_space<hbm>>) dst(%dma_wait3A_842 : memref<32x128xf32, #tpu.memory_space<vmem>>)
      %dma_wait3A_845 = arith.constant 5 : i32
      %dma_wait3A_846 = arith.constant 0 : i32
      %dma_wait3A_847 = arith.constant 0 : i32
      %dma_wait3A_848 = tpu.memref_slice %arg9[%dma_wait3A_845, %dma_wait3A_846, %dma_wait3A_847] : memref<12x32x128xf32, #tpu.memory_space<vmem>> -> memref<1x32x128xf32, #tpu.memory_space<vmem>>
      %dma_wait3A_849 = tpu.memref_squeeze %dma_wait3A_848 : memref<1x32x128xf32, #tpu.memory_space<vmem>> -> memref<32x128xf32, #tpu.memory_space<vmem>>
      %dma_wait3A_850 = arith.constant 0 : i32
      %dma_wait3A_851 = tpu.memref_slice %arg4[%dma_wait3A_850, %mul3A_199] : memref<32x1000000xf32, #tpu.memory_space<hbm>> -> memref<32x128xf32, #tpu.memory_space<hbm>>
      %dma_wait3A_852 = arith.constant 0 : i32
      %dma_wait3A_853 = arith.constant 0 : i32
      %dma_wait3A_854 = tpu.memref_slice %arg9[%dma_wait3A_845, %dma_wait3A_852, %dma_wait3A_853] : memref<12x32x128xf32, #tpu.memory_space<vmem>> -> memref<1x32x128xf32, #tpu.memory_space<vmem>>
      %dma_wait3A_855 = tpu.memref_squeeze %dma_wait3A_854 : memref<1x32x128xf32, #tpu.memory_space<vmem>> -> memref<32x128xf32, #tpu.memory_space<vmem>>
      %dma_wait3A_856 = arith.constant 0 : i32
      %dma_wait3A_857 = tpu.memref_slice %arg4[%dma_wait3A_856, %mul3A_199] : memref<32x1000000xf32, #tpu.memory_space<hbm>> -> memref<32x128xf32, #tpu.memory_space<hbm>>
      tpu.wait_dma2 semaphore(%arg12 : memref<!tpu.dma_semaphore, #tpu.memory_space<semaphore_mem>>) src(%dma_wait3A_857 : memref<32x128xf32, #tpu.memory_space<hbm>>) dst(%dma_wait3A_855 : memref<32x128xf32, #tpu.memory_space<vmem>>)
      %dma_wait3A_858 = arith.constant 5 : i32
      %dma_wait3A_859 = arith.constant 0 : i32
      %dma_wait3A_860 = arith.constant 0 : i32
      %dma_wait3A_861 = tpu.memref_slice %arg10[%dma_wait3A_858, %dma_wait3A_859, %dma_wait3A_860] : memref<12x32x128xf32, #tpu.memory_space<vmem>> -> memref<1x32x128xf32, #tpu.memory_space<vmem>>
      %dma_wait3A_862 = tpu.memref_squeeze %dma_wait3A_861 : memref<1x32x128xf32, #tpu.memory_space<vmem>> -> memref<32x128xf32, #tpu.memory_space<vmem>>
      %dma_wait3A_863 = arith.constant 0 : i32
      %dma_wait3A_864 = tpu.memref_slice %arg5[%dma_wait3A_863, %mul3A_216] : memref<32x1000000xf32, #tpu.memory_space<hbm>> -> memref<32x128xf32, #tpu.memory_space<hbm>>
      %dma_wait3A_865 = arith.constant 0 : i32
      %dma_wait3A_866 = arith.constant 0 : i32
      %dma_wait3A_867 = tpu.memref_slice %arg10[%dma_wait3A_858, %dma_wait3A_865, %dma_wait3A_866] : memref<12x32x128xf32, #tpu.memory_space<vmem>> -> memref<1x32x128xf32, #tpu.memory_space<vmem>>
      %dma_wait3A_868 = tpu.memref_squeeze %dma_wait3A_867 : memref<1x32x128xf32, #tpu.memory_space<vmem>> -> memref<32x128xf32, #tpu.memory_space<vmem>>
      %dma_wait3A_869 = arith.constant 0 : i32
      %dma_wait3A_870 = tpu.memref_slice %arg5[%dma_wait3A_869, %mul3A_216] : memref<32x1000000xf32, #tpu.memory_space<hbm>> -> memref<32x128xf32, #tpu.memory_space<hbm>>
      tpu.wait_dma2 semaphore(%arg13 : memref<!tpu.dma_semaphore, #tpu.memory_space<semaphore_mem>>) src(%dma_wait3A_870 : memref<32x128xf32, #tpu.memory_space<hbm>>) dst(%dma_wait3A_868 : memref<32x128xf32, #tpu.memory_space<vmem>>)
      %dma_wait3A_871 = arith.constant 6 : i32
      %dma_wait3A_872 = arith.constant 0 : i32
      %dma_wait3A_873 = arith.constant 0 : i32
      %dma_wait3A_874 = tpu.memref_slice %arg9[%dma_wait3A_871, %dma_wait3A_872, %dma_wait3A_873] : memref<12x32x128xf32, #tpu.memory_space<vmem>> -> memref<1x32x128xf32, #tpu.memory_space<vmem>>
      %dma_wait3A_875 = tpu.memref_squeeze %dma_wait3A_874 : memref<1x32x128xf32, #tpu.memory_space<vmem>> -> memref<32x128xf32, #tpu.memory_space<vmem>>
      %dma_wait3A_876 = arith.constant 0 : i32
      %dma_wait3A_877 = tpu.memref_slice %arg4[%dma_wait3A_876, %mul3A_233] : memref<32x1000000xf32, #tpu.memory_space<hbm>> -> memref<32x128xf32, #tpu.memory_space<hbm>>
      %dma_wait3A_878 = arith.constant 0 : i32
      %dma_wait3A_879 = arith.constant 0 : i32
      %dma_wait3A_880 = tpu.memref_slice %arg9[%dma_wait3A_871, %dma_wait3A_878, %dma_wait3A_879] : memref<12x32x128xf32, #tpu.memory_space<vmem>> -> memref<1x32x128xf32, #tpu.memory_space<vmem>>
      %dma_wait3A_881 = tpu.memref_squeeze %dma_wait3A_880 : memref<1x32x128xf32, #tpu.memory_space<vmem>> -> memref<32x128xf32, #tpu.memory_space<vmem>>
      %dma_wait3A_882 = arith.constant 0 : i32
      %dma_wait3A_883 = tpu.memref_slice %arg4[%dma_wait3A_882, %mul3A_233] : memref<32x1000000xf32, #tpu.memory_space<hbm>> -> memref<32x128xf32, #tpu.memory_space<hbm>>
      tpu.wait_dma2 semaphore(%arg12 : memref<!tpu.dma_semaphore, #tpu.memory_space<semaphore_mem>>) src(%dma_wait3A_883 : memref<32x128xf32, #tpu.memory_space<hbm>>) dst(%dma_wait3A_881 : memref<32x128xf32, #tpu.memory_space<vmem>>)
      %dma_wait3A_884 = arith.constant 6 : i32
      %dma_wait3A_885 = arith.constant 0 : i32
      %dma_wait3A_886 = arith.constant 0 : i32
      %dma_wait3A_887 = tpu.memref_slice %arg10[%dma_wait3A_884, %dma_wait3A_885, %dma_wait3A_886] : memref<12x32x128xf32, #tpu.memory_space<vmem>> -> memref<1x32x128xf32, #tpu.memory_space<vmem>>
      %dma_wait3A_888 = tpu.memref_squeeze %dma_wait3A_887 : memref<1x32x128xf32, #tpu.memory_space<vmem>> -> memref<32x128xf32, #tpu.memory_space<vmem>>
      %dma_wait3A_889 = arith.constant 0 : i32
      %dma_wait3A_890 = tpu.memref_slice %arg5[%dma_wait3A_889, %mul3A_250] : memref<32x1000000xf32, #tpu.memory_space<hbm>> -> memref<32x128xf32, #tpu.memory_space<hbm>>
      %dma_wait3A_891 = arith.constant 0 : i32
      %dma_wait3A_892 = arith.constant 0 : i32
      %dma_wait3A_893 = tpu.memref_slice %arg10[%dma_wait3A_884, %dma_wait3A_891, %dma_wait3A_892] : memref<12x32x128xf32, #tpu.memory_space<vmem>> -> memref<1x32x128xf32, #tpu.memory_space<vmem>>
      %dma_wait3A_894 = tpu.memref_squeeze %dma_wait3A_893 : memref<1x32x128xf32, #tpu.memory_space<vmem>> -> memref<32x128xf32, #tpu.memory_space<vmem>>
      %dma_wait3A_895 = arith.constant 0 : i32
      %dma_wait3A_896 = tpu.memref_slice %arg5[%dma_wait3A_895, %mul3A_250] : memref<32x1000000xf32, #tpu.memory_space<hbm>> -> memref<32x128xf32, #tpu.memory_space<hbm>>
      tpu.wait_dma2 semaphore(%arg13 : memref<!tpu.dma_semaphore, #tpu.memory_space<semaphore_mem>>) src(%dma_wait3A_896 : memref<32x128xf32, #tpu.memory_space<hbm>>) dst(%dma_wait3A_894 : memref<32x128xf32, #tpu.memory_space<vmem>>)
      %dma_wait3A_897 = arith.constant 7 : i32
      %dma_wait3A_898 = arith.constant 0 : i32
      %dma_wait3A_899 = arith.constant 0 : i32
      %dma_wait3A_900 = tpu.memref_slice %arg9[%dma_wait3A_897, %dma_wait3A_898, %dma_wait3A_899] : memref<12x32x128xf32, #tpu.memory_space<vmem>> -> memref<1x32x128xf32, #tpu.memory_space<vmem>>
      %dma_wait3A_901 = tpu.memref_squeeze %dma_wait3A_900 : memref<1x32x128xf32, #tpu.memory_space<vmem>> -> memref<32x128xf32, #tpu.memory_space<vmem>>
      %dma_wait3A_902 = arith.constant 0 : i32
      %dma_wait3A_903 = tpu.memref_slice %arg4[%dma_wait3A_902, %mul3A_267] : memref<32x1000000xf32, #tpu.memory_space<hbm>> -> memref<32x128xf32, #tpu.memory_space<hbm>>
      %dma_wait3A_904 = arith.constant 0 : i32
      %dma_wait3A_905 = arith.constant 0 : i32
      %dma_wait3A_906 = tpu.memref_slice %arg9[%dma_wait3A_897, %dma_wait3A_904, %dma_wait3A_905] : memref<12x32x128xf32, #tpu.memory_space<vmem>> -> memref<1x32x128xf32, #tpu.memory_space<vmem>>
      %dma_wait3A_907 = tpu.memref_squeeze %dma_wait3A_906 : memref<1x32x128xf32, #tpu.memory_space<vmem>> -> memref<32x128xf32, #tpu.memory_space<vmem>>
      %dma_wait3A_908 = arith.constant 0 : i32
      %dma_wait3A_909 = tpu.memref_slice %arg4[%dma_wait3A_908, %mul3A_267] : memref<32x1000000xf32, #tpu.memory_space<hbm>> -> memref<32x128xf32, #tpu.memory_space<hbm>>
      tpu.wait_dma2 semaphore(%arg12 : memref<!tpu.dma_semaphore, #tpu.memory_space<semaphore_mem>>) src(%dma_wait3A_909 : memref<32x128xf32, #tpu.memory_space<hbm>>) dst(%dma_wait3A_907 : memref<32x128xf32, #tpu.memory_space<vmem>>)
      %dma_wait3A_910 = arith.constant 7 : i32
      %dma_wait3A_911 = arith.constant 0 : i32
      %dma_wait3A_912 = arith.constant 0 : i32
      %dma_wait3A_913 = tpu.memref_slice %arg10[%dma_wait3A_910, %dma_wait3A_911, %dma_wait3A_912] : memref<12x32x128xf32, #tpu.memory_space<vmem>> -> memref<1x32x128xf32, #tpu.memory_space<vmem>>
      %dma_wait3A_914 = tpu.memref_squeeze %dma_wait3A_913 : memref<1x32x128xf32, #tpu.memory_space<vmem>> -> memref<32x128xf32, #tpu.memory_space<vmem>>
      %dma_wait3A_915 = arith.constant 0 : i32
      %dma_wait3A_916 = tpu.memref_slice %arg5[%dma_wait3A_915, %mul3A_284] : memref<32x1000000xf32, #tpu.memory_space<hbm>> -> memref<32x128xf32, #tpu.memory_space<hbm>>
      %dma_wait3A_917 = arith.constant 0 : i32
      %dma_wait3A_918 = arith.constant 0 : i32
      %dma_wait3A_919 = tpu.memref_slice %arg10[%dma_wait3A_910, %dma_wait3A_917, %dma_wait3A_918] : memref<12x32x128xf32, #tpu.memory_space<vmem>> -> memref<1x32x128xf32, #tpu.memory_space<vmem>>
      %dma_wait3A_920 = tpu.memref_squeeze %dma_wait3A_919 : memref<1x32x128xf32, #tpu.memory_space<vmem>> -> memref<32x128xf32, #tpu.memory_space<vmem>>
      %dma_wait3A_921 = arith.constant 0 : i32
      %dma_wait3A_922 = tpu.memref_slice %arg5[%dma_wait3A_921, %mul3A_284] : memref<32x1000000xf32, #tpu.memory_space<hbm>> -> memref<32x128xf32, #tpu.memory_space<hbm>>
      tpu.wait_dma2 semaphore(%arg13 : memref<!tpu.dma_semaphore, #tpu.memory_space<semaphore_mem>>) src(%dma_wait3A_922 : memref<32x128xf32, #tpu.memory_space<hbm>>) dst(%dma_wait3A_920 : memref<32x128xf32, #tpu.memory_space<vmem>>)
      %mul3A_923 = arith.constant 16 : i32
      %mul3A_924 = arith.muli %scan3A_11, %mul3A_923 : i32
      %add3A_925 = arith.constant 4 : i32
      %add3A_926 = arith.addi %mul3A_924, %add3A_925 : i32
      %broadcast_in_dim3A_927 = vector.broadcast %add3A_926 : i32 to vector<16xi32>
      %slice3A_928 = vector.extract_strided_slice %and3A_22 {offsets = [4], sizes = [1], strides = [1]} : vector<16xi32> to vector<1xi32>
      %squeeze3A_929 = vector.extract %slice3A_928[0] : i32 from vector<1xi32>
      %broadcast_in_dim3A_930 = vector.broadcast %squeeze3A_929 : i32 to vector<16xi32>
      %slice3A_931 = vector.extract_strided_slice %and3A_28 {offsets = [4], sizes = [1], strides = [1]} : vector<16xi32> to vector<1xi32>
      %squeeze3A_932 = vector.extract %slice3A_931[0] : i32 from vector<1xi32>
      %broadcast_in_dim3A_933 = vector.broadcast %squeeze3A_932 : i32 to vector<16xi32>
      %gather3A_934 = arith.constant 4 : i32
      %gather3A_935 = arith.constant 0 : i32
      %gather3A_936 = arith.constant 0 : i32
      %gather3A_937 = tpu.memref_slice %arg9[%gather3A_934, %gather3A_935, %gather3A_936] : memref<12x32x128xf32, #tpu.memory_space<vmem>> -> memref<1x32x128xf32, #tpu.memory_space<vmem>>
      %gather3A_938 = tpu.memref_squeeze %gather3A_937 : memref<1x32x128xf32, #tpu.memory_space<vmem>> -> memref<32x128xf32, #tpu.memory_space<vmem>>
      %gather3A_939 = tpu.vector_load_idx %gather3A_938[%iota3A, %broadcast_in_dim3A_930] : memref<32x128xf32, #tpu.memory_space<vmem>>[vector<16xi32>, vector<16xi32>], vector<16xf32>,
      %gather3A_940 = arith.constant 4 : i32
      %gather3A_941 = arith.constant 0 : i32
      %gather3A_942 = arith.constant 0 : i32
      %gather3A_943 = tpu.memref_slice %arg10[%gather3A_940, %gather3A_941, %gather3A_942] : memref<12x32x128xf32, #tpu.memory_space<vmem>> -> memref<1x32x128xf32, #tpu.memory_space<vmem>>
      %gather3A_944 = tpu.memref_squeeze %gather3A_943 : memref<1x32x128xf32, #tpu.memory_space<vmem>> -> memref<32x128xf32, #tpu.memory_space<vmem>>
      %gather3A_945 = tpu.vector_load_idx %gather3A_944[%iota3A, %broadcast_in_dim3A_933] : memref<32x128xf32, #tpu.memory_space<vmem>>[vector<16xi32>, vector<16xi32>], vector<16xf32>,
      %mul3A_946 = arith.mulf %gather3A_939, %gather3A_945 : vector<16xf32>
      tpu.vector_store_idx %arg11[%iota3A, %broadcast_in_dim3A_927], %mul3A_946 : memref<32x512xf32, #tpu.memory_space<vmem>>[vector<16xi32>, vector<16xi32>], vector<16xf32>,
      %gather3A_947 = arith.constant 4 : i32
      %gather3A_948 = arith.constant 0 : i32
      %gather3A_949 = arith.constant 0 : i32
      %gather3A_950 = tpu.memref_slice %arg9[%gather3A_947, %gather3A_948, %gather3A_949] : memref<12x32x128xf32, #tpu.memory_space<vmem>> -> memref<1x32x128xf32, #tpu.memory_space<vmem>>
      %gather3A_951 = tpu.memref_squeeze %gather3A_950 : memref<1x32x128xf32, #tpu.memory_space<vmem>> -> memref<32x128xf32, #tpu.memory_space<vmem>>
      %gather3A_952 = tpu.vector_load_idx %gather3A_951[%add3A_5, %broadcast_in_dim3A_930] : memref<32x128xf32, #tpu.memory_space<vmem>>[vector<16xi32>, vector<16xi32>], vector<16xf32>,
      %gather3A_953 = arith.constant 4 : i32
      %gather3A_954 = arith.constant 0 : i32
      %gather3A_955 = arith.constant 0 : i32
      %gather3A_956 = tpu.memref_slice %arg10[%gather3A_953, %gather3A_954, %gather3A_955] : memref<12x32x128xf32, #tpu.memory_space<vmem>> -> memref<1x32x128xf32, #tpu.memory_space<vmem>>
      %gather3A_957 = tpu.memref_squeeze %gather3A_956 : memref<1x32x128xf32, #tpu.memory_space<vmem>> -> memref<32x128xf32, #tpu.memory_space<vmem>>
      %gather3A_958 = tpu.vector_load_idx %gather3A_957[%add3A_5, %broadcast_in_dim3A_933] : memref<32x128xf32, #tpu.memory_space<vmem>>[vector<16xi32>, vector<16xi32>], vector<16xf32>,
      %mul3A_959 = arith.mulf %gather3A_952, %gather3A_958 : vector<16xf32>
      tpu.vector_store_idx %arg11[%add3A_5, %broadcast_in_dim3A_927], %mul3A_959 : memref<32x512xf32, #tpu.memory_space<vmem>>[vector<16xi32>, vector<16xi32>], vector<16xf32>,
      %mul3A_960 = arith.constant 16 : i32
      %mul3A_961 = arith.muli %scan3A_11, %mul3A_960 : i32
      %add3A_962 = arith.constant 5 : i32
      %add3A_963 = arith.addi %mul3A_961, %add3A_962 : i32
      %broadcast_in_dim3A_964 = vector.broadcast %add3A_963 : i32 to vector<16xi32>
      %slice3A_965 = vector.extract_strided_slice %and3A_22 {offsets = [5], sizes = [1], strides = [1]} : vector<16xi32> to vector<1xi32>
      %squeeze3A_966 = vector.extract %slice3A_965[0] : i32 from vector<1xi32>
      %broadcast_in_dim3A_967 = vector.broadcast %squeeze3A_966 : i32 to vector<16xi32>
      %slice3A_968 = vector.extract_strided_slice %and3A_28 {offsets = [5], sizes = [1], strides = [1]} : vector<16xi32> to vector<1xi32>
      %squeeze3A_969 = vector.extract %slice3A_968[0] : i32 from vector<1xi32>
      %broadcast_in_dim3A_970 = vector.broadcast %squeeze3A_969 : i32 to vector<16xi32>
      %gather3A_971 = arith.constant 5 : i32
      %gather3A_972 = arith.constant 0 : i32
      %gather3A_973 = arith.constant 0 : i32
      %gather3A_974 = tpu.memref_slice %arg9[%gather3A_971, %gather3A_972, %gather3A_973] : memref<12x32x128xf32, #tpu.memory_space<vmem>> -> memref<1x32x128xf32, #tpu.memory_space<vmem>>
      %gather3A_975 = tpu.memref_squeeze %gather3A_974 : memref<1x32x128xf32, #tpu.memory_space<vmem>> -> memref<32x128xf32, #tpu.memory_space<vmem>>
      %gather3A_976 = tpu.vector_load_idx %gather3A_975[%iota3A, %broadcast_in_dim3A_967] : memref<32x128xf32, #tpu.memory_space<vmem>>[vector<16xi32>, vector<16xi32>], vector<16xf32>,
      %gather3A_977 = arith.constant 5 : i32
      %gather3A_978 = arith.constant 0 : i32
      %gather3A_979 = arith.constant 0 : i32
      %gather3A_980 = tpu.memref_slice %arg10[%gather3A_977, %gather3A_978, %gather3A_979] : memref<12x32x128xf32, #tpu.memory_space<vmem>> -> memref<1x32x128xf32, #tpu.memory_space<vmem>>
      %gather3A_981 = tpu.memref_squeeze %gather3A_980 : memref<1x32x128xf32, #tpu.memory_space<vmem>> -> memref<32x128xf32, #tpu.memory_space<vmem>>
      %gather3A_982 = tpu.vector_load_idx %gather3A_981[%iota3A, %broadcast_in_dim3A_970] : memref<32x128xf32, #tpu.memory_space<vmem>>[vector<16xi32>, vector<16xi32>], vector<16xf32>,
      %mul3A_983 = arith.mulf %gather3A_976, %gather3A_982 : vector<16xf32>
      tpu.vector_store_idx %arg11[%iota3A, %broadcast_in_dim3A_964], %mul3A_983 : memref<32x512xf32, #tpu.memory_space<vmem>>[vector<16xi32>, vector<16xi32>], vector<16xf32>,
      %gather3A_984 = arith.constant 5 : i32
      %gather3A_985 = arith.constant 0 : i32
      %gather3A_986 = arith.constant 0 : i32
      %gather3A_987 = tpu.memref_slice %arg9[%gather3A_984, %gather3A_985, %gather3A_986] : memref<12x32x128xf32, #tpu.memory_space<vmem>> -> memref<1x32x128xf32, #tpu.memory_space<vmem>>
      %gather3A_988 = tpu.memref_squeeze %gather3A_987 : memref<1x32x128xf32, #tpu.memory_space<vmem>> -> memref<32x128xf32, #tpu.memory_space<vmem>>
      %gather3A_989 = tpu.vector_load_idx %gather3A_988[%add3A_5, %broadcast_in_dim3A_967] : memref<32x128xf32, #tpu.memory_space<vmem>>[vector<16xi32>, vector<16xi32>], vector<16xf32>,
      %gather3A_990 = arith.constant 5 : i32
      %gather3A_991 = arith.constant 0 : i32
      %gather3A_992 = arith.constant 0 : i32
      %gather3A_993 = tpu.memref_slice %arg10[%gather3A_990, %gather3A_991, %gather3A_992] : memref<12x32x128xf32, #tpu.memory_space<vmem>> -> memref<1x32x128xf32, #tpu.memory_space<vmem>>
      %gather3A_994 = tpu.memref_squeeze %gather3A_993 : memref<1x32x128xf32, #tpu.memory_space<vmem>> -> memref<32x128xf32, #tpu.memory_space<vmem>>
      %gather3A_995 = tpu.vector_load_idx %gather3A_994[%add3A_5, %broadcast_in_dim3A_970] : memref<32x128xf32, #tpu.memory_space<vmem>>[vector<16xi32>, vector<16xi32>], vector<16xf32>,
      %mul3A_996 = arith.mulf %gather3A_989, %gather3A_995 : vector<16xf32>
      tpu.vector_store_idx %arg11[%add3A_5, %broadcast_in_dim3A_964], %mul3A_996 : memref<32x512xf32, #tpu.memory_space<vmem>>[vector<16xi32>, vector<16xi32>], vector<16xf32>,
      %mul3A_997 = arith.constant 16 : i32
      %mul3A_998 = arith.muli %scan3A_11, %mul3A_997 : i32
      %add3A_999 = arith.constant 6 : i32
      %add3A_1000 = arith.addi %mul3A_998, %add3A_999 : i32
      %broadcast_in_dim3A_1001 = vector.broadcast %add3A_1000 : i32 to vector<16xi32>
      %slice3A_1002 = vector.extract_strided_slice %and3A_22 {offsets = [6], sizes = [1], strides = [1]} : vector<16xi32> to vector<1xi32>
      %squeeze3A_1003 = vector.extract %slice3A_1002[0] : i32 from vector<1xi32>
      %broadcast_in_dim3A_1004 = vector.broadcast %squeeze3A_1003 : i32 to vector<16xi32>
      %slice3A_1005 = vector.extract_strided_slice %and3A_28 {offsets = [6], sizes = [1], strides = [1]} : vector<16xi32> to vector<1xi32>
      %squeeze3A_1006 = vector.extract %slice3A_1005[0] : i32 from vector<1xi32>
      %broadcast_in_dim3A_1007 = vector.broadcast %squeeze3A_1006 : i32 to vector<16xi32>
      %gather3A_1008 = arith.constant 6 : i32
      %gather3A_1009 = arith.constant 0 : i32
      %gather3A_1010 = arith.constant 0 : i32
      %gather3A_1011 = tpu.memref_slice %arg9[%gather3A_1008, %gather3A_1009, %gather3A_1010] : memref<12x32x128xf32, #tpu.memory_space<vmem>> -> memref<1x32x128xf32, #tpu.memory_space<vmem>>
      %gather3A_1012 = tpu.memref_squeeze %gather3A_1011 : memref<1x32x128xf32, #tpu.memory_space<vmem>> -> memref<32x128xf32, #tpu.memory_space<vmem>>
      %gather3A_1013 = tpu.vector_load_idx %gather3A_1012[%iota3A, %broadcast_in_dim3A_1004] : memref<32x128xf32, #tpu.memory_space<vmem>>[vector<16xi32>, vector<16xi32>], vector<16xf32>,
      %gather3A_1014 = arith.constant 6 : i32
      %gather3A_1015 = arith.constant 0 : i32
      %gather3A_1016 = arith.constant 0 : i32
      %gather3A_1017 = tpu.memref_slice %arg10[%gather3A_1014, %gather3A_1015, %gather3A_1016] : memref<12x32x128xf32, #tpu.memory_space<vmem>> -> memref<1x32x128xf32, #tpu.memory_space<vmem>>
      %gather3A_1018 = tpu.memref_squeeze %gather3A_1017 : memref<1x32x128xf32, #tpu.memory_space<vmem>> -> memref<32x128xf32, #tpu.memory_space<vmem>>
      %gather3A_1019 = tpu.vector_load_idx %gather3A_1018[%iota3A, %broadcast_in_dim3A_1007] : memref<32x128xf32, #tpu.memory_space<vmem>>[vector<16xi32>, vector<16xi32>], vector<16xf32>,
      %mul3A_1020 = arith.mulf %gather3A_1013, %gather3A_1019 : vector<16xf32>
      tpu.vector_store_idx %arg11[%iota3A, %broadcast_in_dim3A_1001], %mul3A_1020 : memref<32x512xf32, #tpu.memory_space<vmem>>[vector<16xi32>, vector<16xi32>], vector<16xf32>,
      %gather3A_1021 = arith.constant 6 : i32
      %gather3A_1022 = arith.constant 0 : i32
      %gather3A_1023 = arith.constant 0 : i32
      %gather3A_1024 = tpu.memref_slice %arg9[%gather3A_1021, %gather3A_1022, %gather3A_1023] : memref<12x32x128xf32, #tpu.memory_space<vmem>> -> memref<1x32x128xf32, #tpu.memory_space<vmem>>
      %gather3A_1025 = tpu.memref_squeeze %gather3A_1024 : memref<1x32x128xf32, #tpu.memory_space<vmem>> -> memref<32x128xf32, #tpu.memory_space<vmem>>
      %gather3A_1026 = tpu.vector_load_idx %gather3A_1025[%add3A_5, %broadcast_in_dim3A_1004] : memref<32x128xf32, #tpu.memory_space<vmem>>[vector<16xi32>, vector<16xi32>], vector<16xf32>,
      %gather3A_1027 = arith.constant 6 : i32
      %gather3A_1028 = arith.constant 0 : i32
      %gather3A_1029 = arith.constant 0 : i32
      %gather3A_1030 = tpu.memref_slice %arg10[%gather3A_1027, %gather3A_1028, %gather3A_1029] : memref<12x32x128xf32, #tpu.memory_space<vmem>> -> memref<1x32x128xf32, #tpu.memory_space<vmem>>
      %gather3A_1031 = tpu.memref_squeeze %gather3A_1030 : memref<1x32x128xf32, #tpu.memory_space<vmem>> -> memref<32x128xf32, #tpu.memory_space<vmem>>
      %gather3A_1032 = tpu.vector_load_idx %gather3A_1031[%add3A_5, %broadcast_in_dim3A_1007] : memref<32x128xf32, #tpu.memory_space<vmem>>[vector<16xi32>, vector<16xi32>], vector<16xf32>,
      %mul3A_1033 = arith.mulf %gather3A_1026, %gather3A_1032 : vector<16xf32>
      tpu.vector_store_idx %arg11[%add3A_5, %broadcast_in_dim3A_1001], %mul3A_1033 : memref<32x512xf32, #tpu.memory_space<vmem>>[vector<16xi32>, vector<16xi32>], vector<16xf32>,
      %mul3A_1034 = arith.constant 16 : i32
      %mul3A_1035 = arith.muli %scan3A_11, %mul3A_1034 : i32
      %add3A_1036 = arith.constant 7 : i32
      %add3A_1037 = arith.addi %mul3A_1035, %add3A_1036 : i32
      %broadcast_in_dim3A_1038 = vector.broadcast %add3A_1037 : i32 to vector<16xi32>
      %slice3A_1039 = vector.extract_strided_slice %and3A_22 {offsets = [7], sizes = [1], strides = [1]} : vector<16xi32> to vector<1xi32>
      %squeeze3A_1040 = vector.extract %slice3A_1039[0] : i32 from vector<1xi32>
      %broadcast_in_dim3A_1041 = vector.broadcast %squeeze3A_1040 : i32 to vector<16xi32>
      %slice3A_1042 = vector.extract_strided_slice %and3A_28 {offsets = [7], sizes = [1], strides = [1]} : vector<16xi32> to vector<1xi32>
      %squeeze3A_1043 = vector.extract %slice3A_1042[0] : i32 from vector<1xi32>
      %broadcast_in_dim3A_1044 = vector.broadcast %squeeze3A_1043 : i32 to vector<16xi32>
      %gather3A_1045 = arith.constant 7 : i32
      %gather3A_1046 = arith.constant 0 : i32
      %gather3A_1047 = arith.constant 0 : i32
      %gather3A_1048 = tpu.memref_slice %arg9[%gather3A_1045, %gather3A_1046, %gather3A_1047] : memref<12x32x128xf32, #tpu.memory_space<vmem>> -> memref<1x32x128xf32, #tpu.memory_space<vmem>>
      %gather3A_1049 = tpu.memref_squeeze %gather3A_1048 : memref<1x32x128xf32, #tpu.memory_space<vmem>> -> memref<32x128xf32, #tpu.memory_space<vmem>>
      %gather3A_1050 = tpu.vector_load_idx %gather3A_1049[%iota3A, %broadcast_in_dim3A_1041] : memref<32x128xf32, #tpu.memory_space<vmem>>[vector<16xi32>, vector<16xi32>], vector<16xf32>,
      %gather3A_1051 = arith.constant 7 : i32
      %gather3A_1052 = arith.constant 0 : i32
      %gather3A_1053 = arith.constant 0 : i32
      %gather3A_1054 = tpu.memref_slice %arg10[%gather3A_1051, %gather3A_1052, %gather3A_1053] : memref<12x32x128xf32, #tpu.memory_space<vmem>> -> memref<1x32x128xf32, #tpu.memory_space<vmem>>
      %gather3A_1055 = tpu.memref_squeeze %gather3A_1054 : memref<1x32x128xf32, #tpu.memory_space<vmem>> -> memref<32x128xf32, #tpu.memory_space<vmem>>
      %gather3A_1056 = tpu.vector_load_idx %gather3A_1055[%iota3A, %broadcast_in_dim3A_1044] : memref<32x128xf32, #tpu.memory_space<vmem>>[vector<16xi32>, vector<16xi32>], vector<16xf32>,
      %mul3A_1057 = arith.mulf %gather3A_1050, %gather3A_1056 : vector<16xf32>
      tpu.vector_store_idx %arg11[%iota3A, %broadcast_in_dim3A_1038], %mul3A_1057 : memref<32x512xf32, #tpu.memory_space<vmem>>[vector<16xi32>, vector<16xi32>], vector<16xf32>,
      %gather3A_1058 = arith.constant 7 : i32
      %gather3A_1059 = arith.constant 0 : i32
      %gather3A_1060 = arith.constant 0 : i32
      %gather3A_1061 = tpu.memref_slice %arg9[%gather3A_1058, %gather3A_1059, %gather3A_1060] : memref<12x32x128xf32, #tpu.memory_space<vmem>> -> memref<1x32x128xf32, #tpu.memory_space<vmem>>
      %gather3A_1062 = tpu.memref_squeeze %gather3A_1061 : memref<1x32x128xf32, #tpu.memory_space<vmem>> -> memref<32x128xf32, #tpu.memory_space<vmem>>
      %gather3A_1063 = tpu.vector_load_idx %gather3A_1062[%add3A_5, %broadcast_in_dim3A_1041] : memref<32x128xf32, #tpu.memory_space<vmem>>[vector<16xi32>, vector<16xi32>], vector<16xf32>,
      %gather3A_1064 = arith.constant 7 : i32
      %gather3A_1065 = arith.constant 0 : i32
      %gather3A_1066 = arith.constant 0 : i32
      %gather3A_1067 = tpu.memref_slice %arg10[%gather3A_1064, %gather3A_1065, %gather3A_1066] : memref<12x32x128xf32, #tpu.memory_space<vmem>> -> memref<1x32x128xf32, #tpu.memory_space<vmem>>
      %gather3A_1068 = tpu.memref_squeeze %gather3A_1067 : memref<1x32x128xf32, #tpu.memory_space<vmem>> -> memref<32x128xf32, #tpu.memory_space<vmem>>
      %gather3A_1069 = tpu.vector_load_idx %gather3A_1068[%add3A_5, %broadcast_in_dim3A_1044] : memref<32x128xf32, #tpu.memory_space<vmem>>[vector<16xi32>, vector<16xi32>], vector<16xf32>,
      %mul3A_1070 = arith.mulf %gather3A_1063, %gather3A_1069 : vector<16xf32>
      tpu.vector_store_idx %arg11[%add3A_5, %broadcast_in_dim3A_1038], %mul3A_1070 : memref<32x512xf32, #tpu.memory_space<vmem>>[vector<16xi32>, vector<16xi32>], vector<16xf32>,
      %dma_wait3A_1071 = arith.constant 8 : i32
      %dma_wait3A_1072 = arith.constant 0 : i32
      %dma_wait3A_1073 = arith.constant 0 : i32
      %dma_wait3A_1074 = tpu.memref_slice %arg9[%dma_wait3A_1071, %dma_wait3A_1072, %dma_wait3A_1073] : memref<12x32x128xf32, #tpu.memory_space<vmem>> -> memref<1x32x128xf32, #tpu.memory_space<vmem>>
      %dma_wait3A_1075 = tpu.memref_squeeze %dma_wait3A_1074 : memref<1x32x128xf32, #tpu.memory_space<vmem>> -> memref<32x128xf32, #tpu.memory_space<vmem>>
      %dma_wait3A_1076 = arith.constant 0 : i32
      %dma_wait3A_1077 = tpu.memref_slice %arg4[%dma_wait3A_1076, %mul3A_301] : memref<32x1000000xf32, #tpu.memory_space<hbm>> -> memref<32x128xf32, #tpu.memory_space<hbm>>
      %dma_wait3A_1078 = arith.constant 0 : i32
      %dma_wait3A_1079 = arith.constant 0 : i32
      %dma_wait3A_1080 = tpu.memref_slice %arg9[%dma_wait3A_1071, %dma_wait3A_1078, %dma_wait3A_1079] : memref<12x32x128xf32, #tpu.memory_space<vmem>> -> memref<1x32x128xf32, #tpu.memory_space<vmem>>
      %dma_wait3A_1081 = tpu.memref_squeeze %dma_wait3A_1080 : memref<1x32x128xf32, #tpu.memory_space<vmem>> -> memref<32x128xf32, #tpu.memory_space<vmem>>
      %dma_wait3A_1082 = arith.constant 0 : i32
      %dma_wait3A_1083 = tpu.memref_slice %arg4[%dma_wait3A_1082, %mul3A_301] : memref<32x1000000xf32, #tpu.memory_space<hbm>> -> memref<32x128xf32, #tpu.memory_space<hbm>>
      tpu.wait_dma2 semaphore(%arg12 : memref<!tpu.dma_semaphore, #tpu.memory_space<semaphore_mem>>) src(%dma_wait3A_1083 : memref<32x128xf32, #tpu.memory_space<hbm>>) dst(%dma_wait3A_1081 : memref<32x128xf32, #tpu.memory_space<vmem>>)
      %dma_wait3A_1084 = arith.constant 8 : i32
      %dma_wait3A_1085 = arith.constant 0 : i32
      %dma_wait3A_1086 = arith.constant 0 : i32
      %dma_wait3A_1087 = tpu.memref_slice %arg10[%dma_wait3A_1084, %dma_wait3A_1085, %dma_wait3A_1086] : memref<12x32x128xf32, #tpu.memory_space<vmem>> -> memref<1x32x128xf32, #tpu.memory_space<vmem>>
      %dma_wait3A_1088 = tpu.memref_squeeze %dma_wait3A_1087 : memref<1x32x128xf32, #tpu.memory_space<vmem>> -> memref<32x128xf32, #tpu.memory_space<vmem>>
      %dma_wait3A_1089 = arith.constant 0 : i32
      %dma_wait3A_1090 = tpu.memref_slice %arg5[%dma_wait3A_1089, %mul3A_318] : memref<32x1000000xf32, #tpu.memory_space<hbm>> -> memref<32x128xf32, #tpu.memory_space<hbm>>
      %dma_wait3A_1091 = arith.constant 0 : i32
      %dma_wait3A_1092 = arith.constant 0 : i32
      %dma_wait3A_1093 = tpu.memref_slice %arg10[%dma_wait3A_1084, %dma_wait3A_1091, %dma_wait3A_1092] : memref<12x32x128xf32, #tpu.memory_space<vmem>> -> memref<1x32x128xf32, #tpu.memory_space<vmem>>
      %dma_wait3A_1094 = tpu.memref_squeeze %dma_wait3A_1093 : memref<1x32x128xf32, #tpu.memory_space<vmem>> -> memref<32x128xf32, #tpu.memory_space<vmem>>
      %dma_wait3A_1095 = arith.constant 0 : i32
      %dma_wait3A_1096 = tpu.memref_slice %arg5[%dma_wait3A_1095, %mul3A_318] : memref<32x1000000xf32, #tpu.memory_space<hbm>> -> memref<32x128xf32, #tpu.memory_space<hbm>>
      tpu.wait_dma2 semaphore(%arg13 : memref<!tpu.dma_semaphore, #tpu.memory_space<semaphore_mem>>) src(%dma_wait3A_1096 : memref<32x128xf32, #tpu.memory_space<hbm>>) dst(%dma_wait3A_1094 : memref<32x128xf32, #tpu.memory_space<vmem>>)
      %dma_wait3A_1097 = arith.constant 9 : i32
      %dma_wait3A_1098 = arith.constant 0 : i32
      %dma_wait3A_1099 = arith.constant 0 : i32
      %dma_wait3A_1100 = tpu.memref_slice %arg9[%dma_wait3A_1097, %dma_wait3A_1098, %dma_wait3A_1099] : memref<12x32x128xf32, #tpu.memory_space<vmem>> -> memref<1x32x128xf32, #tpu.memory_space<vmem>>
      %dma_wait3A_1101 = tpu.memref_squeeze %dma_wait3A_1100 : memref<1x32x128xf32, #tpu.memory_space<vmem>> -> memref<32x128xf32, #tpu.memory_space<vmem>>
      %dma_wait3A_1102 = arith.constant 0 : i32
      %dma_wait3A_1103 = tpu.memref_slice %arg4[%dma_wait3A_1102, %mul3A_335] : memref<32x1000000xf32, #tpu.memory_space<hbm>> -> memref<32x128xf32, #tpu.memory_space<hbm>>
      %dma_wait3A_1104 = arith.constant 0 : i32
      %dma_wait3A_1105 = arith.constant 0 : i32
      %dma_wait3A_1106 = tpu.memref_slice %arg9[%dma_wait3A_1097, %dma_wait3A_1104, %dma_wait3A_1105] : memref<12x32x128xf32, #tpu.memory_space<vmem>> -> memref<1x32x128xf32, #tpu.memory_space<vmem>>
      %dma_wait3A_1107 = tpu.memref_squeeze %dma_wait3A_1106 : memref<1x32x128xf32, #tpu.memory_space<vmem>> -> memref<32x128xf32, #tpu.memory_space<vmem>>
      %dma_wait3A_1108 = arith.constant 0 : i32
      %dma_wait3A_1109 = tpu.memref_slice %arg4[%dma_wait3A_1108, %mul3A_335] : memref<32x1000000xf32, #tpu.memory_space<hbm>> -> memref<32x128xf32, #tpu.memory_space<hbm>>
      tpu.wait_dma2 semaphore(%arg12 : memref<!tpu.dma_semaphore, #tpu.memory_space<semaphore_mem>>) src(%dma_wait3A_1109 : memref<32x128xf32, #tpu.memory_space<hbm>>) dst(%dma_wait3A_1107 : memref<32x128xf32, #tpu.memory_space<vmem>>)
      %dma_wait3A_1110 = arith.constant 9 : i32
      %dma_wait3A_1111 = arith.constant 0 : i32
      %dma_wait3A_1112 = arith.constant 0 : i32
      %dma_wait3A_1113 = tpu.memref_slice %arg10[%dma_wait3A_1110, %dma_wait3A_1111, %dma_wait3A_1112] : memref<12x32x128xf32, #tpu.memory_space<vmem>> -> memref<1x32x128xf32, #tpu.memory_space<vmem>>
      %dma_wait3A_1114 = tpu.memref_squeeze %dma_wait3A_1113 : memref<1x32x128xf32, #tpu.memory_space<vmem>> -> memref<32x128xf32, #tpu.memory_space<vmem>>
      %dma_wait3A_1115 = arith.constant 0 : i32
      %dma_wait3A_1116 = tpu.memref_slice %arg5[%dma_wait3A_1115, %mul3A_352] : memref<32x1000000xf32, #tpu.memory_space<hbm>> -> memref<32x128xf32, #tpu.memory_space<hbm>>
      %dma_wait3A_1117 = arith.constant 0 : i32
      %dma_wait3A_1118 = arith.constant 0 : i32
      %dma_wait3A_1119 = tpu.memref_slice %arg10[%dma_wait3A_1110, %dma_wait3A_1117, %dma_wait3A_1118] : memref<12x32x128xf32, #tpu.memory_space<vmem>> -> memref<1x32x128xf32, #tpu.memory_space<vmem>>
      %dma_wait3A_1120 = tpu.memref_squeeze %dma_wait3A_1119 : memref<1x32x128xf32, #tpu.memory_space<vmem>> -> memref<32x128xf32, #tpu.memory_space<vmem>>
      %dma_wait3A_1121 = arith.constant 0 : i32
      %dma_wait3A_1122 = tpu.memref_slice %arg5[%dma_wait3A_1121, %mul3A_352] : memref<32x1000000xf32, #tpu.memory_space<hbm>> -> memref<32x128xf32, #tpu.memory_space<hbm>>
      tpu.wait_dma2 semaphore(%arg13 : memref<!tpu.dma_semaphore, #tpu.memory_space<semaphore_mem>>) src(%dma_wait3A_1122 : memref<32x128xf32, #tpu.memory_space<hbm>>) dst(%dma_wait3A_1120 : memref<32x128xf32, #tpu.memory_space<vmem>>)
      %dma_wait3A_1123 = arith.constant 10 : i32
      %dma_wait3A_1124 = arith.constant 0 : i32
      %dma_wait3A_1125 = arith.constant 0 : i32
      %dma_wait3A_1126 = tpu.memref_slice %arg9[%dma_wait3A_1123, %dma_wait3A_1124, %dma_wait3A_1125] : memref<12x32x128xf32, #tpu.memory_space<vmem>> -> memref<1x32x128xf32, #tpu.memory_space<vmem>>
      %dma_wait3A_1127 = tpu.memref_squeeze %dma_wait3A_1126 : memref<1x32x128xf32, #tpu.memory_space<vmem>> -> memref<32x128xf32, #tpu.memory_space<vmem>>
      %dma_wait3A_1128 = arith.constant 0 : i32
      %dma_wait3A_1129 = tpu.memref_slice %arg4[%dma_wait3A_1128, %mul3A_369] : memref<32x1000000xf32, #tpu.memory_space<hbm>> -> memref<32x128xf32, #tpu.memory_space<hbm>>
      %dma_wait3A_1130 = arith.constant 0 : i32
      %dma_wait3A_1131 = arith.constant 0 : i32
      %dma_wait3A_1132 = tpu.memref_slice %arg9[%dma_wait3A_1123, %dma_wait3A_1130, %dma_wait3A_1131] : memref<12x32x128xf32, #tpu.memory_space<vmem>> -> memref<1x32x128xf32, #tpu.memory_space<vmem>>
      %dma_wait3A_1133 = tpu.memref_squeeze %dma_wait3A_1132 : memref<1x32x128xf32, #tpu.memory_space<vmem>> -> memref<32x128xf32, #tpu.memory_space<vmem>>
      %dma_wait3A_1134 = arith.constant 0 : i32
      %dma_wait3A_1135 = tpu.memref_slice %arg4[%dma_wait3A_1134, %mul3A_369] : memref<32x1000000xf32, #tpu.memory_space<hbm>> -> memref<32x128xf32, #tpu.memory_space<hbm>>
      tpu.wait_dma2 semaphore(%arg12 : memref<!tpu.dma_semaphore, #tpu.memory_space<semaphore_mem>>) src(%dma_wait3A_1135 : memref<32x128xf32, #tpu.memory_space<hbm>>) dst(%dma_wait3A_1133 : memref<32x128xf32, #tpu.memory_space<vmem>>)
      %dma_wait3A_1136 = arith.constant 10 : i32
      %dma_wait3A_1137 = arith.constant 0 : i32
      %dma_wait3A_1138 = arith.constant 0 : i32
      %dma_wait3A_1139 = tpu.memref_slice %arg10[%dma_wait3A_1136, %dma_wait3A_1137, %dma_wait3A_1138] : memref<12x32x128xf32, #tpu.memory_space<vmem>> -> memref<1x32x128xf32, #tpu.memory_space<vmem>>
      %dma_wait3A_1140 = tpu.memref_squeeze %dma_wait3A_1139 : memref<1x32x128xf32, #tpu.memory_space<vmem>> -> memref<32x128xf32, #tpu.memory_space<vmem>>
      %dma_wait3A_1141 = arith.constant 0 : i32
      %dma_wait3A_1142 = tpu.memref_slice %arg5[%dma_wait3A_1141, %mul3A_386] : memref<32x1000000xf32, #tpu.memory_space<hbm>> -> memref<32x128xf32, #tpu.memory_space<hbm>>
      %dma_wait3A_1143 = arith.constant 0 : i32
      %dma_wait3A_1144 = arith.constant 0 : i32
      %dma_wait3A_1145 = tpu.memref_slice %arg10[%dma_wait3A_1136, %dma_wait3A_1143, %dma_wait3A_1144] : memref<12x32x128xf32, #tpu.memory_space<vmem>> -> memref<1x32x128xf32, #tpu.memory_space<vmem>>
      %dma_wait3A_1146 = tpu.memref_squeeze %dma_wait3A_1145 : memref<1x32x128xf32, #tpu.memory_space<vmem>> -> memref<32x128xf32, #tpu.memory_space<vmem>>
      %dma_wait3A_1147 = arith.constant 0 : i32
      %dma_wait3A_1148 = tpu.memref_slice %arg5[%dma_wait3A_1147, %mul3A_386] : memref<32x1000000xf32, #tpu.memory_space<hbm>> -> memref<32x128xf32, #tpu.memory_space<hbm>>
      tpu.wait_dma2 semaphore(%arg13 : memref<!tpu.dma_semaphore, #tpu.memory_space<semaphore_mem>>) src(%dma_wait3A_1148 : memref<32x128xf32, #tpu.memory_space<hbm>>) dst(%dma_wait3A_1146 : memref<32x128xf32, #tpu.memory_space<vmem>>)
      %dma_wait3A_1149 = arith.constant 11 : i32
      %dma_wait3A_1150 = arith.constant 0 : i32
      %dma_wait3A_1151 = arith.constant 0 : i32
      %dma_wait3A_1152 = tpu.memref_slice %arg9[%dma_wait3A_1149, %dma_wait3A_1150, %dma_wait3A_1151] : memref<12x32x128xf32, #tpu.memory_space<vmem>> -> memref<1x32x128xf32, #tpu.memory_space<vmem>>
      %dma_wait3A_1153 = tpu.memref_squeeze %dma_wait3A_1152 : memref<1x32x128xf32, #tpu.memory_space<vmem>> -> memref<32x128xf32, #tpu.memory_space<vmem>>
      %dma_wait3A_1154 = arith.constant 0 : i32
      %dma_wait3A_1155 = tpu.memref_slice %arg4[%dma_wait3A_1154, %mul3A_403] : memref<32x1000000xf32, #tpu.memory_space<hbm>> -> memref<32x128xf32, #tpu.memory_space<hbm>>
      %dma_wait3A_1156 = arith.constant 0 : i32
      %dma_wait3A_1157 = arith.constant 0 : i32
      %dma_wait3A_1158 = tpu.memref_slice %arg9[%dma_wait3A_1149, %dma_wait3A_1156, %dma_wait3A_1157] : memref<12x32x128xf32, #tpu.memory_space<vmem>> -> memref<1x32x128xf32, #tpu.memory_space<vmem>>
      %dma_wait3A_1159 = tpu.memref_squeeze %dma_wait3A_1158 : memref<1x32x128xf32, #tpu.memory_space<vmem>> -> memref<32x128xf32, #tpu.memory_space<vmem>>
      %dma_wait3A_1160 = arith.constant 0 : i32
      %dma_wait3A_1161 = tpu.memref_slice %arg4[%dma_wait3A_1160, %mul3A_403] : memref<32x1000000xf32, #tpu.memory_space<hbm>> -> memref<32x128xf32, #tpu.memory_space<hbm>>
      tpu.wait_dma2 semaphore(%arg12 : memref<!tpu.dma_semaphore, #tpu.memory_space<semaphore_mem>>) src(%dma_wait3A_1161 : memref<32x128xf32, #tpu.memory_space<hbm>>) dst(%dma_wait3A_1159 : memref<32x128xf32, #tpu.memory_space<vmem>>)
      %dma_wait3A_1162 = arith.constant 11 : i32
      %dma_wait3A_1163 = arith.constant 0 : i32
      %dma_wait3A_1164 = arith.constant 0 : i32
      %dma_wait3A_1165 = tpu.memref_slice %arg10[%dma_wait3A_1162, %dma_wait3A_1163, %dma_wait3A_1164] : memref<12x32x128xf32, #tpu.memory_space<vmem>> -> memref<1x32x128xf32, #tpu.memory_space<vmem>>
      %dma_wait3A_1166 = tpu.memref_squeeze %dma_wait3A_1165 : memref<1x32x128xf32, #tpu.memory_space<vmem>> -> memref<32x128xf32, #tpu.memory_space<vmem>>
      %dma_wait3A_1167 = arith.constant 0 : i32
      %dma_wait3A_1168 = tpu.memref_slice %arg5[%dma_wait3A_1167, %mul3A_420] : memref<32x1000000xf32, #tpu.memory_space<hbm>> -> memref<32x128xf32, #tpu.memory_space<hbm>>
      %dma_wait3A_1169 = arith.constant 0 : i32
      %dma_wait3A_1170 = arith.constant 0 : i32
      %dma_wait3A_1171 = tpu.memref_slice %arg10[%dma_wait3A_1162, %dma_wait3A_1169, %dma_wait3A_1170] : memref<12x32x128xf32, #tpu.memory_space<vmem>> -> memref<1x32x128xf32, #tpu.memory_space<vmem>>
      %dma_wait3A_1172 = tpu.memref_squeeze %dma_wait3A_1171 : memref<1x32x128xf32, #tpu.memory_space<vmem>> -> memref<32x128xf32, #tpu.memory_space<vmem>>
      %dma_wait3A_1173 = arith.constant 0 : i32
      %dma_wait3A_1174 = tpu.memref_slice %arg5[%dma_wait3A_1173, %mul3A_420] : memref<32x1000000xf32, #tpu.memory_space<hbm>> -> memref<32x128xf32, #tpu.memory_space<hbm>>
      tpu.wait_dma2 semaphore(%arg13 : memref<!tpu.dma_semaphore, #tpu.memory_space<semaphore_mem>>) src(%dma_wait3A_1174 : memref<32x128xf32, #tpu.memory_space<hbm>>) dst(%dma_wait3A_1172 : memref<32x128xf32, #tpu.memory_space<vmem>>)
      %mul3A_1175 = arith.constant 16 : i32
      %mul3A_1176 = arith.muli %scan3A_11, %mul3A_1175 : i32
      %add3A_1177 = arith.constant 8 : i32
      %add3A_1178 = arith.addi %mul3A_1176, %add3A_1177 : i32
      %broadcast_in_dim3A_1179 = vector.broadcast %add3A_1178 : i32 to vector<16xi32>
      %slice3A_1180 = vector.extract_strided_slice %and3A_22 {offsets = [8], sizes = [1], strides = [1]} : vector<16xi32> to vector<1xi32>
      %squeeze3A_1181 = vector.extract %slice3A_1180[0] : i32 from vector<1xi32>
      %broadcast_in_dim3A_1182 = vector.broadcast %squeeze3A_1181 : i32 to vector<16xi32>
      %slice3A_1183 = vector.extract_strided_slice %and3A_28 {offsets = [8], sizes = [1], strides = [1]} : vector<16xi32> to vector<1xi32>
      %squeeze3A_1184 = vector.extract %slice3A_1183[0] : i32 from vector<1xi32>
      %broadcast_in_dim3A_1185 = vector.broadcast %squeeze3A_1184 : i32 to vector<16xi32>
      %gather3A_1186 = arith.constant 8 : i32
      %gather3A_1187 = arith.constant 0 : i32
      %gather3A_1188 = arith.constant 0 : i32
      %gather3A_1189 = tpu.memref_slice %arg9[%gather3A_1186, %gather3A_1187, %gather3A_1188] : memref<12x32x128xf32, #tpu.memory_space<vmem>> -> memref<1x32x128xf32, #tpu.memory_space<vmem>>
      %gather3A_1190 = tpu.memref_squeeze %gather3A_1189 : memref<1x32x128xf32, #tpu.memory_space<vmem>> -> memref<32x128xf32, #tpu.memory_space<vmem>>
      %gather3A_1191 = tpu.vector_load_idx %gather3A_1190[%iota3A, %broadcast_in_dim3A_1182] : memref<32x128xf32, #tpu.memory_space<vmem>>[vector<16xi32>, vector<16xi32>], vector<16xf32>,
      %gather3A_1192 = arith.constant 8 : i32
      %gather3A_1193 = arith.constant 0 : i32
      %gather3A_1194 = arith.constant 0 : i32
      %gather3A_1195 = tpu.memref_slice %arg10[%gather3A_1192, %gather3A_1193, %gather3A_1194] : memref<12x32x128xf32, #tpu.memory_space<vmem>> -> memref<1x32x128xf32, #tpu.memory_space<vmem>>
      %gather3A_1196 = tpu.memref_squeeze %gather3A_1195 : memref<1x32x128xf32, #tpu.memory_space<vmem>> -> memref<32x128xf32, #tpu.memory_space<vmem>>
      %gather3A_1197 = tpu.vector_load_idx %gather3A_1196[%iota3A, %broadcast_in_dim3A_1185] : memref<32x128xf32, #tpu.memory_space<vmem>>[vector<16xi32>, vector<16xi32>], vector<16xf32>,
      %mul3A_1198 = arith.mulf %gather3A_1191, %gather3A_1197 : vector<16xf32>
      tpu.vector_store_idx %arg11[%iota3A, %broadcast_in_dim3A_1179], %mul3A_1198 : memref<32x512xf32, #tpu.memory_space<vmem>>[vector<16xi32>, vector<16xi32>], vector<16xf32>,
      %gather3A_1199 = arith.constant 8 : i32
      %gather3A_1200 = arith.constant 0 : i32
      %gather3A_1201 = arith.constant 0 : i32
      %gather3A_1202 = tpu.memref_slice %arg9[%gather3A_1199, %gather3A_1200, %gather3A_1201] : memref<12x32x128xf32, #tpu.memory_space<vmem>> -> memref<1x32x128xf32, #tpu.memory_space<vmem>>
      %gather3A_1203 = tpu.memref_squeeze %gather3A_1202 : memref<1x32x128xf32, #tpu.memory_space<vmem>> -> memref<32x128xf32, #tpu.memory_space<vmem>>
      %gather3A_1204 = tpu.vector_load_idx %gather3A_1203[%add3A_5, %broadcast_in_dim3A_1182] : memref<32x128xf32, #tpu.memory_space<vmem>>[vector<16xi32>, vector<16xi32>], vector<16xf32>,
      %gather3A_1205 = arith.constant 8 : i32
      %gather3A_1206 = arith.constant 0 : i32
      %gather3A_1207 = arith.constant 0 : i32
      %gather3A_1208 = tpu.memref_slice %arg10[%gather3A_1205, %gather3A_1206, %gather3A_1207] : memref<12x32x128xf32, #tpu.memory_space<vmem>> -> memref<1x32x128xf32, #tpu.memory_space<vmem>>
      %gather3A_1209 = tpu.memref_squeeze %gather3A_1208 : memref<1x32x128xf32, #tpu.memory_space<vmem>> -> memref<32x128xf32, #tpu.memory_space<vmem>>
      %gather3A_1210 = tpu.vector_load_idx %gather3A_1209[%add3A_5, %broadcast_in_dim3A_1185] : memref<32x128xf32, #tpu.memory_space<vmem>>[vector<16xi32>, vector<16xi32>], vector<16xf32>,
      %mul3A_1211 = arith.mulf %gather3A_1204, %gather3A_1210 : vector<16xf32>
      tpu.vector_store_idx %arg11[%add3A_5, %broadcast_in_dim3A_1179], %mul3A_1211 : memref<32x512xf32, #tpu.memory_space<vmem>>[vector<16xi32>, vector<16xi32>], vector<16xf32>,
      %mul3A_1212 = arith.constant 16 : i32
      %mul3A_1213 = arith.muli %scan3A_11, %mul3A_1212 : i32
      %add3A_1214 = arith.constant 9 : i32
      %add3A_1215 = arith.addi %mul3A_1213, %add3A_1214 : i32
      %broadcast_in_dim3A_1216 = vector.broadcast %add3A_1215 : i32 to vector<16xi32>
      %slice3A_1217 = vector.extract_strided_slice %and3A_22 {offsets = [9], sizes = [1], strides = [1]} : vector<16xi32> to vector<1xi32>
      %squeeze3A_1218 = vector.extract %slice3A_1217[0] : i32 from vector<1xi32>
      %broadcast_in_dim3A_1219 = vector.broadcast %squeeze3A_1218 : i32 to vector<16xi32>
      %slice3A_1220 = vector.extract_strided_slice %and3A_28 {offsets = [9], sizes = [1], strides = [1]} : vector<16xi32> to vector<1xi32>
      %squeeze3A_1221 = vector.extract %slice3A_1220[0] : i32 from vector<1xi32>
      %broadcast_in_dim3A_1222 = vector.broadcast %squeeze3A_1221 : i32 to vector<16xi32>
      %gather3A_1223 = arith.constant 9 : i32
      %gather3A_1224 = arith.constant 0 : i32
      %gather3A_1225 = arith.constant 0 : i32
      %gather3A_1226 = tpu.memref_slice %arg9[%gather3A_1223, %gather3A_1224, %gather3A_1225] : memref<12x32x128xf32, #tpu.memory_space<vmem>> -> memref<1x32x128xf32, #tpu.memory_space<vmem>>
      %gather3A_1227 = tpu.memref_squeeze %gather3A_1226 : memref<1x32x128xf32, #tpu.memory_space<vmem>> -> memref<32x128xf32, #tpu.memory_space<vmem>>
      %gather3A_1228 = tpu.vector_load_idx %gather3A_1227[%iota3A, %broadcast_in_dim3A_1219] : memref<32x128xf32, #tpu.memory_space<vmem>>[vector<16xi32>, vector<16xi32>], vector<16xf32>,
      %gather3A_1229 = arith.constant 9 : i32
      %gather3A_1230 = arith.constant 0 : i32
      %gather3A_1231 = arith.constant 0 : i32
      %gather3A_1232 = tpu.memref_slice %arg10[%gather3A_1229, %gather3A_1230, %gather3A_1231] : memref<12x32x128xf32, #tpu.memory_space<vmem>> -> memref<1x32x128xf32, #tpu.memory_space<vmem>>
      %gather3A_1233 = tpu.memref_squeeze %gather3A_1232 : memref<1x32x128xf32, #tpu.memory_space<vmem>> -> memref<32x128xf32, #tpu.memory_space<vmem>>
      %gather3A_1234 = tpu.vector_load_idx %gather3A_1233[%iota3A, %broadcast_in_dim3A_1222] : memref<32x128xf32, #tpu.memory_space<vmem>>[vector<16xi32>, vector<16xi32>], vector<16xf32>,
      %mul3A_1235 = arith.mulf %gather3A_1228, %gather3A_1234 : vector<16xf32>
      tpu.vector_store_idx %arg11[%iota3A, %broadcast_in_dim3A_1216], %mul3A_1235 : memref<32x512xf32, #tpu.memory_space<vmem>>[vector<16xi32>, vector<16xi32>], vector<16xf32>,
      %gather3A_1236 = arith.constant 9 : i32
      %gather3A_1237 = arith.constant 0 : i32
      %gather3A_1238 = arith.constant 0 : i32
      %gather3A_1239 = tpu.memref_slice %arg9[%gather3A_1236, %gather3A_1237, %gather3A_1238] : memref<12x32x128xf32, #tpu.memory_space<vmem>> -> memref<1x32x128xf32, #tpu.memory_space<vmem>>
      %gather3A_1240 = tpu.memref_squeeze %gather3A_1239 : memref<1x32x128xf32, #tpu.memory_space<vmem>> -> memref<32x128xf32, #tpu.memory_space<vmem>>
      %gather3A_1241 = tpu.vector_load_idx %gather3A_1240[%add3A_5, %broadcast_in_dim3A_1219] : memref<32x128xf32, #tpu.memory_space<vmem>>[vector<16xi32>, vector<16xi32>], vector<16xf32>,
      %gather3A_1242 = arith.constant 9 : i32
      %gather3A_1243 = arith.constant 0 : i32
      %gather3A_1244 = arith.constant 0 : i32
      %gather3A_1245 = tpu.memref_slice %arg10[%gather3A_1242, %gather3A_1243, %gather3A_1244] : memref<12x32x128xf32, #tpu.memory_space<vmem>> -> memref<1x32x128xf32, #tpu.memory_space<vmem>>
      %gather3A_1246 = tpu.memref_squeeze %gather3A_1245 : memref<1x32x128xf32, #tpu.memory_space<vmem>> -> memref<32x128xf32, #tpu.memory_space<vmem>>
      %gather3A_1247 = tpu.vector_load_idx %gather3A_1246[%add3A_5, %broadcast_in_dim3A_1222] : memref<32x128xf32, #tpu.memory_space<vmem>>[vector<16xi32>, vector<16xi32>], vector<16xf32>,
      %mul3A_1248 = arith.mulf %gather3A_1241, %gather3A_1247 : vector<16xf32>
      tpu.vector_store_idx %arg11[%add3A_5, %broadcast_in_dim3A_1216], %mul3A_1248 : memref<32x512xf32, #tpu.memory_space<vmem>>[vector<16xi32>, vector<16xi32>], vector<16xf32>,
      %mul3A_1249 = arith.constant 16 : i32
      %mul3A_1250 = arith.muli %scan3A_11, %mul3A_1249 : i32
      %add3A_1251 = arith.constant 10 : i32
      %add3A_1252 = arith.addi %mul3A_1250, %add3A_1251 : i32
      %broadcast_in_dim3A_1253 = vector.broadcast %add3A_1252 : i32 to vector<16xi32>
      %slice3A_1254 = vector.extract_strided_slice %and3A_22 {offsets = [10], sizes = [1], strides = [1]} : vector<16xi32> to vector<1xi32>
      %squeeze3A_1255 = vector.extract %slice3A_1254[0] : i32 from vector<1xi32>
      %broadcast_in_dim3A_1256 = vector.broadcast %squeeze3A_1255 : i32 to vector<16xi32>
      %slice3A_1257 = vector.extract_strided_slice %and3A_28 {offsets = [10], sizes = [1], strides = [1]} : vector<16xi32> to vector<1xi32>
      %squeeze3A_1258 = vector.extract %slice3A_1257[0] : i32 from vector<1xi32>
      %broadcast_in_dim3A_1259 = vector.broadcast %squeeze3A_1258 : i32 to vector<16xi32>
      %gather3A_1260 = arith.constant 10 : i32
      %gather3A_1261 = arith.constant 0 : i32
      %gather3A_1262 = arith.constant 0 : i32
      %gather3A_1263 = tpu.memref_slice %arg9[%gather3A_1260, %gather3A_1261, %gather3A_1262] : memref<12x32x128xf32, #tpu.memory_space<vmem>> -> memref<1x32x128xf32, #tpu.memory_space<vmem>>
      %gather3A_1264 = tpu.memref_squeeze %gather3A_1263 : memref<1x32x128xf32, #tpu.memory_space<vmem>> -> memref<32x128xf32, #tpu.memory_space<vmem>>
      %gather3A_1265 = tpu.vector_load_idx %gather3A_1264[%iota3A, %broadcast_in_dim3A_1256] : memref<32x128xf32, #tpu.memory_space<vmem>>[vector<16xi32>, vector<16xi32>], vector<16xf32>,
      %gather3A_1266 = arith.constant 10 : i32
      %gather3A_1267 = arith.constant 0 : i32
      %gather3A_1268 = arith.constant 0 : i32
      %gather3A_1269 = tpu.memref_slice %arg10[%gather3A_1266, %gather3A_1267, %gather3A_1268] : memref<12x32x128xf32, #tpu.memory_space<vmem>> -> memref<1x32x128xf32, #tpu.memory_space<vmem>>
      %gather3A_1270 = tpu.memref_squeeze %gather3A_1269 : memref<1x32x128xf32, #tpu.memory_space<vmem>> -> memref<32x128xf32, #tpu.memory_space<vmem>>
      %gather3A_1271 = tpu.vector_load_idx %gather3A_1270[%iota3A, %broadcast_in_dim3A_1259] : memref<32x128xf32, #tpu.memory_space<vmem>>[vector<16xi32>, vector<16xi32>], vector<16xf32>,
      %mul3A_1272 = arith.mulf %gather3A_1265, %gather3A_1271 : vector<16xf32>
      tpu.vector_store_idx %arg11[%iota3A, %broadcast_in_dim3A_1253], %mul3A_1272 : memref<32x512xf32, #tpu.memory_space<vmem>>[vector<16xi32>, vector<16xi32>], vector<16xf32>,
      %gather3A_1273 = arith.constant 10 : i32
      %gather3A_1274 = arith.constant 0 : i32
      %gather3A_1275 = arith.constant 0 : i32
      %gather3A_1276 = tpu.memref_slice %arg9[%gather3A_1273, %gather3A_1274, %gather3A_1275] : memref<12x32x128xf32, #tpu.memory_space<vmem>> -> memref<1x32x128xf32, #tpu.memory_space<vmem>>
      %gather3A_1277 = tpu.memref_squeeze %gather3A_1276 : memref<1x32x128xf32, #tpu.memory_space<vmem>> -> memref<32x128xf32, #tpu.memory_space<vmem>>
      %gather3A_1278 = tpu.vector_load_idx %gather3A_1277[%add3A_5, %broadcast_in_dim3A_1256] : memref<32x128xf32, #tpu.memory_space<vmem>>[vector<16xi32>, vector<16xi32>], vector<16xf32>,
      %gather3A_1279 = arith.constant 10 : i32
      %gather3A_1280 = arith.constant 0 : i32
      %gather3A_1281 = arith.constant 0 : i32
      %gather3A_1282 = tpu.memref_slice %arg10[%gather3A_1279, %gather3A_1280, %gather3A_1281] : memref<12x32x128xf32, #tpu.memory_space<vmem>> -> memref<1x32x128xf32, #tpu.memory_space<vmem>>
      %gather3A_1283 = tpu.memref_squeeze %gather3A_1282 : memref<1x32x128xf32, #tpu.memory_space<vmem>> -> memref<32x128xf32, #tpu.memory_space<vmem>>
      %gather3A_1284 = tpu.vector_load_idx %gather3A_1283[%add3A_5, %broadcast_in_dim3A_1259] : memref<32x128xf32, #tpu.memory_space<vmem>>[vector<16xi32>, vector<16xi32>], vector<16xf32>,
      %mul3A_1285 = arith.mulf %gather3A_1278, %gather3A_1284 : vector<16xf32>
      tpu.vector_store_idx %arg11[%add3A_5, %broadcast_in_dim3A_1253], %mul3A_1285 : memref<32x512xf32, #tpu.memory_space<vmem>>[vector<16xi32>, vector<16xi32>], vector<16xf32>,
      %mul3A_1286 = arith.constant 16 : i32
      %mul3A_1287 = arith.muli %scan3A_11, %mul3A_1286 : i32
      %add3A_1288 = arith.constant 11 : i32
      %add3A_1289 = arith.addi %mul3A_1287, %add3A_1288 : i32
      %broadcast_in_dim3A_1290 = vector.broadcast %add3A_1289 : i32 to vector<16xi32>
      %slice3A_1291 = vector.extract_strided_slice %and3A_22 {offsets = [11], sizes = [1], strides = [1]} : vector<16xi32> to vector<1xi32>
      %squeeze3A_1292 = vector.extract %slice3A_1291[0] : i32 from vector<1xi32>
      %broadcast_in_dim3A_1293 = vector.broadcast %squeeze3A_1292 : i32 to vector<16xi32>
      %slice3A_1294 = vector.extract_strided_slice %and3A_28 {offsets = [11], sizes = [1], strides = [1]} : vector<16xi32> to vector<1xi32>
      %squeeze3A_1295 = vector.extract %slice3A_1294[0] : i32 from vector<1xi32>
      %broadcast_in_dim3A_1296 = vector.broadcast %squeeze3A_1295 : i32 to vector<16xi32>
      %gather3A_1297 = arith.constant 11 : i32
      %gather3A_1298 = arith.constant 0 : i32
      %gather3A_1299 = arith.constant 0 : i32
      %gather3A_1300 = tpu.memref_slice %arg9[%gather3A_1297, %gather3A_1298, %gather3A_1299] : memref<12x32x128xf32, #tpu.memory_space<vmem>> -> memref<1x32x128xf32, #tpu.memory_space<vmem>>
      %gather3A_1301 = tpu.memref_squeeze %gather3A_1300 : memref<1x32x128xf32, #tpu.memory_space<vmem>> -> memref<32x128xf32, #tpu.memory_space<vmem>>
      %gather3A_1302 = tpu.vector_load_idx %gather3A_1301[%iota3A, %broadcast_in_dim3A_1293] : memref<32x128xf32, #tpu.memory_space<vmem>>[vector<16xi32>, vector<16xi32>], vector<16xf32>,
      %gather3A_1303 = arith.constant 11 : i32
      %gather3A_1304 = arith.constant 0 : i32
      %gather3A_1305 = arith.constant 0 : i32
      %gather3A_1306 = tpu.memref_slice %arg10[%gather3A_1303, %gather3A_1304, %gather3A_1305] : memref<12x32x128xf32, #tpu.memory_space<vmem>> -> memref<1x32x128xf32, #tpu.memory_space<vmem>>
      %gather3A_1307 = tpu.memref_squeeze %gather3A_1306 : memref<1x32x128xf32, #tpu.memory_space<vmem>> -> memref<32x128xf32, #tpu.memory_space<vmem>>
      %gather3A_1308 = tpu.vector_load_idx %gather3A_1307[%iota3A, %broadcast_in_dim3A_1296] : memref<32x128xf32, #tpu.memory_space<vmem>>[vector<16xi32>, vector<16xi32>], vector<16xf32>,
      %mul3A_1309 = arith.mulf %gather3A_1302, %gather3A_1308 : vector<16xf32>
      tpu.vector_store_idx %arg11[%iota3A, %broadcast_in_dim3A_1290], %mul3A_1309 : memref<32x512xf32, #tpu.memory_space<vmem>>[vector<16xi32>, vector<16xi32>], vector<16xf32>,
      %gather3A_1310 = arith.constant 11 : i32
      %gather3A_1311 = arith.constant 0 : i32
      %gather3A_1312 = arith.constant 0 : i32
      %gather3A_1313 = tpu.memref_slice %arg9[%gather3A_1310, %gather3A_1311, %gather3A_1312] : memref<12x32x128xf32, #tpu.memory_space<vmem>> -> memref<1x32x128xf32, #tpu.memory_space<vmem>>
      %gather3A_1314 = tpu.memref_squeeze %gather3A_1313 : memref<1x32x128xf32, #tpu.memory_space<vmem>> -> memref<32x128xf32, #tpu.memory_space<vmem>>
      %gather3A_1315 = tpu.vector_load_idx %gather3A_1314[%add3A_5, %broadcast_in_dim3A_1293] : memref<32x128xf32, #tpu.memory_space<vmem>>[vector<16xi32>, vector<16xi32>], vector<16xf32>,
      %gather3A_1316 = arith.constant 11 : i32
      %gather3A_1317 = arith.constant 0 : i32
      %gather3A_1318 = arith.constant 0 : i32
      %gather3A_1319 = tpu.memref_slice %arg10[%gather3A_1316, %gather3A_1317, %gather3A_1318] : memref<12x32x128xf32, #tpu.memory_space<vmem>> -> memref<1x32x128xf32, #tpu.memory_space<vmem>>
      %gather3A_1320 = tpu.memref_squeeze %gather3A_1319 : memref<1x32x128xf32, #tpu.memory_space<vmem>> -> memref<32x128xf32, #tpu.memory_space<vmem>>
      %gather3A_1321 = tpu.vector_load_idx %gather3A_1320[%add3A_5, %broadcast_in_dim3A_1296] : memref<32x128xf32, #tpu.memory_space<vmem>>[vector<16xi32>, vector<16xi32>], vector<16xf32>,
      %mul3A_1322 = arith.mulf %gather3A_1315, %gather3A_1321 : vector<16xf32>
      tpu.vector_store_idx %arg11[%add3A_5, %broadcast_in_dim3A_1290], %mul3A_1322 : memref<32x512xf32, #tpu.memory_space<vmem>>[vector<16xi32>, vector<16xi32>], vector<16xf32>,
      %dma_wait3A_1323 = arith.constant 0 : i32
      %dma_wait3A_1324 = arith.constant 0 : i32
      %dma_wait3A_1325 = arith.constant 0 : i32
      %dma_wait3A_1326 = tpu.memref_slice %arg9[%dma_wait3A_1323, %dma_wait3A_1324, %dma_wait3A_1325] : memref<12x32x128xf32, #tpu.memory_space<vmem>> -> memref<1x32x128xf32, #tpu.memory_space<vmem>>
      %dma_wait3A_1327 = tpu.memref_squeeze %dma_wait3A_1326 : memref<1x32x128xf32, #tpu.memory_space<vmem>> -> memref<32x128xf32, #tpu.memory_space<vmem>>
      %dma_wait3A_1328 = arith.constant 0 : i32
      %dma_wait3A_1329 = tpu.memref_slice %arg4[%dma_wait3A_1328, %mul3A_686] : memref<32x1000000xf32, #tpu.memory_space<hbm>> -> memref<32x128xf32, #tpu.memory_space<hbm>>
      %dma_wait3A_1330 = arith.constant 0 : i32
      %dma_wait3A_1331 = arith.constant 0 : i32
      %dma_wait3A_1332 = tpu.memref_slice %arg9[%dma_wait3A_1323, %dma_wait3A_1330, %dma_wait3A_1331] : memref<12x32x128xf32, #tpu.memory_space<vmem>> -> memref<1x32x128xf32, #tpu.memory_space<vmem>>
      %dma_wait3A_1333 = tpu.memref_squeeze %dma_wait3A_1332 : memref<1x32x128xf32, #tpu.memory_space<vmem>> -> memref<32x128xf32, #tpu.memory_space<vmem>>
      %dma_wait3A_1334 = arith.constant 0 : i32
      %dma_wait3A_1335 = tpu.memref_slice %arg4[%dma_wait3A_1334, %mul3A_686] : memref<32x1000000xf32, #tpu.memory_space<hbm>> -> memref<32x128xf32, #tpu.memory_space<hbm>>
      tpu.wait_dma2 semaphore(%arg12 : memref<!tpu.dma_semaphore, #tpu.memory_space<semaphore_mem>>) src(%dma_wait3A_1335 : memref<32x128xf32, #tpu.memory_space<hbm>>) dst(%dma_wait3A_1333 : memref<32x128xf32, #tpu.memory_space<vmem>>)
      %dma_wait3A_1336 = arith.constant 0 : i32
      %dma_wait3A_1337 = arith.constant 0 : i32
      %dma_wait3A_1338 = arith.constant 0 : i32
      %dma_wait3A_1339 = tpu.memref_slice %arg10[%dma_wait3A_1336, %dma_wait3A_1337, %dma_wait3A_1338] : memref<12x32x128xf32, #tpu.memory_space<vmem>> -> memref<1x32x128xf32, #tpu.memory_space<vmem>>
      %dma_wait3A_1340 = tpu.memref_squeeze %dma_wait3A_1339 : memref<1x32x128xf32, #tpu.memory_space<vmem>> -> memref<32x128xf32, #tpu.memory_space<vmem>>
      %dma_wait3A_1341 = arith.constant 0 : i32
      %dma_wait3A_1342 = tpu.memref_slice %arg5[%dma_wait3A_1341, %mul3A_703] : memref<32x1000000xf32, #tpu.memory_space<hbm>> -> memref<32x128xf32, #tpu.memory_space<hbm>>
      %dma_wait3A_1343 = arith.constant 0 : i32
      %dma_wait3A_1344 = arith.constant 0 : i32
      %dma_wait3A_1345 = tpu.memref_slice %arg10[%dma_wait3A_1336, %dma_wait3A_1343, %dma_wait3A_1344] : memref<12x32x128xf32, #tpu.memory_space<vmem>> -> memref<1x32x128xf32, #tpu.memory_space<vmem>>
      %dma_wait3A_1346 = tpu.memref_squeeze %dma_wait3A_1345 : memref<1x32x128xf32, #tpu.memory_space<vmem>> -> memref<32x128xf32, #tpu.memory_space<vmem>>
      %dma_wait3A_1347 = arith.constant 0 : i32
      %dma_wait3A_1348 = tpu.memref_slice %arg5[%dma_wait3A_1347, %mul3A_703] : memref<32x1000000xf32, #tpu.memory_space<hbm>> -> memref<32x128xf32, #tpu.memory_space<hbm>>
      tpu.wait_dma2 semaphore(%arg13 : memref<!tpu.dma_semaphore, #tpu.memory_space<semaphore_mem>>) src(%dma_wait3A_1348 : memref<32x128xf32, #tpu.memory_space<hbm>>) dst(%dma_wait3A_1346 : memref<32x128xf32, #tpu.memory_space<vmem>>)
      %dma_wait3A_1349 = arith.constant 1 : i32
      %dma_wait3A_1350 = arith.constant 0 : i32
      %dma_wait3A_1351 = arith.constant 0 : i32
      %dma_wait3A_1352 = tpu.memref_slice %arg9[%dma_wait3A_1349, %dma_wait3A_1350, %dma_wait3A_1351] : memref<12x32x128xf32, #tpu.memory_space<vmem>> -> memref<1x32x128xf32, #tpu.memory_space<vmem>>
      %dma_wait3A_1353 = tpu.memref_squeeze %dma_wait3A_1352 : memref<1x32x128xf32, #tpu.memory_space<vmem>> -> memref<32x128xf32, #tpu.memory_space<vmem>>
      %dma_wait3A_1354 = arith.constant 0 : i32
      %dma_wait3A_1355 = tpu.memref_slice %arg4[%dma_wait3A_1354, %mul3A_720] : memref<32x1000000xf32, #tpu.memory_space<hbm>> -> memref<32x128xf32, #tpu.memory_space<hbm>>
      %dma_wait3A_1356 = arith.constant 0 : i32
      %dma_wait3A_1357 = arith.constant 0 : i32
      %dma_wait3A_1358 = tpu.memref_slice %arg9[%dma_wait3A_1349, %dma_wait3A_1356, %dma_wait3A_1357] : memref<12x32x128xf32, #tpu.memory_space<vmem>> -> memref<1x32x128xf32, #tpu.memory_space<vmem>>
      %dma_wait3A_1359 = tpu.memref_squeeze %dma_wait3A_1358 : memref<1x32x128xf32, #tpu.memory_space<vmem>> -> memref<32x128xf32, #tpu.memory_space<vmem>>
      %dma_wait3A_1360 = arith.constant 0 : i32
      %dma_wait3A_1361 = tpu.memref_slice %arg4[%dma_wait3A_1360, %mul3A_720] : memref<32x1000000xf32, #tpu.memory_space<hbm>> -> memref<32x128xf32, #tpu.memory_space<hbm>>
      tpu.wait_dma2 semaphore(%arg12 : memref<!tpu.dma_semaphore, #tpu.memory_space<semaphore_mem>>) src(%dma_wait3A_1361 : memref<32x128xf32, #tpu.memory_space<hbm>>) dst(%dma_wait3A_1359 : memref<32x128xf32, #tpu.memory_space<vmem>>)
      %dma_wait3A_1362 = arith.constant 1 : i32
      %dma_wait3A_1363 = arith.constant 0 : i32
      %dma_wait3A_1364 = arith.constant 0 : i32
      %dma_wait3A_1365 = tpu.memref_slice %arg10[%dma_wait3A_1362, %dma_wait3A_1363, %dma_wait3A_1364] : memref<12x32x128xf32, #tpu.memory_space<vmem>> -> memref<1x32x128xf32, #tpu.memory_space<vmem>>
      %dma_wait3A_1366 = tpu.memref_squeeze %dma_wait3A_1365 : memref<1x32x128xf32, #tpu.memory_space<vmem>> -> memref<32x128xf32, #tpu.memory_space<vmem>>
      %dma_wait3A_1367 = arith.constant 0 : i32
      %dma_wait3A_1368 = tpu.memref_slice %arg5[%dma_wait3A_1367, %mul3A_737] : memref<32x1000000xf32, #tpu.memory_space<hbm>> -> memref<32x128xf32, #tpu.memory_space<hbm>>
      %dma_wait3A_1369 = arith.constant 0 : i32
      %dma_wait3A_1370 = arith.constant 0 : i32
      %dma_wait3A_1371 = tpu.memref_slice %arg10[%dma_wait3A_1362, %dma_wait3A_1369, %dma_wait3A_1370] : memref<12x32x128xf32, #tpu.memory_space<vmem>> -> memref<1x32x128xf32, #tpu.memory_space<vmem>>
      %dma_wait3A_1372 = tpu.memref_squeeze %dma_wait3A_1371 : memref<1x32x128xf32, #tpu.memory_space<vmem>> -> memref<32x128xf32, #tpu.memory_space<vmem>>
      %dma_wait3A_1373 = arith.constant 0 : i32
      %dma_wait3A_1374 = tpu.memref_slice %arg5[%dma_wait3A_1373, %mul3A_737] : memref<32x1000000xf32, #tpu.memory_space<hbm>> -> memref<32x128xf32, #tpu.memory_space<hbm>>
      tpu.wait_dma2 semaphore(%arg13 : memref<!tpu.dma_semaphore, #tpu.memory_space<semaphore_mem>>) src(%dma_wait3A_1374 : memref<32x128xf32, #tpu.memory_space<hbm>>) dst(%dma_wait3A_1372 : memref<32x128xf32, #tpu.memory_space<vmem>>)
      %dma_wait3A_1375 = arith.constant 2 : i32
      %dma_wait3A_1376 = arith.constant 0 : i32
      %dma_wait3A_1377 = arith.constant 0 : i32
      %dma_wait3A_1378 = tpu.memref_slice %arg9[%dma_wait3A_1375, %dma_wait3A_1376, %dma_wait3A_1377] : memref<12x32x128xf32, #tpu.memory_space<vmem>> -> memref<1x32x128xf32, #tpu.memory_space<vmem>>
      %dma_wait3A_1379 = tpu.memref_squeeze %dma_wait3A_1378 : memref<1x32x128xf32, #tpu.memory_space<vmem>> -> memref<32x128xf32, #tpu.memory_space<vmem>>
      %dma_wait3A_1380 = arith.constant 0 : i32
      %dma_wait3A_1381 = tpu.memref_slice %arg4[%dma_wait3A_1380, %mul3A_754] : memref<32x1000000xf32, #tpu.memory_space<hbm>> -> memref<32x128xf32, #tpu.memory_space<hbm>>
      %dma_wait3A_1382 = arith.constant 0 : i32
      %dma_wait3A_1383 = arith.constant 0 : i32
      %dma_wait3A_1384 = tpu.memref_slice %arg9[%dma_wait3A_1375, %dma_wait3A_1382, %dma_wait3A_1383] : memref<12x32x128xf32, #tpu.memory_space<vmem>> -> memref<1x32x128xf32, #tpu.memory_space<vmem>>
      %dma_wait3A_1385 = tpu.memref_squeeze %dma_wait3A_1384 : memref<1x32x128xf32, #tpu.memory_space<vmem>> -> memref<32x128xf32, #tpu.memory_space<vmem>>
      %dma_wait3A_1386 = arith.constant 0 : i32
      %dma_wait3A_1387 = tpu.memref_slice %arg4[%dma_wait3A_1386, %mul3A_754] : memref<32x1000000xf32, #tpu.memory_space<hbm>> -> memref<32x128xf32, #tpu.memory_space<hbm>>
      tpu.wait_dma2 semaphore(%arg12 : memref<!tpu.dma_semaphore, #tpu.memory_space<semaphore_mem>>) src(%dma_wait3A_1387 : memref<32x128xf32, #tpu.memory_space<hbm>>) dst(%dma_wait3A_1385 : memref<32x128xf32, #tpu.memory_space<vmem>>)
      %dma_wait3A_1388 = arith.constant 2 : i32
      %dma_wait3A_1389 = arith.constant 0 : i32
      %dma_wait3A_1390 = arith.constant 0 : i32
      %dma_wait3A_1391 = tpu.memref_slice %arg10[%dma_wait3A_1388, %dma_wait3A_1389, %dma_wait3A_1390] : memref<12x32x128xf32, #tpu.memory_space<vmem>> -> memref<1x32x128xf32, #tpu.memory_space<vmem>>
      %dma_wait3A_1392 = tpu.memref_squeeze %dma_wait3A_1391 : memref<1x32x128xf32, #tpu.memory_space<vmem>> -> memref<32x128xf32, #tpu.memory_space<vmem>>
      %dma_wait3A_1393 = arith.constant 0 : i32
      %dma_wait3A_1394 = tpu.memref_slice %arg5[%dma_wait3A_1393, %mul3A_771] : memref<32x1000000xf32, #tpu.memory_space<hbm>> -> memref<32x128xf32, #tpu.memory_space<hbm>>
      %dma_wait3A_1395 = arith.constant 0 : i32
      %dma_wait3A_1396 = arith.constant 0 : i32
      %dma_wait3A_1397 = tpu.memref_slice %arg10[%dma_wait3A_1388, %dma_wait3A_1395, %dma_wait3A_1396] : memref<12x32x128xf32, #tpu.memory_space<vmem>> -> memref<1x32x128xf32, #tpu.memory_space<vmem>>
      %dma_wait3A_1398 = tpu.memref_squeeze %dma_wait3A_1397 : memref<1x32x128xf32, #tpu.memory_space<vmem>> -> memref<32x128xf32, #tpu.memory_space<vmem>>
      %dma_wait3A_1399 = arith.constant 0 : i32
      %dma_wait3A_1400 = tpu.memref_slice %arg5[%dma_wait3A_1399, %mul3A_771] : memref<32x1000000xf32, #tpu.memory_space<hbm>> -> memref<32x128xf32, #tpu.memory_space<hbm>>
      tpu.wait_dma2 semaphore(%arg13 : memref<!tpu.dma_semaphore, #tpu.memory_space<semaphore_mem>>) src(%dma_wait3A_1400 : memref<32x128xf32, #tpu.memory_space<hbm>>) dst(%dma_wait3A_1398 : memref<32x128xf32, #tpu.memory_space<vmem>>)
      %dma_wait3A_1401 = arith.constant 3 : i32
      %dma_wait3A_1402 = arith.constant 0 : i32
      %dma_wait3A_1403 = arith.constant 0 : i32
      %dma_wait3A_1404 = tpu.memref_slice %arg9[%dma_wait3A_1401, %dma_wait3A_1402, %dma_wait3A_1403] : memref<12x32x128xf32, #tpu.memory_space<vmem>> -> memref<1x32x128xf32, #tpu.memory_space<vmem>>
      %dma_wait3A_1405 = tpu.memref_squeeze %dma_wait3A_1404 : memref<1x32x128xf32, #tpu.memory_space<vmem>> -> memref<32x128xf32, #tpu.memory_space<vmem>>
      %dma_wait3A_1406 = arith.constant 0 : i32
      %dma_wait3A_1407 = tpu.memref_slice %arg4[%dma_wait3A_1406, %mul3A_788] : memref<32x1000000xf32, #tpu.memory_space<hbm>> -> memref<32x128xf32, #tpu.memory_space<hbm>>
      %dma_wait3A_1408 = arith.constant 0 : i32
      %dma_wait3A_1409 = arith.constant 0 : i32
      %dma_wait3A_1410 = tpu.memref_slice %arg9[%dma_wait3A_1401, %dma_wait3A_1408, %dma_wait3A_1409] : memref<12x32x128xf32, #tpu.memory_space<vmem>> -> memref<1x32x128xf32, #tpu.memory_space<vmem>>
      %dma_wait3A_1411 = tpu.memref_squeeze %dma_wait3A_1410 : memref<1x32x128xf32, #tpu.memory_space<vmem>> -> memref<32x128xf32, #tpu.memory_space<vmem>>
      %dma_wait3A_1412 = arith.constant 0 : i32
      %dma_wait3A_1413 = tpu.memref_slice %arg4[%dma_wait3A_1412, %mul3A_788] : memref<32x1000000xf32, #tpu.memory_space<hbm>> -> memref<32x128xf32, #tpu.memory_space<hbm>>
      tpu.wait_dma2 semaphore(%arg12 : memref<!tpu.dma_semaphore, #tpu.memory_space<semaphore_mem>>) src(%dma_wait3A_1413 : memref<32x128xf32, #tpu.memory_space<hbm>>) dst(%dma_wait3A_1411 : memref<32x128xf32, #tpu.memory_space<vmem>>)
      %dma_wait3A_1414 = arith.constant 3 : i32
      %dma_wait3A_1415 = arith.constant 0 : i32
      %dma_wait3A_1416 = arith.constant 0 : i32
      %dma_wait3A_1417 = tpu.memref_slice %arg10[%dma_wait3A_1414, %dma_wait3A_1415, %dma_wait3A_1416] : memref<12x32x128xf32, #tpu.memory_space<vmem>> -> memref<1x32x128xf32, #tpu.memory_space<vmem>>
      %dma_wait3A_1418 = tpu.memref_squeeze %dma_wait3A_1417 : memref<1x32x128xf32, #tpu.memory_space<vmem>> -> memref<32x128xf32, #tpu.memory_space<vmem>>
      %dma_wait3A_1419 = arith.constant 0 : i32
      %dma_wait3A_1420 = tpu.memref_slice %arg5[%dma_wait3A_1419, %mul3A_805] : memref<32x1000000xf32, #tpu.memory_space<hbm>> -> memref<32x128xf32, #tpu.memory_space<hbm>>
      %dma_wait3A_1421 = arith.constant 0 : i32
      %dma_wait3A_1422 = arith.constant 0 : i32
      %dma_wait3A_1423 = tpu.memref_slice %arg10[%dma_wait3A_1414, %dma_wait3A_1421, %dma_wait3A_1422] : memref<12x32x128xf32, #tpu.memory_space<vmem>> -> memref<1x32x128xf32, #tpu.memory_space<vmem>>
      %dma_wait3A_1424 = tpu.memref_squeeze %dma_wait3A_1423 : memref<1x32x128xf32, #tpu.memory_space<vmem>> -> memref<32x128xf32, #tpu.memory_space<vmem>>
      %dma_wait3A_1425 = arith.constant 0 : i32
      %dma_wait3A_1426 = tpu.memref_slice %arg5[%dma_wait3A_1425, %mul3A_805] : memref<32x1000000xf32, #tpu.memory_space<hbm>> -> memref<32x128xf32, #tpu.memory_space<hbm>>
      tpu.wait_dma2 semaphore(%arg13 : memref<!tpu.dma_semaphore, #tpu.memory_space<semaphore_mem>>) src(%dma_wait3A_1426 : memref<32x128xf32, #tpu.memory_space<hbm>>) dst(%dma_wait3A_1424 : memref<32x128xf32, #tpu.memory_space<vmem>>)
      %mul3A_1427 = arith.constant 16 : i32
      %mul3A_1428 = arith.muli %scan3A_11, %mul3A_1427 : i32
      %add3A_1429 = arith.constant 12 : i32
      %add3A_1430 = arith.addi %mul3A_1428, %add3A_1429 : i32
      %broadcast_in_dim3A_1431 = vector.broadcast %add3A_1430 : i32 to vector<16xi32>
      %slice3A_1432 = vector.extract_strided_slice %and3A_22 {offsets = [12], sizes = [1], strides = [1]} : vector<16xi32> to vector<1xi32>
      %squeeze3A_1433 = vector.extract %slice3A_1432[0] : i32 from vector<1xi32>
      %broadcast_in_dim3A_1434 = vector.broadcast %squeeze3A_1433 : i32 to vector<16xi32>
      %slice3A_1435 = vector.extract_strided_slice %and3A_28 {offsets = [12], sizes = [1], strides = [1]} : vector<16xi32> to vector<1xi32>
      %squeeze3A_1436 = vector.extract %slice3A_1435[0] : i32 from vector<1xi32>
      %broadcast_in_dim3A_1437 = vector.broadcast %squeeze3A_1436 : i32 to vector<16xi32>
      %gather3A_1438 = arith.constant 0 : i32
      %gather3A_1439 = arith.constant 0 : i32
      %gather3A_1440 = arith.constant 0 : i32
      %gather3A_1441 = tpu.memref_slice %arg9[%gather3A_1438, %gather3A_1439, %gather3A_1440] : memref<12x32x128xf32, #tpu.memory_space<vmem>> -> memref<1x32x128xf32, #tpu.memory_space<vmem>>
      %gather3A_1442 = tpu.memref_squeeze %gather3A_1441 : memref<1x32x128xf32, #tpu.memory_space<vmem>> -> memref<32x128xf32, #tpu.memory_space<vmem>>
      %gather3A_1443 = tpu.vector_load_idx %gather3A_1442[%iota3A, %broadcast_in_dim3A_1434] : memref<32x128xf32, #tpu.memory_space<vmem>>[vector<16xi32>, vector<16xi32>], vector<16xf32>,
      %gather3A_1444 = arith.constant 0 : i32
      %gather3A_1445 = arith.constant 0 : i32
      %gather3A_1446 = arith.constant 0 : i32
      %gather3A_1447 = tpu.memref_slice %arg10[%gather3A_1444, %gather3A_1445, %gather3A_1446] : memref<12x32x128xf32, #tpu.memory_space<vmem>> -> memref<1x32x128xf32, #tpu.memory_space<vmem>>
      %gather3A_1448 = tpu.memref_squeeze %gather3A_1447 : memref<1x32x128xf32, #tpu.memory_space<vmem>> -> memref<32x128xf32, #tpu.memory_space<vmem>>
      %gather3A_1449 = tpu.vector_load_idx %gather3A_1448[%iota3A, %broadcast_in_dim3A_1437] : memref<32x128xf32, #tpu.memory_space<vmem>>[vector<16xi32>, vector<16xi32>], vector<16xf32>,
      %mul3A_1450 = arith.mulf %gather3A_1443, %gather3A_1449 : vector<16xf32>
      tpu.vector_store_idx %arg11[%iota3A, %broadcast_in_dim3A_1431], %mul3A_1450 : memref<32x512xf32, #tpu.memory_space<vmem>>[vector<16xi32>, vector<16xi32>], vector<16xf32>,
      %gather3A_1451 = arith.constant 0 : i32
      %gather3A_1452 = arith.constant 0 : i32
      %gather3A_1453 = arith.constant 0 : i32
      %gather3A_1454 = tpu.memref_slice %arg9[%gather3A_1451, %gather3A_1452, %gather3A_1453] : memref<12x32x128xf32, #tpu.memory_space<vmem>> -> memref<1x32x128xf32, #tpu.memory_space<vmem>>
      %gather3A_1455 = tpu.memref_squeeze %gather3A_1454 : memref<1x32x128xf32, #tpu.memory_space<vmem>> -> memref<32x128xf32, #tpu.memory_space<vmem>>
      %gather3A_1456 = tpu.vector_load_idx %gather3A_1455[%add3A_5, %broadcast_in_dim3A_1434] : memref<32x128xf32, #tpu.memory_space<vmem>>[vector<16xi32>, vector<16xi32>], vector<16xf32>,
      %gather3A_1457 = arith.constant 0 : i32
      %gather3A_1458 = arith.constant 0 : i32
      %gather3A_1459 = arith.constant 0 : i32
      %gather3A_1460 = tpu.memref_slice %arg10[%gather3A_1457, %gather3A_1458, %gather3A_1459] : memref<12x32x128xf32, #tpu.memory_space<vmem>> -> memref<1x32x128xf32, #tpu.memory_space<vmem>>
      %gather3A_1461 = tpu.memref_squeeze %gather3A_1460 : memref<1x32x128xf32, #tpu.memory_space<vmem>> -> memref<32x128xf32, #tpu.memory_space<vmem>>
      %gather3A_1462 = tpu.vector_load_idx %gather3A_1461[%add3A_5, %broadcast_in_dim3A_1437] : memref<32x128xf32, #tpu.memory_space<vmem>>[vector<16xi32>, vector<16xi32>], vector<16xf32>,
      %mul3A_1463 = arith.mulf %gather3A_1456, %gather3A_1462 : vector<16xf32>
      tpu.vector_store_idx %arg11[%add3A_5, %broadcast_in_dim3A_1431], %mul3A_1463 : memref<32x512xf32, #tpu.memory_space<vmem>>[vector<16xi32>, vector<16xi32>], vector<16xf32>,
      %mul3A_1464 = arith.constant 16 : i32
      %mul3A_1465 = arith.muli %scan3A_11, %mul3A_1464 : i32
      %add3A_1466 = arith.constant 13 : i32
      %add3A_1467 = arith.addi %mul3A_1465, %add3A_1466 : i32
      %broadcast_in_dim3A_1468 = vector.broadcast %add3A_1467 : i32 to vector<16xi32>
      %slice3A_1469 = vector.extract_strided_slice %and3A_22 {offsets = [13], sizes = [1], strides = [1]} : vector<16xi32> to vector<1xi32>
      %squeeze3A_1470 = vector.extract %slice3A_1469[0] : i32 from vector<1xi32>
      %broadcast_in_dim3A_1471 = vector.broadcast %squeeze3A_1470 : i32 to vector<16xi32>
      %slice3A_1472 = vector.extract_strided_slice %and3A_28 {offsets = [13], sizes = [1], strides = [1]} : vector<16xi32> to vector<1xi32>
      %squeeze3A_1473 = vector.extract %slice3A_1472[0] : i32 from vector<1xi32>
      %broadcast_in_dim3A_1474 = vector.broadcast %squeeze3A_1473 : i32 to vector<16xi32>
      %gather3A_1475 = arith.constant 1 : i32
      %gather3A_1476 = arith.constant 0 : i32
      %gather3A_1477 = arith.constant 0 : i32
      %gather3A_1478 = tpu.memref_slice %arg9[%gather3A_1475, %gather3A_1476, %gather3A_1477] : memref<12x32x128xf32, #tpu.memory_space<vmem>> -> memref<1x32x128xf32, #tpu.memory_space<vmem>>
      %gather3A_1479 = tpu.memref_squeeze %gather3A_1478 : memref<1x32x128xf32, #tpu.memory_space<vmem>> -> memref<32x128xf32, #tpu.memory_space<vmem>>
      %gather3A_1480 = tpu.vector_load_idx %gather3A_1479[%iota3A, %broadcast_in_dim3A_1471] : memref<32x128xf32, #tpu.memory_space<vmem>>[vector<16xi32>, vector<16xi32>], vector<16xf32>,
      %gather3A_1481 = arith.constant 1 : i32
      %gather3A_1482 = arith.constant 0 : i32
      %gather3A_1483 = arith.constant 0 : i32
      %gather3A_1484 = tpu.memref_slice %arg10[%gather3A_1481, %gather3A_1482, %gather3A_1483] : memref<12x32x128xf32, #tpu.memory_space<vmem>> -> memref<1x32x128xf32, #tpu.memory_space<vmem>>
      %gather3A_1485 = tpu.memref_squeeze %gather3A_1484 : memref<1x32x128xf32, #tpu.memory_space<vmem>> -> memref<32x128xf32, #tpu.memory_space<vmem>>
      %gather3A_1486 = tpu.vector_load_idx %gather3A_1485[%iota3A, %broadcast_in_dim3A_1474] : memref<32x128xf32, #tpu.memory_space<vmem>>[vector<16xi32>, vector<16xi32>], vector<16xf32>,
      %mul3A_1487 = arith.mulf %gather3A_1480, %gather3A_1486 : vector<16xf32>
      tpu.vector_store_idx %arg11[%iota3A, %broadcast_in_dim3A_1468], %mul3A_1487 : memref<32x512xf32, #tpu.memory_space<vmem>>[vector<16xi32>, vector<16xi32>], vector<16xf32>,
      %gather3A_1488 = arith.constant 1 : i32
      %gather3A_1489 = arith.constant 0 : i32
      %gather3A_1490 = arith.constant 0 : i32
      %gather3A_1491 = tpu.memref_slice %arg9[%gather3A_1488, %gather3A_1489, %gather3A_1490] : memref<12x32x128xf32, #tpu.memory_space<vmem>> -> memref<1x32x128xf32, #tpu.memory_space<vmem>>
      %gather3A_1492 = tpu.memref_squeeze %gather3A_1491 : memref<1x32x128xf32, #tpu.memory_space<vmem>> -> memref<32x128xf32, #tpu.memory_space<vmem>>
      %gather3A_1493 = tpu.vector_load_idx %gather3A_1492[%add3A_5, %broadcast_in_dim3A_1471] : memref<32x128xf32, #tpu.memory_space<vmem>>[vector<16xi32>, vector<16xi32>], vector<16xf32>,
      %gather3A_1494 = arith.constant 1 : i32
      %gather3A_1495 = arith.constant 0 : i32
      %gather3A_1496 = arith.constant 0 : i32
      %gather3A_1497 = tpu.memref_slice %arg10[%gather3A_1494, %gather3A_1495, %gather3A_1496] : memref<12x32x128xf32, #tpu.memory_space<vmem>> -> memref<1x32x128xf32, #tpu.memory_space<vmem>>
      %gather3A_1498 = tpu.memref_squeeze %gather3A_1497 : memref<1x32x128xf32, #tpu.memory_space<vmem>> -> memref<32x128xf32, #tpu.memory_space<vmem>>
      %gather3A_1499 = tpu.vector_load_idx %gather3A_1498[%add3A_5, %broadcast_in_dim3A_1474] : memref<32x128xf32, #tpu.memory_space<vmem>>[vector<16xi32>, vector<16xi32>], vector<16xf32>,
      %mul3A_1500 = arith.mulf %gather3A_1493, %gather3A_1499 : vector<16xf32>
      tpu.vector_store_idx %arg11[%add3A_5, %broadcast_in_dim3A_1468], %mul3A_1500 : memref<32x512xf32, #tpu.memory_space<vmem>>[vector<16xi32>, vector<16xi32>], vector<16xf32>,
      %mul3A_1501 = arith.constant 16 : i32
      %mul3A_1502 = arith.muli %scan3A_11, %mul3A_1501 : i32
      %add3A_1503 = arith.constant 14 : i32
      %add3A_1504 = arith.addi %mul3A_1502, %add3A_1503 : i32
      %broadcast_in_dim3A_1505 = vector.broadcast %add3A_1504 : i32 to vector<16xi32>
      %slice3A_1506 = vector.extract_strided_slice %and3A_22 {offsets = [14], sizes = [1], strides = [1]} : vector<16xi32> to vector<1xi32>
      %squeeze3A_1507 = vector.extract %slice3A_1506[0] : i32 from vector<1xi32>
      %broadcast_in_dim3A_1508 = vector.broadcast %squeeze3A_1507 : i32 to vector<16xi32>
      %slice3A_1509 = vector.extract_strided_slice %and3A_28 {offsets = [14], sizes = [1], strides = [1]} : vector<16xi32> to vector<1xi32>
      %squeeze3A_1510 = vector.extract %slice3A_1509[0] : i32 from vector<1xi32>
      %broadcast_in_dim3A_1511 = vector.broadcast %squeeze3A_1510 : i32 to vector<16xi32>
      %gather3A_1512 = arith.constant 2 : i32
      %gather3A_1513 = arith.constant 0 : i32
      %gather3A_1514 = arith.constant 0 : i32
      %gather3A_1515 = tpu.memref_slice %arg9[%gather3A_1512, %gather3A_1513, %gather3A_1514] : memref<12x32x128xf32, #tpu.memory_space<vmem>> -> memref<1x32x128xf32, #tpu.memory_space<vmem>>
      %gather3A_1516 = tpu.memref_squeeze %gather3A_1515 : memref<1x32x128xf32, #tpu.memory_space<vmem>> -> memref<32x128xf32, #tpu.memory_space<vmem>>
      %gather3A_1517 = tpu.vector_load_idx %gather3A_1516[%iota3A, %broadcast_in_dim3A_1508] : memref<32x128xf32, #tpu.memory_space<vmem>>[vector<16xi32>, vector<16xi32>], vector<16xf32>,
      %gather3A_1518 = arith.constant 2 : i32
      %gather3A_1519 = arith.constant 0 : i32
      %gather3A_1520 = arith.constant 0 : i32
      %gather3A_1521 = tpu.memref_slice %arg10[%gather3A_1518, %gather3A_1519, %gather3A_1520] : memref<12x32x128xf32, #tpu.memory_space<vmem>> -> memref<1x32x128xf32, #tpu.memory_space<vmem>>
      %gather3A_1522 = tpu.memref_squeeze %gather3A_1521 : memref<1x32x128xf32, #tpu.memory_space<vmem>> -> memref<32x128xf32, #tpu.memory_space<vmem>>
      %gather3A_1523 = tpu.vector_load_idx %gather3A_1522[%iota3A, %broadcast_in_dim3A_1511] : memref<32x128xf32, #tpu.memory_space<vmem>>[vector<16xi32>, vector<16xi32>], vector<16xf32>,
      %mul3A_1524 = arith.mulf %gather3A_1517, %gather3A_1523 : vector<16xf32>
      tpu.vector_store_idx %arg11[%iota3A, %broadcast_in_dim3A_1505], %mul3A_1524 : memref<32x512xf32, #tpu.memory_space<vmem>>[vector<16xi32>, vector<16xi32>], vector<16xf32>,
      %gather3A_1525 = arith.constant 2 : i32
      %gather3A_1526 = arith.constant 0 : i32
      %gather3A_1527 = arith.constant 0 : i32
      %gather3A_1528 = tpu.memref_slice %arg9[%gather3A_1525, %gather3A_1526, %gather3A_1527] : memref<12x32x128xf32, #tpu.memory_space<vmem>> -> memref<1x32x128xf32, #tpu.memory_space<vmem>>
      %gather3A_1529 = tpu.memref_squeeze %gather3A_1528 : memref<1x32x128xf32, #tpu.memory_space<vmem>> -> memref<32x128xf32, #tpu.memory_space<vmem>>
      %gather3A_1530 = tpu.vector_load_idx %gather3A_1529[%add3A_5, %broadcast_in_dim3A_1508] : memref<32x128xf32, #tpu.memory_space<vmem>>[vector<16xi32>, vector<16xi32>], vector<16xf32>,
      %gather3A_1531 = arith.constant 2 : i32
      %gather3A_1532 = arith.constant 0 : i32
      %gather3A_1533 = arith.constant 0 : i32
      %gather3A_1534 = tpu.memref_slice %arg10[%gather3A_1531, %gather3A_1532, %gather3A_1533] : memref<12x32x128xf32, #tpu.memory_space<vmem>> -> memref<1x32x128xf32, #tpu.memory_space<vmem>>
      %gather3A_1535 = tpu.memref_squeeze %gather3A_1534 : memref<1x32x128xf32, #tpu.memory_space<vmem>> -> memref<32x128xf32, #tpu.memory_space<vmem>>
      %gather3A_1536 = tpu.vector_load_idx %gather3A_1535[%add3A_5, %broadcast_in_dim3A_1511] : memref<32x128xf32, #tpu.memory_space<vmem>>[vector<16xi32>, vector<16xi32>], vector<16xf32>,
      %mul3A_1537 = arith.mulf %gather3A_1530, %gather3A_1536 : vector<16xf32>
      tpu.vector_store_idx %arg11[%add3A_5, %broadcast_in_dim3A_1505], %mul3A_1537 : memref<32x512xf32, #tpu.memory_space<vmem>>[vector<16xi32>, vector<16xi32>], vector<16xf32>,
      %mul3A_1538 = arith.constant 16 : i32
      %mul3A_1539 = arith.muli %scan3A_11, %mul3A_1538 : i32
      %add3A_1540 = arith.constant 15 : i32
      %add3A_1541 = arith.addi %mul3A_1539, %add3A_1540 : i32
      %broadcast_in_dim3A_1542 = vector.broadcast %add3A_1541 : i32 to vector<16xi32>
      %slice3A_1543 = vector.extract_strided_slice %and3A_22 {offsets = [15], sizes = [1], strides = [1]} : vector<16xi32> to vector<1xi32>
      %squeeze3A_1544 = vector.extract %slice3A_1543[0] : i32 from vector<1xi32>
      %broadcast_in_dim3A_1545 = vector.broadcast %squeeze3A_1544 : i32 to vector<16xi32>
      %slice3A_1546 = vector.extract_strided_slice %and3A_28 {offsets = [15], sizes = [1], strides = [1]} : vector<16xi32> to vector<1xi32>
      %squeeze3A_1547 = vector.extract %slice3A_1546[0] : i32 from vector<1xi32>
      %broadcast_in_dim3A_1548 = vector.broadcast %squeeze3A_1547 : i32 to vector<16xi32>
      %gather3A_1549 = arith.constant 3 : i32
      %gather3A_1550 = arith.constant 0 : i32
      %gather3A_1551 = arith.constant 0 : i32
      %gather3A_1552 = tpu.memref_slice %arg9[%gather3A_1549, %gather3A_1550, %gather3A_1551] : memref<12x32x128xf32, #tpu.memory_space<vmem>> -> memref<1x32x128xf32, #tpu.memory_space<vmem>>
      %gather3A_1553 = tpu.memref_squeeze %gather3A_1552 : memref<1x32x128xf32, #tpu.memory_space<vmem>> -> memref<32x128xf32, #tpu.memory_space<vmem>>
      %gather3A_1554 = tpu.vector_load_idx %gather3A_1553[%iota3A, %broadcast_in_dim3A_1545] : memref<32x128xf32, #tpu.memory_space<vmem>>[vector<16xi32>, vector<16xi32>], vector<16xf32>,
      %gather3A_1555 = arith.constant 3 : i32
      %gather3A_1556 = arith.constant 0 : i32
      %gather3A_1557 = arith.constant 0 : i32
      %gather3A_1558 = tpu.memref_slice %arg10[%gather3A_1555, %gather3A_1556, %gather3A_1557] : memref<12x32x128xf32, #tpu.memory_space<vmem>> -> memref<1x32x128xf32, #tpu.memory_space<vmem>>
      %gather3A_1559 = tpu.memref_squeeze %gather3A_1558 : memref<1x32x128xf32, #tpu.memory_space<vmem>> -> memref<32x128xf32, #tpu.memory_space<vmem>>
      %gather3A_1560 = tpu.vector_load_idx %gather3A_1559[%iota3A, %broadcast_in_dim3A_1548] : memref<32x128xf32, #tpu.memory_space<vmem>>[vector<16xi32>, vector<16xi32>], vector<16xf32>,
      %mul3A_1561 = arith.mulf %gather3A_1554, %gather3A_1560 : vector<16xf32>
      tpu.vector_store_idx %arg11[%iota3A, %broadcast_in_dim3A_1542], %mul3A_1561 : memref<32x512xf32, #tpu.memory_space<vmem>>[vector<16xi32>, vector<16xi32>], vector<16xf32>,
      %gather3A_1562 = arith.constant 3 : i32
      %gather3A_1563 = arith.constant 0 : i32
      %gather3A_1564 = arith.constant 0 : i32
      %gather3A_1565 = tpu.memref_slice %arg9[%gather3A_1562, %gather3A_1563, %gather3A_1564] : memref<12x32x128xf32, #tpu.memory_space<vmem>> -> memref<1x32x128xf32, #tpu.memory_space<vmem>>
      %gather3A_1566 = tpu.memref_squeeze %gather3A_1565 : memref<1x32x128xf32, #tpu.memory_space<vmem>> -> memref<32x128xf32, #tpu.memory_space<vmem>>
      %gather3A_1567 = tpu.vector_load_idx %gather3A_1566[%add3A_5, %broadcast_in_dim3A_1545] : memref<32x128xf32, #tpu.memory_space<vmem>>[vector<16xi32>, vector<16xi32>], vector<16xf32>,
      %gather3A_1568 = arith.constant 3 : i32
      %gather3A_1569 = arith.constant 0 : i32
      %gather3A_1570 = arith.constant 0 : i32
      %gather3A_1571 = tpu.memref_slice %arg10[%gather3A_1568, %gather3A_1569, %gather3A_1570] : memref<12x32x128xf32, #tpu.memory_space<vmem>> -> memref<1x32x128xf32, #tpu.memory_space<vmem>>
      %gather3A_1572 = tpu.memref_squeeze %gather3A_1571 : memref<1x32x128xf32, #tpu.memory_space<vmem>> -> memref<32x128xf32, #tpu.memory_space<vmem>>
      %gather3A_1573 = tpu.vector_load_idx %gather3A_1572[%add3A_5, %broadcast_in_dim3A_1548] : memref<32x128xf32, #tpu.memory_space<vmem>>[vector<16xi32>, vector<16xi32>], vector<16xf32>,
      %mul3A_1574 = arith.mulf %gather3A_1567, %gather3A_1573 : vector<16xf32>
      tpu.vector_store_idx %arg11[%add3A_5, %broadcast_in_dim3A_1542], %mul3A_1574 : memref<32x512xf32, #tpu.memory_space<vmem>>[vector<16xi32>, vector<16xi32>], vector<16xf32>,
    }
    %scan3A_10 = arith.constant 32 : i32
    "tpu.region"() ({
      %run_scoped3A = tpu.sem_alloc : memref<!tpu.dma_semaphore, #tpu.memory_space<semaphore_mem>>
      %dma_start3A = arith.constant 0 : i32
      %dma_start3A_11 = tpu.memref_slice %arg6[%dma_start3A, %mul3A_2] : memref<32x16384xf32, #tpu.memory_space<hbm>> -> memref<32x512xf32, #tpu.memory_space<hbm>>
      %dma_start3A_12 = arith.constant 0 : i32
      %dma_start3A_13 = tpu.memref_slice %arg6[%dma_start3A_12, %mul3A_2] : memref<32x16384xf32, #tpu.memory_space<hbm>> -> memref<32x512xf32, #tpu.memory_space<hbm>>
      tpu.enqueue_dma source(%arg11 : memref<32x512xf32, #tpu.memory_space<vmem>>) target(%dma_start3A_13 : memref<32x512xf32, #tpu.memory_space<hbm>>) target_semaphore(%run_scoped3A : memref<!tpu.dma_semaphore, #tpu.memory_space<semaphore_mem>>)
      %dma_wait3A = arith.constant 0 : i32
      %dma_wait3A_14 = tpu.memref_slice %arg6[%dma_wait3A, %mul3A_2] : memref<32x16384xf32, #tpu.memory_space<hbm>> -> memref<32x512xf32, #tpu.memory_space<hbm>>
      %dma_wait3A_15 = arith.constant 0 : i32
      %dma_wait3A_16 = tpu.memref_slice %arg6[%dma_wait3A_15, %mul3A_2] : memref<32x16384xf32, #tpu.memory_space<hbm>> -> memref<32x512xf32, #tpu.memory_space<hbm>>
      tpu.wait_dma2 semaphore(%run_scoped3A : memref<!tpu.dma_semaphore, #tpu.memory_space<semaphore_mem>>) src(%arg11 : memref<32x512xf32, #tpu.memory_space<vmem>>) dst(%dma_wait3A_16 : memref<32x512xf32, #tpu.memory_space<hbm>>)
      tpu.yield
    }) : () -> ()
    return
  }
}

</mosaic_0001>

<sc_bundles>
// kernel: kernel.3.cloned.1.call-start
scs
__scs_entry_jumppad:
0x0: {  	(pc) =	sbr.rel $0x88, $3  }
0x1: {  	(tag) =	ssettag $0x0;
	lr =	simm.s32 $0x1  }
0x2: {  	[smem:$0x3F9D] =	sst lr;
	_ =	strace $0xD0000000  }
0x3: {  	_ = 	snop  }
0x4: {  	_ = 	snop  }
0x5: {  	_ = 	snop  }
0x6: {  	_ = 	snop  }
0x7: {  	_ = 	snop  }
__scs_overlays_trampoline_lowered:
0x8: {  	[smem:$0x3FAC] =	sst s0  }
0x9: {  	[smem:$0x3FAD] =	sst s1  }
0xa: {  	[smem:$0x3FAE] =	sst s2  }
0xb: {  	[smem:$0x3FAF] =	sst s3  }
0xc: {  	[smem:$0x3FB0] =	sst s4  }
0xd: {  	[smem:$0x3FB1] =	sst s5  }
0xe: {  	[smem:$0x3FB2] =	sst s6  }
0xf: {  	[smem:$0x3FB3] =	sst s7  }
0x10: {  	[smem:$0x3FB4] =	sst s8  }
0x11: {  	[smem:$0x3FB5] =	sst s9;
	s0 =	simm.s32 @!p0 $0x0  }
0x12: {  	s1 =	sld [smem:$0x3F9B];
	s0 =	simm.s32 @p0 $0x1  }
0x13: {  	[smem:$0x3FB6] =	sst s0;
	s0 =	simm.s32 @!p1 $0x0  }
0x14: {  	s2 =	sld [smem:$0x3F9A];
	s0 =	simm.s32 @p1 $0x1  }
0x15: {  	[smem:$0x3FB7] =	sst s0;
	s0 =	simm.s32 @!p2 $0x0  }
0x16: {  	s3 =	sld [smem:$0x3FDB];
	s0 =	simm.s32 @p2 $0x1  }
0x17: {  	s4 =	simm.s32 $0x1BF5;
	[smem:$0x3FB9] =	sst s0  }
0x18: {  	s0 =	sld [smem:$0x3F9C];
	_ =	swait.ge [sflag:s4], $0x0  }
0x19: {  	s7 =	sld [smem:$0x3F9D]  }
0x1a: {  	s8 =	sadd.s32 $0xFFFFE003, lr  }
0x1b: {  	s9 =	sadd.s32 $0xFFFFFEF7, lr;
	s5 =	simm.s32 $0xFFFFFFFF;
	p2 =	slt.u32 s8, $0xFFFFF086  }
0x1c: {  	p1 =	slt.u32 s9, $0xF7A;
	s5 =	simm.s32 @!p2 $0x0  }
0x1d: {  	s5 =	simm.s32 @p1 $0x1;
	p0 =	seq.s32 s7, s2  }
0x1e: {  	s7 =	smul.u32 @!p0 $0xF7A, s2;
	p2 =	seq.s32 @!p0 s5, $0x0  }
0x1f: {  	s9 =	smul.u32 $0xF7A, s1;
	s8 =	simm.s32 @!p0 $0x1BF5;
	p2 =	por !p2, p0  }
0x20: {  	[sflag:s8] =	ssyncset.s32 @!p0 $0xFFFFF086;
	s6 =	sadd.s32 @!p0 s3, s7;
	s7 =	simm.s32 @!p0 $0x108  }
0x21: {  	s3 =	sadd.s32 s3, s9;
	s6 =	sadd.s32 @!p0 $0x88, s6;
	s7 =	simm.s32 @p2 $0x1082  }
0x22: {  	[simem:s7], [sflag:s8] =	dma.local @!p0 [hbm:s6], $0xF7A  }
0x23: {  	s9 =	sor.u32 $0xD0000000, s2;
	s6 =	simm.s32 $0x108;
	_ =	swait.ge @!p0 [sflag:s8], $0x0  }
0x24: {  	s3 =	sadd.s32 $0x88, s3;
	s6 =	simm.s32 @!p1 $0x1082;
	[sflag:s4] =	ssyncset.s32 $0xFFFFF086  }
0x25: {  	[simem:s6], [sflag:s4] =	dma.local [hbm:s3], $0xF7A  }
0x26: {  	[smem:$0x3F9D] =	sst s1;
	(tag) =	ssettag s2;
	_ =	strace s9  }
0x27: {  	s1 =	sld [smem:$0x3FAD]  }
0x28: {  	s2 =	sld [smem:$0x3FAE]  }
0x29: {  	s4 =	sld [smem:$0x3FB0]  }
0x2a: {  	p0 =	seq.s32 s5, $0x0;
	s5 =	sld [smem:$0x3FB1]  }
0x2b: {  	s6 =	sld [smem:$0x3FB2]  }
0x2c: {  	s7 =	sld [smem:$0x3FB3]  }
0x2d: {  	s3 =	simm.s32 $0x108;
	s8 =	sld [smem:$0x3FB4]  }
0x2e: {  	s3 =	simm.s32 @!p0 $0x1082;
	s9 =	sld [smem:$0x3FB5]  }
0x2f: {  	lr =	sadd.s32 s0, s3;
	s0 =	sld [smem:$0x3FAC]  }
0x30: {  	s3 =	sld [smem:$0x3FAF]  }
0x31: {  	[smem:$0x3FB8] =	sst s10  }
0x32: {  	s10 =	sld [smem:$0x3FB6];
	_ =	sdelay $0x3  }
0x33: {  	p0 =	seq.s32 s10, $0x1;
	s10 =	sld [smem:$0x3FB8];
	_ =	sdelay $0x3  }
0x34: {  	[smem:$0x3FB8] =	sst s10  }
0x35: {  	s10 =	sld [smem:$0x3FB7];
	_ =	sdelay $0x3  }
0x36: {  	p1 =	seq.s32 s10, $0x1;
	s10 =	sld [smem:$0x3FB8];
	_ =	sdelay $0x3  }
0x37: {  	[smem:$0x3FB8] =	sst s10  }
0x38: {  	s10 =	sld [smem:$0x3FB9]  }
0x39: {  	_ = 	snop;
	(pc) =	sbr.ind lr, $3  }
0x3a: {  	_ = 	snop  }
0x3b: {  	_ = 	snop  }
0x3c: {  	p2 =	seq.s32 s10, $0x1;
	s10 =	sld [smem:$0x3FB8]  }
0x3d: {  	_ =	shalt  }
0x3e: {  	_ =	shalt  }
0x3f: {  	_ =	shalt  }
0x40: {  	_ =	shalt  }
0x41: {  	_ =	shalt  }
0x42: {  	_ =	shalt  }
0x43: {  	_ =	shalt  }
0x44: {  	_ =	shalt  }
0x45: {  	_ =	shalt  }
0x46: {  	_ =	shalt  }
0x47: {  	_ =	shalt  }
0x48: {  	_ =	shalt  }
0x49: {  	_ =	shalt  }
0x4a: {  	_ =	shalt  }
0x4b: {  	_ =	shalt  }
0x4c: {  	_ =	shalt  }
0x4d: {  	_ =	shalt  }
0x4e: {  	_ =	shalt  }
0x4f: {  	_ =	shalt  }
0x50: {  	_ =	shalt  }
0x51: {  	_ =	shalt  }
0x52: {  	_ =	shalt  }
0x53: {  	_ =	shalt  }
0x54: {  	_ =	shalt  }
0x55: {  	_ =	shalt  }
0x56: {  	_ =	shalt  }
0x57: {  	_ =	shalt  }
0x58: {  	_ =	shalt  }
0x59: {  	_ =	shalt  }
0x5a: {  	_ =	shalt  }
0x5b: {  	_ =	shalt  }
0x5c: {  	_ =	shalt  }
0x5d: {  	_ =	shalt  }
0x5e: {  	_ =	shalt  }
0x5f: {  	_ =	shalt  }
0x60: {  	_ =	shalt  }
0x61: {  	_ =	shalt  }
0x62: {  	_ =	shalt  }
0x63: {  	_ =	shalt  }
0x64: {  	_ =	shalt  }
0x65: {  	_ =	shalt  }
0x66: {  	_ =	shalt  }
0x67: {  	_ =	shalt  }
0x68: {  	_ =	shalt  }
0x69: {  	_ =	shalt  }
0x6a: {  	_ =	shalt  }
0x6b: {  	_ =	shalt  }
0x6c: {  	_ =	shalt  }
0x6d: {  	_ =	shalt  }
0x6e: {  	_ =	shalt  }
0x6f: {  	_ =	shalt  }
0x70: {  	_ =	shalt  }
0x71: {  	_ =	shalt  }
0x72: {  	_ =	shalt  }
0x73: {  	_ =	shalt  }
0x74: {  	_ =	shalt  }
0x75: {  	_ =	shalt  }
0x76: {  	_ =	shalt  }
0x77: {  	_ =	shalt  }
0x78: {  	_ =	shalt  }
0x79: {  	_ =	shalt  }
0x7a: {  	_ =	shalt  }
0x7b: {  	_ =	shalt  }
0x7c: {  	_ =	shalt  }
0x7d: {  	_ =	shalt  }
0x7e: {  	_ =	shalt  }
0x7f: {  	_ =	shalt  }
0x80: {  	_ =	shalt  }
0x81: {  	_ =	shalt  }
0x82: {  	_ =	shalt  }
0x83: {  	_ =	shalt  }
0x84: {  	_ =	shalt  }
0x85: {  	_ =	shalt  }
0x86: {  	_ =	shalt  }
0x87: {  	_ =	shalt  }
.Lfunc_end0:
.L_simem_size_0:
called_computation_lowered:
.L_overlay_start_0:
0x88: {  	s2 =	sld [smem:$0x3FD9]  }
0x89: {  	s3 =	sld [smem:$0x3FFE];
	_ =	sdelay $0x1  }
0x8a: {  	s1 =	srdreg.scid  }
0x8b: {  	s0 =	sand.u32 $0x1, s1  }
0x8c: {  	s18 =	sshll.u32 s0, $0xA;
	s2 =	sadd.s32 s3, s2  }
0x8d: {  	s2 =	sadd.s32 s2, s18  }
0x8e: {  	[smem:$0x3FC4] =	sst s2  }
0x8f: {  	_ = 	snop  }
0x90: {  	s2 =	sld [smem:$0x3FC9]  }
0x91: {  	s19 =	sld [smem:$0x3FC8]  }
0x92: {  	s4 =	sld [smem:$0x3FC7]  }
0x93: {  	s5 =	sld [smem:$0x3FC6]  }
0x94: {  	s6 =	sld [smem:$0x3FD0];
	(tm) =	ssettm $0x1  }
0x95: {  	s7 =	sld [smem:$0x3FFB];
	_ =	sdelay $0x3  }
0x96: {  	_ =	strace s7  }
0x97: {  	s7 =	sld [smem:$0x3FFC];
	_ =	sdelay $0x3  }
0x98: {  	_ =	strace s7  }
0x99: {  	s7 =	sld [smem:$0x3FFD];
	_ =	sdelay $0x3  }
0x9a: {  	_ =	strace s7  }
0x9b: {  	_ =	strace $0x8FFFFFFF  }
0x9c: {  	s20 =	sld [smem:$0x3FDB];
	_ =	sdelay $0x1  }
0x9d: {  	s8 =	simm.s32 $_scs_section_size  }
0x9e: {  	s9 =	simm.s32 $_size__tile_overlayer_lowered;
	s10 =	simm.s32 $_tile_overlayer_lowered  }
0x9f: {  	s23 =	simm.s32 $0x1BFF;
	s22 =	sshll.u32 s10, $0x1;
	s7 =	sadd.s32 s8, s20  }
0xa0: {  	s11 =	simm.s32 $0x0;
	s21 =	sshll.u32 s9, $0x1;
	s9 =	sadd.s32 s22, s7  }
0xa1: {  	[timem:s11], [sflag:s23] =	dma.local [hbm:s9], s21  }
0xa2: {  	_ =	swait.ge [sflag:s23], s21  }
0xa3: {  	s8 =	ssub.s32 $0x0, s21;
	[sflag:s23] =	ssyncset.done $0x0  }
0xa4: {  	[sflag:s23] =	ssyncadd.s32 s8;
	_ =	sdelay $0x1  }
0xa5: {  	s24 =	simm.s32 $0x1B8B  }
0xa6: {  	_ =	swait.ge [sflag:s24], $0x1  }
0xa7: {  	[sflag:s24] =	ssyncset.done $0x0  }
0xa8: {  	s25 =	simm.s32 $0x1B8E;
	[sflag:s24] =	ssyncadd.s32 $0xFFFFFFFF  }
0xa9: {  	s26 =	simm.s32 $execute0_lowered;
	[smem:$0x3FD2] =	sst s25  }
0xaa: {  	s8 =	sshll.u32 s26, $0x1;
	_ =	strace $0x80000046;
	[dreg:$0x1] =	wrdreg $0xFFFFFFFF  }
0xab: {  	s28 =	simm.s32 $_size_execute0_lowered;
	s7 =	sadd.s32 s7, s8;
	[dreg:$0x0] =	wrdreg $0x0  }
0xac: {  	s8 =	sshll.u32 s28, $0x1;
	[dreg:$0x2] =	wrdreg s7  }
0xad: {  	[dreg:$0x3] =	wrdreg s8  }
0xae: {  	[dreg:$0x4] =	wrdreg $0xC0  }
0xaf: {  	_ =	task [dreg:s11], $0x5FFFF  }
0xb0: {  	[dreg:$0x1] =	wrdreg $0xFFFFFFFF  }
0xb1: {  	[dreg:$0x0] =	wrdreg $0x60  }
0xb2: {  	[dreg:$0x2] =	wrdreg s2  }
0xb3: {  	[dreg:$0x3] =	wrdreg s19  }
0xb4: {  	[dreg:$0x4] =	wrdreg s4  }
0xb5: {  	[dreg:$0x5] =	wrdreg s5  }
0xb6: {  	[dreg:$0x6] =	wrdreg s6  }
0xb7: {  	[dreg:$0x7] =	wrdreg $0x9  }
0xb8: {  	_ =	task.clear_ibuf [dreg:s11], $0x8FFFF;
	_ =	strace $0x90000046  }
0xb9: {  	s29 =	simm.s32 $0x9;
	_ =	strace $0x80000048  }
0xba: {  	_ =	swait.ge [sflag:s29], $0x1  }
0xbb: {  	[sflag:s29] =	ssyncadd.s32 $0xFFFFFFFF  }
0xbc: {  	_ =	strace $0x90000048  }
0xbd: {  	_ =	sfence  }
0xbe: {  	s30 =	sld [smem:$0x0];
	_ =	sdelay $0x2  }
0xbf: {  	s31 =	sshll.u32 s1, $0xD;
	s1 =	sshrl.u32 s1, $0x2  }
0xc0: {  	s3 =	sand.u32 $0x4000, s31;
	s1 =	sadd.s32 s1, s30  }
0xc1: {  	s0 =	sor.u32 s3, s0;
	s1 =	sshll.u32 s1, $0x11  }
0xc2: {  	s0 =	sor.u32 s1, s0  }
0xc3: {  	s0 =	sadd.s32 $0x8F2B, s0  }
0xc4: {  	[sflag:s0] =	ssyncadd.remote.s32 $0x1  }
0xc5: {  	_ =	sfence.sel $0xFFFF  }
0xc6: {  	[dreg:$0x0] =	wrdreg $0xFFFFFFFF;
	(pc) =	sbr.abs _section_cstart, $3  }
0xc7: {  	[dreg:$0x1] =	wrdreg $0xFFFFFFFF  }
0xc8: {  	_ =	task.clear_ibuf [dreg:s11], $0x2FFFF;
	_ =	strace $0x9FFFFFFF  }
0xc9: {  	(tm) =	ssettm $0x7FFFFFFF  }
tec
execute0_lowered:
.L_overlay_start_1:
0x0: {  	(tag) =	ssettag $0x1  }
0x1: {  	s0 =	rddreg [dreg:$0x0]  }
0x2: {  	s3 =	rddreg [dreg:$0x1]  }
0x3: {  	s1 =	rddreg [dreg:$0x2]  }
0x4: {  	s2 =	rddreg [dreg:$0x3];
	v0 =	vlaneseq.u32;
	v1 =	vimm.s32 $0x1380  }
0x5: {  	s4 =	rddreg [dreg:$0x4];
	vm0 =	vcmask $0x300;
	v2 =	vimm.s32 $0x3380;
	vm1 =	vcmask $0x704  }
0x6: {  	s5 =	srdreg.scid;
	s8 =	simm.s32 $0x0;
	s7 =	stileid.u32;
	vm15 =	vcmask $0xB08;
	v1 =	vsel vm0, $0x0, v1;
	v2 =	vsel vm0, $0x2000, v2  }
0x7: {  	vm4 =	vcmask $0xF0C;
	s21 =	simm.s32 $0x3;
	s10 =	simm.s32 $0x7A1400;
	s11 =	simm.s32 $0x400;
	v1 =	vsel vm1, $0x80, v1;
	v2 =	vsel vm1, $0x2080, v2  }
0x8: {  	vm5 =	vcmask $0x1310;
	s12 =	simm.s32 $0xD400;
	s13 =	simm.s32 $0x2400;
	s14 =	simm.s32 $0xE400;
	v1 =	vsel vm15, $0x100, v1;
	v2 =	vsel vm15, $0x2100, v2  }
0x9: {  	vm6 =	vcmask $0x1714;
	s15 =	simm.s32 $0x3400;
	s16 =	simm.s32 $0xF400;
	s28 =	simm.s32 $0x5400;
	v1 =	vsel vm4, $0x180, v1;
	v2 =	vsel vm4, $0x2180, v2  }
0xa: {  	vm7 =	vcmask $0x1B18;
	s29 =	simm.s32 $0x11400;
	s30 =	simm.s32 $0x6400;
	s31 =	simm.s32 $0x12400;
	v1 =	vsel vm5, $0x200, v1;
	v2 =	vsel vm5, $0x2200, v2  }
0xb: {  	vm8 =	vcmask $0x1F1C;
	s17 =	simm.s32 $0xE400;
	s22 =	simm.s32 $0x9400;
	s18 =	simm.s32 $0x3400;
	v1 =	vsel vm6, $0x280, v1;
	v2 =	vsel vm6, $0x2280, v2  }
0xc: {  	vm9 =	vcmask $0x2320;
	s5 =	sand.u32 $0x1, s5;
	s7 =	sshll.u32 s7, $0xA;
	[smem:$0x7FF] =	sst s8;
	v1 =	vsel vm7, $0x300, v1;
	v2 =	vsel vm7, $0x2300, v2  }
0xd: {  	vm10 =	vcmask $0x2724;
	s8 =	simm.s32 $0x18400;
	s6 =	ssub.s32 $0x2, s5;
	s5 =	sshll.u32 s5, $0x9;
	v1 =	vsel vm8, $0x380, v1;
	v2 =	vsel vm8, $0x2380, v2  }
0xe: {  	vm11 =	vcmask $0x2B28;
	_ =	strace $0x80000047;
	s23 =	sshrl.u32 s6, $0x1;
	s5 =	sor.u32 s5, s7;
	v1 =	vsel vm9, $0x1000, v1;
	v2 =	vsel vm9, $0x3000, v2  }
0xf: {  	vm12 =	vcmask $0x2F2C;
	s6 =	ssub.s32 s6, s23;
	s7 =	sshrl.u32 s5, $0x3;
	s25 =	sadd.s32 s4, s5;
	v1 =	vsel vm10, $0x1080, v1;
	v2 =	vsel vm10, $0x3080, v2  }
0x10: {  	vm13 =	vcmask $0x3330;
	s4 =	simm.s32 $0xC400;
	s5 =	simm.s32 $0x1400;
	s23 =	simm.s32 $0x15400;
	v1 =	vsel vm11, $0x1100, v1;
	v2 =	vsel vm11, $0x3100, v2  }
0x11: {  	vm14 =	vcmask $0x3734;
	s0 =	sadd.s32 s0, s7;
	s24 =	sadd.s32 s3, s7;
	[dreg:$0x8] =	wrdreg s25;
	v1 =	vsel vm12, $0x1180, v1;
	v2 =	vsel vm12, $0x3180, v2  }
0x12: {  	v0 =	vmul.u32 $0x80, v0;
	s26 =	smax.u32 s6, $0x1;
	s6 =	simm.s32 $0x1;
	[dreg:$0x6] =	wrdreg s0;
	v1 =	vsel vm13, $0x1200, v1;
	v2 =	vsel vm13, $0x3200, v2  }
0x13: {  	vm15 =	vcmask $0x3B38;
	s7 =	simm.s32 $0x2;
	s25 =	simm.s32 $0x4400;
	[dreg:$0x7] =	wrdreg s24;
	v1 =	vsel vm14, $0x1280, v1;
	v3 =	vsel vm14, $0x3280, v2  }
0x14: {  	[dreg:$0x9] =	wrdreg s26;
	s0 =	simm.s32 $0x0;
	s26 =	simm.s32 $0x10400;
	v2 =	vor.u32 $0x800, v0;
	v1 =	vsel vm15, $0x1300, v1;
	v3 =	vsel vm15, $0x3300, v3  }
.LBB2_1:
0x15: {  	[dreg:$0xa] =	wrdreg s0  }
0x16: {  	s19 =	simm.s32 $0x0;
	s9 =	rddreg [dreg:$0x6]  }
0x17: {  	[tilespmem:s19], [sflag:$0x3] =	stream.linear.gather [hbm4b:s9+s19], $0x200, $0x38;
	[tilespmem:$0x1C400] =	vst v63  }
0x18: {  	_ =	swait.ge [sflag:s21], $0x200  }
0x19: {  	[sflag:s21] =	ssyncset.done $0x0  }
0x1a: {  	s9 =	simm.s32 $0x200;
	s20 =	rddreg [dreg:$0x7];
	[sflag:s21] =	ssyncadd.s32 $0xFFFFFE00  }
0x1b: {  	[tilespmem:s9], [sflag:$0x3] =	stream.linear.gather [hbm4b:s20+s19], $0x200, $0x38;
	[tilespmem:$0x1C400] =	vst v63  }
0x1c: {  	_ =	swait.ge [sflag:s21], $0x200  }
0x1d: {  	[sflag:s21] =	ssyncset.done $0x0  }
0x1e: {  	s19 =	simm.s32 $0xF;
	s20 =	simm.s32 $0x0;
	[sflag:s21] =	ssyncadd.s32 $0xFFFFFE00  }
.LBB2_2:
0x1f: {  	v4 =	vld [tilespmem:s20+$0x0];
	_ =	sdelay $0x1  }
0x20: {  	v5 =	vld [tilespmem:s9+$0x0];
	_ =	sdelay $0x2  }
0x21: {  	v6 =	vshrl.u32 v4, $0x7  }
0x22: {  	v7 =	vshll.u32 v6, $0x7  }
0x23: {  	v48 =	vshrl.u32 v5, $0x7;
	(v2sf) =	vpush v7, $0x0  }
0x24: {  	v6 =	vshll.u32 v48, $0x7  }
0x25: {  	(v2sf) =	vpush v6, $0x0;
	_ =	sdelay $0x4  }
0x26: {  	(v2sf) =	vpush v7, $0x1;
	_ =	sdelay $0x3  }
0x27: {  	(v2sf) =	vpush v6, $0x1;
	_ =	sdelay $0x3  }
0x28: {  	s21 =	spop (v2sf);
	(v2sf) =	vpush v7, $0x2  }
0x29: {  	s21 =	sand.u32 $0x1FFFFF80, s21  }
0x2a: {  	s3 =	spop (v2sf);
	s21 =	sadd.s32 s1, s21  }
0x2b: {  	[tilespmem:s11], [sflag:$0x1] =	stream.strided.gather [hbm4b:s21+s11], $0x1000, s10, s11, $0x38;
	[tilespmem:$0x1C400] =	vst v63  }
0x2c: {  	(v2sf) =	vpush v6, $0x2;
	s21 =	sand.u32 $0x1FFFFF80, s3  }
0x2d: {  	s21 =	sadd.s32 s2, s21  }
0x2e: {  	[tilespmem:s4], [sflag:$0x2] =	stream.strided.gather [hbm4b:s21+s11], $0x1000, s10, s11, $0x38;
	[tilespmem:$0x1C400] =	vst v63  }
0x2f: {  	s4 =	spop (v2sf)  }
0x30: {  	(v2sf) =	vpush v7, $0x3;
	s21 =	sand.u32 $0x1FFFFF80, s4  }
0x31: {  	s21 =	sadd.s32 s1, s21  }
0x32: {  	[tilespmem:s5], [sflag:$0x1] =	stream.strided.gather [hbm4b:s21+s11], $0x1000, s10, s11, $0x38;
	[tilespmem:$0x1C400] =	vst v63  }
0x33: {  	s5 =	spop (v2sf)  }
0x34: {  	(v2sf) =	vpush v6, $0x3;
	s21 =	sand.u32 $0x1FFFFF80, s5  }
0x35: {  	s21 =	sadd.s32 s2, s21  }
0x36: {  	[tilespmem:s12], [sflag:$0x2] =	stream.strided.gather [hbm4b:s21+s11], $0x1000, s10, s11, $0x38;
	[tilespmem:$0x1C400] =	vst v63  }
0x37: {  	s12 =	spop (v2sf)  }
0x38: {  	(v2sf) =	vpush v7, $0x4;
	s21 =	sand.u32 $0x1FFFFF80, s12  }
0x39: {  	s21 =	sadd.s32 s1, s21  }
0x3a: {  	[tilespmem:s13], [sflag:$0x1] =	stream.strided.gather [hbm4b:s21+s11], $0x1000, s10, s11, $0x38;
	[tilespmem:$0x1C400] =	vst v63  }
0x3b: {  	s13 =	spop (v2sf)  }
0x3c: {  	(v2sf) =	vpush v6, $0x4;
	s21 =	sand.u32 $0x1FFFFF80, s13  }
0x3d: {  	s21 =	sadd.s32 s2, s21  }
0x3e: {  	[tilespmem:s14], [sflag:$0x2] =	stream.strided.gather [hbm4b:s21+s11], $0x1000, s10, s11, $0x38;
	[tilespmem:$0x1C400] =	vst v63  }
0x3f: {  	s14 =	spop (v2sf)  }
0x40: {  	(v2sf) =	vpush v7, $0x5;
	s21 =	sand.u32 $0x1FFFFF80, s14  }
0x41: {  	s21 =	sadd.s32 s1, s21  }
0x42: {  	[tilespmem:s15], [sflag:$0x1] =	stream.strided.gather [hbm4b:s21+s11], $0x1000, s10, s11, $0x38;
	[tilespmem:$0x1C400] =	vst v63  }
0x43: {  	s15 =	spop (v2sf)  }
0x44: {  	(v2sf) =	vpush v6, $0x5;
	s21 =	sand.u32 $0x1FFFFF80, s15  }
0x45: {  	s21 =	sadd.s32 s2, s21  }
0x46: {  	[tilespmem:s16], [sflag:$0x2] =	stream.strided.gather [hbm4b:s21+s11], $0x1000, s10, s11, $0x38;
	[tilespmem:$0x1C400] =	vst v63  }
0x47: {  	s16 =	spop (v2sf)  }
0x48: {  	(v2sf) =	vpush v7, $0x6;
	s21 =	sand.u32 $0x1FFFFF80, s16  }
0x49: {  	s21 =	sadd.s32 s1, s21  }
0x4a: {  	[tilespmem:s25], [sflag:$0x1] =	stream.strided.gather [hbm4b:s21+s11], $0x1000, s10, s11, $0x38;
	[tilespmem:$0x1C400] =	vst v63  }
0x4b: {  	s24 =	spop (v2sf)  }
0x4c: {  	(v2sf) =	vpush v6, $0x6;
	s21 =	sand.u32 $0x1FFFFF80, s24  }
0x4d: {  	s21 =	sadd.s32 s2, s21  }
0x4e: {  	[tilespmem:s26], [sflag:$0x2] =	stream.strided.gather [hbm4b:s21+s11], $0x1000, s10, s11, $0x38;
	[tilespmem:$0x1C400] =	vst v63  }
0x4f: {  	s0 =	spop (v2sf)  }
0x50: {  	(v2sf) =	vpush v7, $0x7;
	s21 =	sand.u32 $0x1FFFFF80, s0  }
0x51: {  	s21 =	sadd.s32 s1, s21  }
0x52: {  	[tilespmem:s28], [sflag:$0x1] =	stream.strided.gather [hbm4b:s21+s11], $0x1000, s10, s11, $0x38;
	[tilespmem:$0x1C400] =	vst v63  }
0x53: {  	s3 =	spop (v2sf)  }
0x54: {  	(v2sf) =	vpush v6, $0x7;
	s21 =	sand.u32 $0x1FFFFF80, s3  }
0x55: {  	s21 =	sadd.s32 s2, s21  }
0x56: {  	[tilespmem:s29], [sflag:$0x2] =	stream.strided.gather [hbm4b:s21+s11], $0x1000, s10, s11, $0x38;
	[tilespmem:$0x1C400] =	vst v63  }
0x57: {  	s4 =	spop (v2sf)  }
0x58: {  	(v2sf) =	vpush v7, $0x8;
	s21 =	sand.u32 $0x1FFFFF80, s4  }
0x59: {  	s21 =	sadd.s32 s1, s21  }
0x5a: {  	[tilespmem:s30], [sflag:$0x1] =	stream.strided.gather [hbm4b:s21+s11], $0x1000, s10, s11, $0x38;
	[tilespmem:$0x1C400] =	vst v63  }
0x5b: {  	s5 =	spop (v2sf)  }
0x5c: {  	(v2sf) =	vpush v6, $0x8;
	s21 =	sand.u32 $0x1FFFFF80, s5  }
0x5d: {  	s21 =	sadd.s32 s2, s21  }
0x5e: {  	[tilespmem:s31], [sflag:$0x2] =	stream.strided.gather [hbm4b:s21+s11], $0x1000, s10, s11, $0x38;
	[tilespmem:$0x1C400] =	vst v63  }
0x5f: {  	s12 =	spop (v2sf)  }
0x60: {  	(v2sf) =	vpush v7, $0x9;
	s21 =	sand.u32 $0x1FFFFF80, s12  }
0x61: {  	s0 =	simm.s32 $0x7400;
	s21 =	sadd.s32 s1, s21  }
0x62: {  	[tilespmem:s0], [sflag:$0x1] =	stream.strided.gather [hbm4b:s21+s11], $0x1000, s10, s11, $0x38;
	[tilespmem:$0x1C400] =	vst v63  }
0x63: {  	s13 =	spop (v2sf)  }
0x64: {  	(v2sf) =	vpush v6, $0x9;
	s21 =	sand.u32 $0x1FFFFF80, s13  }
0x65: {  	s3 =	simm.s32 $0x13400;
	s21 =	sadd.s32 s2, s21  }
0x66: {  	[tilespmem:s3], [sflag:$0x2] =	stream.strided.gather [hbm4b:s21+s11], $0x1000, s10, s11, $0x38;
	[tilespmem:$0x1C400] =	vst v63  }
0x67: {  	s14 =	spop (v2sf)  }
0x68: {  	(v2sf) =	vpush v7, $0xA;
	s21 =	sand.u32 $0x1FFFFF80, s14  }
0x69: {  	s4 =	simm.s32 $0x8400;
	s21 =	sadd.s32 s1, s21  }
0x6a: {  	[tilespmem:s4], [sflag:$0x1] =	stream.strided.gather [hbm4b:s21+s11], $0x1000, s10, s11, $0x38;
	[tilespmem:$0x1C400] =	vst v63  }
0x6b: {  	s15 =	spop (v2sf)  }
0x6c: {  	(v2sf) =	vpush v6, $0xA;
	s21 =	sand.u32 $0x1FFFFF80, s15  }
0x6d: {  	s5 =	simm.s32 $0x14400;
	s21 =	sadd.s32 s2, s21  }
0x6e: {  	[tilespmem:s5], [sflag:$0x2] =	stream.strided.gather [hbm4b:s21+s11], $0x1000, s10, s11, $0x38;
	[tilespmem:$0x1C400] =	vst v63  }
0x6f: {  	s24 =	spop (v2sf)  }
0x70: {  	(v2sf) =	vpush v7, $0xB;
	s21 =	sand.u32 $0x1FFFFF80, s24  }
0x71: {  	s21 =	sadd.s32 s1, s21  }
0x72: {  	[tilespmem:s22], [sflag:$0x1] =	stream.strided.gather [hbm4b:s21+s11], $0x1000, s10, s11, $0x38;
	[tilespmem:$0x1C400] =	vst v63  }
0x73: {  	s12 =	spop (v2sf)  }
0x74: {  	(v2sf) =	vpush v6, $0xB;
	s21 =	sand.u32 $0x1FFFFF80, s12  }
0x75: {  	s21 =	sadd.s32 s2, s21  }
0x76: {  	[tilespmem:s23], [sflag:$0x2] =	stream.strided.gather [hbm4b:s21+s11], $0x1000, s10, s11, $0x38;
	[tilespmem:$0x1C400] =	vst v63  }
0x77: {  	s15 =	spop (v2sf)  }
0x78: {  	s21 =	sand.u32 $0x1FFFFF80, s15  }
0x79: {  	s24 =	simm.s32 $0xA400;
	s21 =	sadd.s32 s1, s21  }
0x7a: {  	[tilespmem:s24], [sflag:$0x1] =	stream.strided.gather [hbm4b:s21+s11], $0x1000, s10, s11, $0x38;
	[tilespmem:$0x1C400] =	vst v63  }
0x7b: {  	s15 =	spop (v2sf)  }
0x7c: {  	s21 =	sand.u32 $0x1FFFFF80, s15  }
0x7d: {  	s12 =	simm.s32 $0x16400;
	s21 =	sadd.s32 s2, s21  }
0x7e: {  	[tilespmem:s12], [sflag:$0x2] =	stream.strided.gather [hbm4b:s21+s11], $0x1000, s10, s11, $0x38;
	[tilespmem:$0x1C400] =	vst v63  }
0x7f: {  	s24 =	spop (v2sf)  }
0x80: {  	s21 =	sand.u32 $0x1FFFFF80, s24  }
0x81: {  	s24 =	simm.s32 $0xB400;
	s21 =	sadd.s32 s1, s21  }
0x82: {  	[tilespmem:s24], [sflag:$0x1] =	stream.strided.gather [hbm4b:s21+s11], $0x1000, s10, s11, $0x38;
	[tilespmem:$0x1C400] =	vst v63  }
0x83: {  	s24 =	spop (v2sf)  }
0x84: {  	s21 =	sand.u32 $0x1FFFFF80, s24  }
0x85: {  	s24 =	simm.s32 $0x17400;
	s21 =	sadd.s32 s2, s21  }
0x86: {  	[tilespmem:s24], [sflag:$0x2] =	stream.strided.gather [hbm4b:s21+s11], $0x1000, s10, s11, $0x38;
	[tilespmem:$0x1C400] =	vst v63  }
0x87: {  	_ =	swait.ge [sflag:s6], $0x1000  }
0x88: {  	[sflag:s6] =	ssyncset.done $0x0  }
0x89: {  	[sflag:s6] =	ssyncadd.s32 $0xFFFFF000  }
0x8a: {  	_ =	swait.ge [sflag:s7], $0x1000  }
0x8b: {  	[sflag:s7] =	ssyncset.done $0x0  }
0x8c: {  	[sflag:s7] =	ssyncadd.s32 $0xFFFFF000  }
0x8d: {  	_ =	swait.ge [sflag:s6], $0x1000  }
0x8e: {  	[sflag:s6] =	ssyncset.done $0x0  }
0x8f: {  	[sflag:s6] =	ssyncadd.s32 $0xFFFFF000  }
0x90: {  	_ =	swait.ge [sflag:s7], $0x1000  }
0x91: {  	[sflag:s7] =	ssyncset.done $0x0  }
0x92: {  	[sflag:s7] =	ssyncadd.s32 $0xFFFFF000  }
0x93: {  	_ =	swait.ge [sflag:s6], $0x1000  }
0x94: {  	[sflag:s6] =	ssyncset.done $0x0  }
0x95: {  	[sflag:s6] =	ssyncadd.s32 $0xFFFFF000  }
0x96: {  	_ =	swait.ge [sflag:s7], $0x1000  }
0x97: {  	v4 =	vand.u32 $0x7F, v4;
	[sflag:s7] =	ssyncset.done $0x0  }
0x98: {  	v5 =	vand.u32 $0x7F, v5;
	v8 =	vbroadcast v4, $0x0;
	[sflag:s7] =	ssyncadd.s32 $0xFFFFF000  }
0x99: {  	v9 =	vbroadcast v5, $0x0;
	_ =	swait.ge [sflag:s6], $0x1000  }
0x9a: {  	v10 =	vor.u32 v0, v8;
	[sflag:s6] =	ssyncset.done $0x0  }
0x9b: {  	v11 =	vor.u32 v0, v9;
	[sflag:s6] =	ssyncadd.s32 $0xFFFFF000  }
0x9c: {  	_ =	swait.ge [sflag:s7], $0x1000  }
0x9d: {  	s21 =	sadd.s32 $0xFFFFFFF1, s19;
	[sflag:s7] =	ssyncset.done $0x0  }
0x9e: {  	v12 =	vmov s21;
	[sflag:s7] =	ssyncadd.s32 $0xFFFFF000  }
0x9f: {  	s13 =	simm.s32 $0xC400;
	v13 =	vshll.u32 v12, $0x3;
	v10 =	vld.idx.msk [tilespmem:v10+s11+$0x0], $0xffff  }
0xa0: {  	v12 =	vand.u32 $0x70, v12;
	v13 =	vand.u32 $0xC00, v13;
	v11 =	vld.idx.msk [tilespmem:v11+s13+$0x0], $0xffff  }
0xa1: {  	v12 =	vor.u32 v12, v13  }
0xa2: {  	v13 =	vor.u32 v1, v12  }
0xa3: {  	v8 =	vor.u32 v2, v8  }
0xa4: {  	v9 =	vor.u32 v2, v9  }
0xa5: {  	v10 =	vmul.f32 v11, v10;
	_ =	sdelay $0x1  }
0xa6: {  	[tilespmem:v13+s8+$0x0] =	vst.idx.msk $0xffff, v10  }
0xa7: {  	v8 =	vld.idx.msk [tilespmem:v8+s11+$0x0], $0xffff  }
0xa8: {  	v9 =	vld.idx.msk [tilespmem:v9+s13+$0x0], $0xffff  }
0xa9: {  	v49 =	vbroadcast v4, $0x1  }
0xaa: {  	v51 =	vbroadcast v5, $0x1;
	v50 =	vor.u32 v3, v12  }
0xab: {  	v52 =	vor.u32 v0, v49  }
0xac: {  	v14 =	vor.u32 v0, v51  }
0xad: {  	v8 =	vmul.f32 v9, v8  }
0xae: {  	s21 =	sadd.s32 $0xFFFFFFF2, s19  }
0xaf: {  	s14 =	simm.s32 $0x1400;
	v53 =	vmov s21;
	[tilespmem:v50+s8+$0x0] =	vst.idx.msk $0xffff, v8  }
0xb0: {  	s15 =	simm.s32 $0xD400;
	v55 =	vshll.u32 v53, $0x3;
	v54 =	vld.idx.msk [tilespmem:v52+s14+$0x0], $0xffff  }
0xb1: {  	v11 =	vand.u32 $0xC00, v55;
	v8 =	vand.u32 $0x71, v53;
	v56 =	vld.idx.msk [tilespmem:v14+s15+$0x0], $0xffff  }
0xb2: {  	v8 =	vor.u32 v8, v11  }
0xb3: {  	v11 =	vor.u32 v1, v8  }
0xb4: {  	v10 =	vor.u32 v2, v49  }
0xb5: {  	v12 =	vor.u32 v2, v51  }
0xb6: {  	v9 =	vmul.f32 v56, v54;
	_ =	sdelay $0x1  }
0xb7: {  	[tilespmem:v11+s8+$0x0] =	vst.idx.msk $0xffff, v9  }
0xb8: {  	v9 =	vld.idx.msk [tilespmem:v10+s14+$0x0], $0xffff  }
0xb9: {  	v57 =	vld.idx.msk [tilespmem:v12+s15+$0x0], $0xffff  }
0xba: {  	v58 =	vbroadcast v4, $0x2  }
0xbb: {  	v59 =	vbroadcast v5, $0x2;
	v8 =	vor.u32 v3, v8  }
0xbc: {  	v60 =	vor.u32 v0, v58  }
0xbd: {  	v61 =	vor.u32 v0, v59  }
0xbe: {  	v9 =	vmul.f32 v57, v9  }
0xbf: {  	s21 =	sadd.s32 $0xFFFFFFF3, s19  }
0xc0: {  	s16 =	simm.s32 $0x2400;
	v62 =	vmov s21;
	[tilespmem:v8+s8+$0x0] =	vst.idx.msk $0xffff, v9  }
0xc1: {  	v63 =	vshll.u32 v62, $0x3;
	v9 =	vld.idx.msk [tilespmem:v60+s16+$0x0], $0xffff  }
0xc2: {  	v10 =	vand.u32 $0xC00, v63;
	v8 =	vand.u32 $0x72, v62;
	v16 =	vld.idx.msk [tilespmem:v61+s17+$0x0], $0xffff  }
0xc3: {  	v8 =	vor.u32 v8, v10  }
0xc4: {  	v10 =	vor.u32 v1, v8  }
0xc5: {  	v11 =	vor.u32 v2, v58  }
0xc6: {  	v12 =	vor.u32 v2, v59  }
0xc7: {  	v9 =	vmul.f32 v16, v9;
	_ =	sdelay $0x1  }
0xc8: {  	[tilespmem:v10+s8+$0x0] =	vst.idx.msk $0xffff, v9  }
0xc9: {  	v9 =	vld.idx.msk [tilespmem:v11+s16+$0x0], $0xffff  }
0xca: {  	v10 =	vld.idx.msk [tilespmem:v12+s17+$0x0], $0xffff  }
0xcb: {  	v17 =	vbroadcast v4, $0x3  }
0xcc: {  	v18 =	vbroadcast v5, $0x3;
	v8 =	vor.u32 v3, v8  }
0xcd: {  	v19 =	vor.u32 v0, v17  }
0xce: {  	v20 =	vor.u32 v0, v18  }
0xcf: {  	v9 =	vmul.f32 v10, v9  }
0xd0: {  	s21 =	sadd.s32 $0xFFFFFFF4, s19  }
0xd1: {  	v21 =	vmov s21;
	[tilespmem:v8+s8+$0x0] =	vst.idx.msk $0xffff, v9  }
0xd2: {  	v22 =	vshll.u32 v21, $0x3;
	(v2sf) =	vpush v7, $0xC;
	s16 =	simm.s32 $0xF400;
	v9 =	vld.idx.msk [tilespmem:v19+s18+$0x0], $0xffff  }
0xd3: {  	v10 =	vand.u32 $0xC00, v22;
	v8 =	vand.u32 $0x73, v21;
	v23 =	vld.idx.msk [tilespmem:v20+s16+$0x0], $0xffff  }
0xd4: {  	v8 =	vor.u32 v8, v10  }
0xd5: {  	v10 =	vor.u32 v1, v8  }
0xd6: {  	(v2sf) =	vpush v6, $0xC;
	v11 =	vor.u32 v2, v17  }
0xd7: {  	v12 =	vor.u32 v2, v18  }
0xd8: {  	v9 =	vmul.f32 v23, v9;
	_ =	sdelay $0x1  }
0xd9: {  	(v2sf) =	vpush v7, $0xD;
	[tilespmem:v10+s8+$0x0] =	vst.idx.msk $0xffff, v9  }
0xda: {  	v9 =	vld.idx.msk [tilespmem:v11+s18+$0x0], $0xffff  }
0xdb: {  	v10 =	vld.idx.msk [tilespmem:v12+s16+$0x0], $0xffff;
	_ =	sdelay $0x1  }
0xdc: {  	(v2sf) =	vpush v6, $0xD;
	v8 =	vor.u32 v3, v8;
	_ =	sdelay $0x2  }
0xdd: {  	s21 =	spop (v2sf);
	v9 =	vmul.f32 v10, v9  }
0xde: {  	(v2sf) =	vpush v7, $0xE;
	s21 =	sand.u32 $0x1FFFFF80, s21  }
0xdf: {  	s21 =	sadd.s32 s1, s21;
	[tilespmem:v8+s8+$0x0] =	vst.idx.msk $0xffff, v9  }
0xe0: {  	[tilespmem:s11], [sflag:$0x1] =	stream.strided.gather [hbm4b:s21+s11], $0x1000, s10, s11, $0x38;
	[tilespmem:$0x1C400] =	vst v63  }
0xe1: {  	s21 =	spop (v2sf)  }
0xe2: {  	(v2sf) =	vpush v6, $0xE;
	s21 =	sand.u32 $0x1FFFFF80, s21  }
0xe3: {  	s21 =	sadd.s32 s2, s21  }
0xe4: {  	[tilespmem:s13], [sflag:$0x2] =	stream.strided.gather [hbm4b:s21+s11], $0x1000, s10, s11, $0x38;
	[tilespmem:$0x1C400] =	vst v63  }
0xe5: {  	s21 =	spop (v2sf)  }
0xe6: {  	(v2sf) =	vpush v7, $0xF;
	s21 =	sand.u32 $0x1FFFFF80, s21  }
0xe7: {  	s21 =	sadd.s32 s1, s21  }
0xe8: {  	[tilespmem:s14], [sflag:$0x1] =	stream.strided.gather [hbm4b:s21+s11], $0x1000, s10, s11, $0x38;
	[tilespmem:$0x1C400] =	vst v63  }
0xe9: {  	s21 =	spop (v2sf)  }
0xea: {  	(v2sf) =	vpush v6, $0xF;
	s21 =	sand.u32 $0x1FFFFF80, s21  }
0xeb: {  	s21 =	sadd.s32 s2, s21  }
0xec: {  	[tilespmem:s15], [sflag:$0x2] =	stream.strided.gather [hbm4b:s21+s11], $0x1000, s10, s11, $0x38;
	[tilespmem:$0x1C400] =	vst v63  }
0xed: {  	s21 =	spop (v2sf)  }
0xee: {  	s21 =	sand.u32 $0x1FFFFF80, s21  }
0xef: {  	s13 =	simm.s32 $0x2400;
	s21 =	sadd.s32 s1, s21  }
0xf0: {  	[tilespmem:s13], [sflag:$0x1] =	stream.strided.gather [hbm4b:s21+s11], $0x1000, s10, s11, $0x38;
	[tilespmem:$0x1C400] =	vst v63  }
0xf1: {  	s21 =	spop (v2sf)  }
0xf2: {  	s21 =	sand.u32 $0x1FFFFF80, s21  }
0xf3: {  	s14 =	simm.s32 $0xE400;
	s21 =	sadd.s32 s2, s21  }
0xf4: {  	[tilespmem:s14], [sflag:$0x2] =	stream.strided.gather [hbm4b:s21+s11], $0x1000, s10, s11, $0x38;
	[tilespmem:$0x1C400] =	vst v63  }
0xf5: {  	s21 =	spop (v2sf)  }
0xf6: {  	s21 =	sand.u32 $0x1FFFFF80, s21  }
0xf7: {  	s15 =	simm.s32 $0x3400;
	s21 =	sadd.s32 s1, s21  }
0xf8: {  	[tilespmem:s15], [sflag:$0x1] =	stream.strided.gather [hbm4b:s21+s11], $0x1000, s10, s11, $0x38;
	[tilespmem:$0x1C400] =	vst v63  }
0xf9: {  	s21 =	spop (v2sf)  }
0xfa: {  	s21 =	sand.u32 $0x1FFFFF80, s21  }
0xfb: {  	s21 =	sadd.s32 s2, s21  }
0xfc: {  	[tilespmem:s16], [sflag:$0x2] =	stream.strided.gather [hbm4b:s21+s11], $0x1000, s10, s11, $0x38;
	[tilespmem:$0x1C400] =	vst v63  }
0xfd: {  	_ =	swait.ge [sflag:s6], $0x1000  }
0xfe: {  	[sflag:s6] =	ssyncset.done $0x0  }
0xff: {  	[sflag:s6] =	ssyncadd.s32 $0xFFFFF000  }
0x100: {  	_ =	swait.ge [sflag:s7], $0x1000  }
0x101: {  	[sflag:s7] =	ssyncset.done $0x0  }
0x102: {  	[sflag:s7] =	ssyncadd.s32 $0xFFFFF000  }
0x103: {  	_ =	swait.ge [sflag:s6], $0x1000  }
0x104: {  	[sflag:s6] =	ssyncset.done $0x0  }
0x105: {  	[sflag:s6] =	ssyncadd.s32 $0xFFFFF000  }
0x106: {  	_ =	swait.ge [sflag:s7], $0x1000  }
0x107: {  	[sflag:s7] =	ssyncset.done $0x0  }
0x108: {  	[sflag:s7] =	ssyncadd.s32 $0xFFFFF000  }
0x109: {  	_ =	swait.ge [sflag:s6], $0x1000  }
0x10a: {  	[sflag:s6] =	ssyncset.done $0x0  }
0x10b: {  	[sflag:s6] =	ssyncadd.s32 $0xFFFFF000  }
0x10c: {  	_ =	swait.ge [sflag:s7], $0x1000  }
0x10d: {  	[sflag:s7] =	ssyncset.done $0x0  }
0x10e: {  	v24 =	vbroadcast v4, $0x4;
	[sflag:s7] =	ssyncadd.s32 $0xFFFFF000  }
0x10f: {  	v25 =	vbroadcast v5, $0x4;
	_ =	swait.ge [sflag:s6], $0x1000  }
0x110: {  	v26 =	vor.u32 v0, v24;
	[sflag:s6] =	ssyncset.done $0x0  }
0x111: {  	v27 =	vor.u32 v0, v25;
	[sflag:s6] =	ssyncadd.s32 $0xFFFFF000  }
0x112: {  	_ =	swait.ge [sflag:s7], $0x1000  }
0x113: {  	s21 =	sadd.s32 $0xFFFFFFF5, s19;
	[sflag:s7] =	ssyncset.done $0x0  }
0x114: {  	v28 =	vmov s21;
	[sflag:s7] =	ssyncadd.s32 $0xFFFFF000  }
0x115: {  	v29 =	vshll.u32 v28, $0x3;
	v8 =	vld.idx.msk [tilespmem:v26+s25+$0x0], $0xffff  }
0x116: {  	v10 =	vand.u32 $0x74, v28;
	v11 =	vand.u32 $0xC00, v29;
	v9 =	vld.idx.msk [tilespmem:v27+s26+$0x0], $0xffff  }
0x117: {  	v10 =	vor.u32 v10, v11  }
0x118: {  	v11 =	vor.u32 v1, v10  }
0x119: {  	v6 =	vor.u32 v2, v24  }
0x11a: {  	v7 =	vor.u32 v2, v25  }
0x11b: {  	v8 =	vmul.f32 v9, v8;
	_ =	sdelay $0x1  }
0x11c: {  	[tilespmem:v11+s8+$0x0] =	vst.idx.msk $0xffff, v8  }
0x11d: {  	v6 =	vld.idx.msk [tilespmem:v6+s25+$0x0], $0xffff  }
0x11e: {  	v7 =	vld.idx.msk [tilespmem:v7+s26+$0x0], $0xffff  }
0x11f: {  	v30 =	vbroadcast v4, $0x5  }
0x120: {  	v32 =	vbroadcast v5, $0x5;
	v31 =	vor.u32 v3, v10  }
0x121: {  	v33 =	vor.u32 v0, v30  }
0x122: {  	v34 =	vor.u32 v0, v32  }
0x123: {  	v6 =	vmul.f32 v7, v6  }
0x124: {  	s21 =	sadd.s32 $0xFFFFFFF6, s19  }
0x125: {  	v35 =	vmov s21;
	[tilespmem:v31+s8+$0x0] =	vst.idx.msk $0xffff, v6  }
0x126: {  	v37 =	vshll.u32 v35, $0x3;
	v36 =	vld.idx.msk [tilespmem:v33+s28+$0x0], $0xffff  }
0x127: {  	v9 =	vand.u32 $0xC00, v37;
	v6 =	vand.u32 $0x75, v35;
	v38 =	vld.idx.msk [tilespmem:v34+s29+$0x0], $0xffff  }
0x128: {  	v6 =	vor.u32 v6, v9  }
0x129: {  	v9 =	vor.u32 v1, v6  }
0x12a: {  	v8 =	vor.u32 v2, v30  }
0x12b: {  	v10 =	vor.u32 v2, v32  }
0x12c: {  	v7 =	vmul.f32 v38, v36;
	_ =	sdelay $0x1  }
0x12d: {  	[tilespmem:v9+s8+$0x0] =	vst.idx.msk $0xffff, v7  }
0x12e: {  	v7 =	vld.idx.msk [tilespmem:v8+s28+$0x0], $0xffff  }
0x12f: {  	v39 =	vld.idx.msk [tilespmem:v10+s29+$0x0], $0xffff  }
0x130: {  	v40 =	vbroadcast v4, $0x6  }
0x131: {  	v41 =	vbroadcast v5, $0x6;
	v6 =	vor.u32 v3, v6  }
0x132: {  	v42 =	vor.u32 v0, v40  }
0x133: {  	v43 =	vor.u32 v0, v41  }
0x134: {  	v7 =	vmul.f32 v39, v7  }
0x135: {  	s21 =	sadd.s32 $0xFFFFFFF7, s19  }
0x136: {  	v44 =	vmov s21;
	[tilespmem:v6+s8+$0x0] =	vst.idx.msk $0xffff, v7  }
0x137: {  	v45 =	vshll.u32 v44, $0x3;
	v7 =	vld.idx.msk [tilespmem:v42+s30+$0x0], $0xffff  }
0x138: {  	v8 =	vand.u32 $0xC00, v45;
	v6 =	vand.u32 $0x76, v44;
	v46 =	vld.idx.msk [tilespmem:v43+s31+$0x0], $0xffff  }
0x139: {  	v6 =	vor.u32 v6, v8  }
0x13a: {  	v8 =	vor.u32 v1, v6  }
0x13b: {  	v9 =	vor.u32 v2, v40  }
0x13c: {  	v10 =	vor.u32 v2, v41  }
0x13d: {  	v7 =	vmul.f32 v46, v7;
	_ =	sdelay $0x1  }
0x13e: {  	[tilespmem:v8+s8+$0x0] =	vst.idx.msk $0xffff, v7  }
0x13f: {  	v7 =	vld.idx.msk [tilespmem:v9+s30+$0x0], $0xffff  }
0x140: {  	v8 =	vld.idx.msk [tilespmem:v10+s31+$0x0], $0xffff  }
0x141: {  	v47 =	vbroadcast v4, $0x7  }
0x142: {  	v48 =	vbroadcast v5, $0x7;
	v6 =	vor.u32 v3, v6  }
0x143: {  	v49 =	vor.u32 v0, v47  }
0x144: {  	v50 =	vor.u32 v0, v48  }
0x145: {  	v7 =	vmul.f32 v8, v7  }
0x146: {  	s21 =	sadd.s32 $0xFFFFFFF8, s19  }
0x147: {  	v51 =	vmov s21;
	[tilespmem:v6+s8+$0x0] =	vst.idx.msk $0xffff, v7  }
0x148: {  	v52 =	vshll.u32 v51, $0x3;
	v7 =	vld.idx.msk [tilespmem:v49+s0+$0x0], $0xffff  }
0x149: {  	v8 =	vand.u32 $0xC00, v52;
	v6 =	vand.u32 $0x77, v51;
	v53 =	vld.idx.msk [tilespmem:v50+s3+$0x0], $0xffff  }
0x14a: {  	v6 =	vor.u32 v6, v8  }
0x14b: {  	v8 =	vor.u32 v1, v6  }
0x14c: {  	v9 =	vor.u32 v2, v47  }
0x14d: {  	v10 =	vor.u32 v2, v48  }
0x14e: {  	v7 =	vmul.f32 v53, v7;
	_ =	sdelay $0x1  }
0x14f: {  	[tilespmem:v8+s8+$0x0] =	vst.idx.msk $0xffff, v7  }
0x150: {  	v7 =	vld.idx.msk [tilespmem:v9+s0+$0x0], $0xffff  }
0x151: {  	v8 =	vld.idx.msk [tilespmem:v10+s3+$0x0], $0xffff;
	_ =	sdelay $0x1  }
0x152: {  	v6 =	vor.u32 v3, v6;
	_ =	sdelay $0x2  }
0x153: {  	v7 =	vmul.f32 v8, v7;
	_ =	sdelay $0x1  }
0x154: {  	[tilespmem:v6+s8+$0x0] =	vst.idx.msk $0xffff, v7  }
0x155: {  	_ =	swait.ge [sflag:s6], $0x1000  }
0x156: {  	[sflag:s6] =	ssyncset.done $0x0  }
0x157: {  	[sflag:s6] =	ssyncadd.s32 $0xFFFFF000  }
0x158: {  	_ =	swait.ge [sflag:s7], $0x1000  }
0x159: {  	[sflag:s7] =	ssyncset.done $0x0  }
0x15a: {  	[sflag:s7] =	ssyncadd.s32 $0xFFFFF000  }
0x15b: {  	_ =	swait.ge [sflag:s6], $0x1000  }
0x15c: {  	[sflag:s6] =	ssyncset.done $0x0  }
0x15d: {  	[sflag:s6] =	ssyncadd.s32 $0xFFFFF000  }
0x15e: {  	_ =	swait.ge [sflag:s7], $0x1000  }
0x15f: {  	[sflag:s7] =	ssyncset.done $0x0  }
0x160: {  	[sflag:s7] =	ssyncadd.s32 $0xFFFFF000  }
0x161: {  	_ =	swait.ge [sflag:s6], $0x1000  }
0x162: {  	[sflag:s6] =	ssyncset.done $0x0  }
0x163: {  	[sflag:s6] =	ssyncadd.s32 $0xFFFFF000  }
0x164: {  	_ =	swait.ge [sflag:s7], $0x1000  }
0x165: {  	[sflag:s7] =	ssyncset.done $0x0  }
0x166: {  	v54 =	vbroadcast v4, $0x8;
	[sflag:s7] =	ssyncadd.s32 $0xFFFFF000  }
0x167: {  	v55 =	vbroadcast v5, $0x8;
	_ =	swait.ge [sflag:s6], $0x1000  }
0x168: {  	v56 =	vor.u32 v0, v54;
	[sflag:s6] =	ssyncset.done $0x0  }
0x169: {  	v57 =	vor.u32 v0, v55;
	[sflag:s6] =	ssyncadd.s32 $0xFFFFF000  }
0x16a: {  	_ =	swait.ge [sflag:s7], $0x1000  }
0x16b: {  	s3 =	sadd.s32 $0xFFFFFFF9, s19;
	[sflag:s7] =	ssyncset.done $0x0  }
0x16c: {  	v58 =	vmov s3;
	[sflag:s7] =	ssyncadd.s32 $0xFFFFF000  }
0x16d: {  	v59 =	vshll.u32 v58, $0x3;
	v8 =	vld.idx.msk [tilespmem:v56+s4+$0x0], $0xffff  }
0x16e: {  	v10 =	vand.u32 $0x78, v58;
	v11 =	vand.u32 $0xC00, v59;
	v9 =	vld.idx.msk [tilespmem:v57+s5+$0x0], $0xffff  }
0x16f: {  	v10 =	vor.u32 v10, v11  }
0x170: {  	v11 =	vor.u32 v1, v10  }
0x171: {  	v6 =	vor.u32 v2, v54  }
0x172: {  	v7 =	vor.u32 v2, v55  }
0x173: {  	v8 =	vmul.f32 v9, v8;
	_ =	sdelay $0x1  }
0x174: {  	[tilespmem:v11+s8+$0x0] =	vst.idx.msk $0xffff, v8  }
0x175: {  	v6 =	vld.idx.msk [tilespmem:v6+s4+$0x0], $0xffff  }
0x176: {  	v7 =	vld.idx.msk [tilespmem:v7+s5+$0x0], $0xffff  }
0x177: {  	v60 =	vbroadcast v4, $0x9  }
0x178: {  	v62 =	vbroadcast v5, $0x9;
	v61 =	vor.u32 v3, v10  }
0x179: {  	v63 =	vor.u32 v0, v60  }
0x17a: {  	v16 =	vor.u32 v0, v62  }
0x17b: {  	v6 =	vmul.f32 v7, v6  }
0x17c: {  	s0 =	sadd.s32 $0xFFFFFFFA, s19  }
0x17d: {  	v17 =	vmov s0;
	[tilespmem:v61+s8+$0x0] =	vst.idx.msk $0xffff, v6  }
0x17e: {  	v19 =	vshll.u32 v17, $0x3;
	v18 =	vld.idx.msk [tilespmem:v63+s22+$0x0], $0xffff  }
0x17f: {  	v9 =	vand.u32 $0xC00, v19;
	v6 =	vand.u32 $0x79, v17;
	v20 =	vld.idx.msk [tilespmem:v16+s23+$0x0], $0xffff  }
0x180: {  	v6 =	vor.u32 v6, v9  }
0x181: {  	v9 =	vor.u32 v1, v6  }
0x182: {  	v8 =	vor.u32 v2, v60  }
0x183: {  	v10 =	vor.u32 v2, v62  }
0x184: {  	v7 =	vmul.f32 v20, v18;
	_ =	sdelay $0x1  }
0x185: {  	[tilespmem:v9+s8+$0x0] =	vst.idx.msk $0xffff, v7  }
0x186: {  	v7 =	vld.idx.msk [tilespmem:v8+s22+$0x0], $0xffff  }
0x187: {  	v21 =	vld.idx.msk [tilespmem:v10+s23+$0x0], $0xffff  }
0x188: {  	v22 =	vbroadcast v4, $0xA  }
0x189: {  	v23 =	vbroadcast v5, $0xA;
	v6 =	vor.u32 v3, v6  }
0x18a: {  	v24 =	vor.u32 v0, v22  }
0x18b: {  	v25 =	vor.u32 v0, v23  }
0x18c: {  	v7 =	vmul.f32 v21, v7  }
0x18d: {  	s3 =	sadd.s32 $0xFFFFFFFB, s19  }
0x18e: {  	s21 =	simm.s32 $0xA400;
	v26 =	vmov s3;
	[tilespmem:v6+s8+$0x0] =	vst.idx.msk $0xffff, v7  }
0x18f: {  	v27 =	vshll.u32 v26, $0x3;
	v7 =	vld.idx.msk [tilespmem:v24+s21+$0x0], $0xffff  }
0x190: {  	v8 =	vand.u32 $0xC00, v27;
	v6 =	vand.u32 $0x7A, v26;
	v28 =	vld.idx.msk [tilespmem:v25+s12+$0x0], $0xffff  }
0x191: {  	v6 =	vor.u32 v6, v8  }
0x192: {  	v8 =	vor.u32 v1, v6  }
0x193: {  	v9 =	vor.u32 v2, v22  }
0x194: {  	v10 =	vor.u32 v2, v23  }
0x195: {  	v7 =	vmul.f32 v28, v7;
	_ =	sdelay $0x1  }
0x196: {  	[tilespmem:v8+s8+$0x0] =	vst.idx.msk $0xffff, v7  }
0x197: {  	v7 =	vld.idx.msk [tilespmem:v9+s21+$0x0], $0xffff  }
0x198: {  	v8 =	vld.idx.msk [tilespmem:v10+s12+$0x0], $0xffff  }
0x199: {  	v29 =	vbroadcast v4, $0xB  }
0x19a: {  	v30 =	vbroadcast v5, $0xB;
	v6 =	vor.u32 v3, v6  }
0x19b: {  	v31 =	vor.u32 v0, v29  }
0x19c: {  	v32 =	vor.u32 v0, v30  }
0x19d: {  	v7 =	vmul.f32 v8, v7  }
0x19e: {  	s3 =	sadd.s32 $0xFFFFFFFC, s19  }
0x19f: {  	v33 =	vmov s3;
	s21 =	simm.s32 $0xB400;
	[tilespmem:v6+s8+$0x0] =	vst.idx.msk $0xffff, v7  }
0x1a0: {  	s24 =	simm.s32 $0x17400;
	v34 =	vshll.u32 v33, $0x3;
	v7 =	vld.idx.msk [tilespmem:v31+s21+$0x0], $0xffff  }
0x1a1: {  	v8 =	vand.u32 $0xC00, v34;
	v6 =	vand.u32 $0x7B, v33;
	v35 =	vld.idx.msk [tilespmem:v32+s24+$0x0], $0xffff  }
0x1a2: {  	v6 =	vor.u32 v6, v8  }
0x1a3: {  	v8 =	vor.u32 v1, v6  }
0x1a4: {  	v9 =	vor.u32 v2, v29  }
0x1a5: {  	v10 =	vor.u32 v2, v30  }
0x1a6: {  	v7 =	vmul.f32 v35, v7;
	_ =	sdelay $0x1  }
0x1a7: {  	[tilespmem:v8+s8+$0x0] =	vst.idx.msk $0xffff, v7  }
0x1a8: {  	v7 =	vld.idx.msk [tilespmem:v9+s21+$0x0], $0xffff  }
0x1a9: {  	v8 =	vld.idx.msk [tilespmem:v10+s24+$0x0], $0xffff;
	_ =	sdelay $0x1  }
0x1aa: {  	v6 =	vor.u32 v3, v6;
	_ =	sdelay $0x2  }
0x1ab: {  	v7 =	vmul.f32 v8, v7;
	_ =	sdelay $0x1  }
0x1ac: {  	[tilespmem:v6+s8+$0x0] =	vst.idx.msk $0xffff, v7  }
0x1ad: {  	_ =	swait.ge [sflag:s6], $0x1000  }
0x1ae: {  	[sflag:s6] =	ssyncset.done $0x0  }
0x1af: {  	[sflag:s6] =	ssyncadd.s32 $0xFFFFF000  }
0x1b0: {  	_ =	swait.ge [sflag:s7], $0x1000  }
0x1b1: {  	[sflag:s7] =	ssyncset.done $0x0  }
0x1b2: {  	[sflag:s7] =	ssyncadd.s32 $0xFFFFF000  }
0x1b3: {  	_ =	swait.ge [sflag:s6], $0x1000  }
0x1b4: {  	[sflag:s6] =	ssyncset.done $0x0  }
0x1b5: {  	[sflag:s6] =	ssyncadd.s32 $0xFFFFF000  }
0x1b6: {  	_ =	swait.ge [sflag:s7], $0x1000  }
0x1b7: {  	[sflag:s7] =	ssyncset.done $0x0  }
0x1b8: {  	[sflag:s7] =	ssyncadd.s32 $0xFFFFF000  }
0x1b9: {  	_ =	swait.ge [sflag:s6], $0x1000  }
0x1ba: {  	[sflag:s6] =	ssyncset.done $0x0  }
0x1bb: {  	[sflag:s6] =	ssyncadd.s32 $0xFFFFF000  }
0x1bc: {  	_ =	swait.ge [sflag:s7], $0x1000  }
0x1bd: {  	[sflag:s7] =	ssyncset.done $0x0  }
0x1be: {  	v36 =	vbroadcast v4, $0xC;
	[sflag:s7] =	ssyncadd.s32 $0xFFFFF000  }
0x1bf: {  	v37 =	vbroadcast v5, $0xC;
	_ =	swait.ge [sflag:s6], $0x1000  }
0x1c0: {  	v38 =	vor.u32 v0, v36;
	[sflag:s6] =	ssyncset.done $0x0  }
0x1c1: {  	v39 =	vor.u32 v0, v37;
	[sflag:s6] =	ssyncadd.s32 $0xFFFFF000  }
0x1c2: {  	_ =	swait.ge [sflag:s7], $0x1000  }
0x1c3: {  	s0 =	sadd.s32 $0xFFFFFFFD, s19;
	[sflag:s7] =	ssyncset.done $0x0  }
0x1c4: {  	v40 =	vmov s0;
	[sflag:s7] =	ssyncadd.s32 $0xFFFFF000  }
0x1c5: {  	v41 =	vshll.u32 v40, $0x3;
	s4 =	simm.s32 $0xC400;
	v8 =	vld.idx.msk [tilespmem:v38+s11+$0x0], $0xffff  }
0x1c6: {  	v11 =	vand.u32 $0xC00, v41;
	v10 =	vand.u32 $0x7C, v40;
	v9 =	vld.idx.msk [tilespmem:v39+s4+$0x0], $0xffff  }
0x1c7: {  	v10 =	vor.u32 v10, v11  }
0x1c8: {  	v11 =	vor.u32 v1, v10  }
0x1c9: {  	v6 =	vor.u32 v2, v36  }
0x1ca: {  	v7 =	vor.u32 v2, v37  }
0x1cb: {  	v8 =	vmul.f32 v9, v8;
	_ =	sdelay $0x1  }
0x1cc: {  	[tilespmem:v11+s8+$0x0] =	vst.idx.msk $0xffff, v8  }
0x1cd: {  	v6 =	vld.idx.msk [tilespmem:v6+s11+$0x0], $0xffff  }
0x1ce: {  	v7 =	vld.idx.msk [tilespmem:v7+s4+$0x0], $0xffff  }
0x1cf: {  	v42 =	vbroadcast v4, $0xD  }
0x1d0: {  	v44 =	vbroadcast v5, $0xD;
	v43 =	vor.u32 v3, v10  }
0x1d1: {  	v45 =	vor.u32 v0, v42  }
0x1d2: {  	v46 =	vor.u32 v0, v44  }
0x1d3: {  	v6 =	vmul.f32 v7, v6  }
0x1d4: {  	s3 =	sadd.s32 $0xFFFFFFFE, s19  }
0x1d5: {  	v47 =	vmov s3;
	s5 =	simm.s32 $0x1400;
	[tilespmem:v43+s8+$0x0] =	vst.idx.msk $0xffff, v6  }
0x1d6: {  	v49 =	vshll.u32 v47, $0x3;
	s12 =	simm.s32 $0xD400;
	v48 =	vld.idx.msk [tilespmem:v45+s5+$0x0], $0xffff  }
0x1d7: {  	v9 =	vand.u32 $0xC00, v49;
	v6 =	vand.u32 $0x7D, v47;
	v50 =	vld.idx.msk [tilespmem:v46+s12+$0x0], $0xffff  }
0x1d8: {  	v6 =	vor.u32 v6, v9  }
0x1d9: {  	v9 =	vor.u32 v1, v6  }
0x1da: {  	v8 =	vor.u32 v2, v42  }
0x1db: {  	v10 =	vor.u32 v2, v44  }
0x1dc: {  	v7 =	vmul.f32 v50, v48;
	_ =	sdelay $0x1  }
0x1dd: {  	[tilespmem:v9+s8+$0x0] =	vst.idx.msk $0xffff, v7  }
0x1de: {  	v7 =	vld.idx.msk [tilespmem:v8+s5+$0x0], $0xffff  }
0x1df: {  	v51 =	vld.idx.msk [tilespmem:v10+s12+$0x0], $0xffff  }
0x1e0: {  	v52 =	vbroadcast v4, $0xE  }
0x1e1: {  	v53 =	vbroadcast v5, $0xE;
	v6 =	vor.u32 v3, v6  }
0x1e2: {  	v54 =	vor.u32 v0, v52  }
0x1e3: {  	v55 =	vor.u32 v0, v53  }
0x1e4: {  	v7 =	vmul.f32 v51, v7  }
0x1e5: {  	s24 =	sadd.s32 $0xFFFFFFFF, s19  }
0x1e6: {  	v56 =	vmov s24;
	[tilespmem:v6+s8+$0x0] =	vst.idx.msk $0xffff, v7  }
0x1e7: {  	v57 =	vshll.u32 v56, $0x3;
	v6 =	vld.idx.msk [tilespmem:v54+s13+$0x0], $0xffff  }
0x1e8: {  	v8 =	vand.u32 $0x7E, v56;
	v7 =	vand.u32 $0xC00, v57;
	v58 =	vld.idx.msk [tilespmem:v55+s14+$0x0], $0xffff  }
0x1e9: {  	v7 =	vor.u32 v8, v7  }
0x1ea: {  	v8 =	vor.u32 v1, v7  }
0x1eb: {  	v9 =	vor.u32 v2, v52  }
0x1ec: {  	v10 =	vor.u32 v2, v53  }
0x1ed: {  	v6 =	vmul.f32 v58, v6;
	_ =	sdelay $0x1  }
0x1ee: {  	[tilespmem:v8+s8+$0x0] =	vst.idx.msk $0xffff, v6  }
0x1ef: {  	v6 =	vld.idx.msk [tilespmem:v9+s13+$0x0], $0xffff  }
0x1f0: {  	v8 =	vld.idx.msk [tilespmem:v10+s14+$0x0], $0xffff  }
0x1f1: {  	v4 =	vbroadcast v4, $0xF  }
0x1f2: {  	v5 =	vbroadcast v5, $0xF;
	v7 =	vor.u32 v3, v7  }
0x1f3: {  	v59 =	vor.u32 v0, v4  }
0x1f4: {  	v60 =	vor.u32 v0, v5  }
0x1f5: {  	v6 =	vmul.f32 v8, v6;
	_ =	sdelay $0x1  }
0x1f6: {  	v61 =	vmov s19;
	[tilespmem:v7+s8+$0x0] =	vst.idx.msk $0xffff, v6  }
0x1f7: {  	v62 =	vshll.u32 v61, $0x3;
	v7 =	vld.idx.msk [tilespmem:v59+s15+$0x0], $0xffff  }
0x1f8: {  	v8 =	vand.u32 $0xC00, v62;
	v6 =	vand.u32 $0x7F, v61;
	v63 =	vld.idx.msk [tilespmem:v60+s16+$0x0], $0xffff  }
0x1f9: {  	v6 =	vor.u32 v6, v8  }
0x1fa: {  	v8 =	vor.u32 v1, v6  }
0x1fb: {  	v4 =	vor.u32 v2, v4  }
0x1fc: {  	v5 =	vor.u32 v2, v5  }
0x1fd: {  	v7 =	vmul.f32 v63, v7;
	_ =	sdelay $0x1  }
0x1fe: {  	[tilespmem:v8+s8+$0x0] =	vst.idx.msk $0xffff, v7  }
0x1ff: {  	v4 =	vld.idx.msk [tilespmem:v4+s15+$0x0], $0xffff  }
0x200: {  	v5 =	vld.idx.msk [tilespmem:v5+s16+$0x0], $0xffff;
	_ =	sdelay $0x1  }
0x201: {  	p0 =	sne.s32 s19, $0x1FF;
	v6 =	vor.u32 v3, v6  }
.Ltmp0:
0x202: {  	_ = 	snop;
	(pc) =	sbr.rel @p0 .LBB2_2-.Ltmp0, $3  }
0x203: {  	_ = 	snop  }
0x204: {  	v4 =	vmul.f32 v5, v4;
	_ =	sdelay $0x1  }
0x205: {  	s20 =	sadd.s32 $0x10, s20;
	s9 =	sadd.s32 $0x10, s9;
	s19 =	sadd.s32 $0x10, s19;
	[tilespmem:v6+s8+$0x0] =	vst.idx.msk $0xffff, v4  }
0x206: {  	s9 =	rddreg [dreg:$0x8]  }
0x207: {  	s0 =	simm.s32 $0x1000;
	s3 =	simm.s32 $0x20000;
	s21 =	simm.s32 $0x3  }
0x208: {  	[hbm4b:s9+s0] =	stream.strided.scatter [tilespmem:s8], [sflag:$0x3], $0x4000, s3, s0, $0x38;
	[tilespmem:$0x1C400] =	vst v63  }
0x209: {  	_ =	swait.ge [sflag:s21], $0x4000  }
0x20a: {  	s20 =	rddreg [dreg:$0xa]  }
0x20b: {  	s24 =	rddreg [dreg:$0x9];
	s0 =	sadd.s32 $0x1, s20  }
0x20c: {  	p0 =	sne.s32 s0, s24  }
.Ltmp1:
0x20d: {  	_ = 	snop;
	(pc) =	sbr.rel @p0 .LBB2_1-.Ltmp1, $3  }
0x20e: {  	_ =	sdelay $0x1  }
0x20f: {  	[sflag:s21] =	ssyncset.done $0x0  }
0x210: {  	[sflag:s21] =	ssyncadd.s32 $0xFFFFC000  }
0x211: {  	_ =	sfence.sel $0x180000  }
0x212: {  	[bflag:$0x0] =	sbarrier.arrive $0xFFFF  }
0x213: {  	_ =	strace $0x90000047  }
0x214: {  	s0 =	stileid.u32;
	[bflag:$0x2] =	sbarrier.arrive $0xFFFF  }
0x215: {  	p0 =	sne.s32 s0, $0x0;
	s0 =	rddreg [dreg:$0x5]  }
0x216: {  	s0 =	sadd.s32 @!p0 $0x100000, s0  }
0x217: {  	[sflag:s0] =	ssyncadd.tile.s32 @!p0 $0x1;
	_ =	shalt  }
.Lfunc_end2:
_tile_overlayer_lowered:
.L_overlay_start_2:
0x218: {  	(tag) =	ssettag $0x2  }
0x219: {  	s0 =	rddreg [dreg:$0x0];
	s2 =	stileid.u32  }
0x21a: {  	s1 =	rddreg [dreg:$0x1];
	p0 =	sne.s32 s2, $0x0  }
0x21b: {  	s3 =	rddreg [dreg:$0x2];
	[bflag:$0x3] =	sbarrier.arrive $0xFFFF;
	s2 =	simm.s32 @!p0 $0x1C03  }
0x21c: {  	[timem:s3], [sflag:s2] =	dma.local @!p0 [hbm:s0], s1  }
0x21d: {  	s0 =	simm.s32 @!p0 $0x3  }
0x21e: {  	_ =	swait.ge @!p0 [sflag:s0], s1  }
0x21f: {  	s1 =	ssub.s32 @!p0 $0x0, s1;
	[sflag:s0] =	ssyncset.done @!p0 $0x0  }
0x220: {  	[sflag:s0] =	ssyncadd.s32 @!p0 s1  }
0x221: {  	[bflag:$0x3] =	sbarrier.arrive $0xFFFF  }
0x222: {  	_ =	shalt  }

</sc_bundles>
